<compile_context>
chip_gen: v7x
topology: tpu7x:2x2x1
jax: 0.10.2.dev20260603
libtpu: 0.0.44.dev20260713+nightly
codegen_flags: <defaults>
</compile_context>

<pallas_src>
import functools

import jax
import jax.numpy as jnp
from jax import lax
from jax.experimental import pallas as pl
from jax.experimental.pallas import tpu as pltpu
from jax.experimental.pallas import tpu_sc as plsc

N = 10000
NPAD = 10240
E = 320000
D = 128

NC = 2
NS = 16
NW = NC * NS
CH = 128
EPW = 10240
PADE = EPW - E // NW
NCHUNK = EPW // CH
RPT = NPAD // NS

BN = 1024
GRID = NPAD // BN

@functools.cache
def _make_deg_kernel():
    mesh = plsc.VectorSubcoreMesh(core_axis_name="c", subcore_axis_name="s")
    return functools.partial(
        pl.kernel,
        mesh=mesh,
        out_type=jax.ShapeDtypeStruct((NC, 2, NPAD), jnp.float32),
        scratch_types=[
            pltpu.VMEM((CH,), jnp.int32),
            pltpu.VMEM((CH,), jnp.int32),
            pltpu.VMEM((CH,), jnp.int32),
            pltpu.VMEM((CH,), jnp.int32),
            pltpu.VMEM((CH,), jnp.float32),
            pltpu.VMEM((CH,), jnp.float32),
            pltpu.VMEM((RPT,), jnp.float32),
            pltpu.VMEM_SHARED((NPAD,), jnp.float32),
            pltpu.VMEM_SHARED((NPAD,), jnp.float32),
        ] + [pltpu.SemaphoreType.DMA] * 8,
    )(_deg_body)


def _deg_body(src_hbm, dst_hbm, out_hbm, sb0, sb1, db0, db1, ones_v, zc_v,
              zbuf_v, dsrc_sh, ddst_sh, lsS0, lsS1, lsD0, lsD1, ssS0, ssS1,
              ssD0, ssD1):
    c = lax.axis_index("c")
    s = lax.axis_index("s")
    w = s * NC + c
    ebase = w * EPW

    zero16 = jnp.zeros((16,), jnp.float32)
    izero16 = jnp.zeros((16,), jnp.int32)
    for j in range(CH // 16):
        ones_v[pl.ds(16 * j, 16)] = zero16 + 1.0
        zc_v[pl.ds(16 * j, 16)] = zero16
        sb0[pl.ds(16 * j, 16)] = izero16
        sb1[pl.ds(16 * j, 16)] = izero16
        db0[pl.ds(16 * j, 16)] = izero16
        db1[pl.ds(16 * j, 16)] = izero16
    for j in range(RPT // 16):
        zbuf_v[pl.ds(16 * j, 16)] = zero16

    pltpu.sync_copy(zbuf_v, dsrc_sh.at[pl.ds(s * RPT, RPT)])
    pltpu.sync_copy(zbuf_v, ddst_sh.at[pl.ds(s * RPT, RPT)])
    plsc.subcore_barrier()

    pltpu.async_copy(zc_v, dsrc_sh.at[sb0], ssS0, add=True)
    pltpu.async_copy(zc_v, dsrc_sh.at[sb1], ssS1, add=True)
    pltpu.async_copy(zc_v, ddst_sh.at[db0], ssD0, add=True)
    pltpu.async_copy(zc_v, ddst_sh.at[db1], ssD1, add=True)

    def chunk(k, sb, db, lsS, lsD, ssS, ssD):
        pltpu.make_async_copy(ones_v, dsrc_sh.at[sb], ssS).wait()
        pltpu.async_copy(src_hbm.at[pl.ds(ebase + k * CH, CH)], sb, lsS)
        pltpu.make_async_copy(ones_v, ddst_sh.at[db], ssD).wait()
        pltpu.async_copy(dst_hbm.at[pl.ds(ebase + k * CH, CH)], db, lsD)
        pltpu.make_async_copy(src_hbm.at[pl.ds(ebase + k * CH, CH)], sb,
                              lsS).wait()
        pltpu.async_copy(ones_v, dsrc_sh.at[sb], ssS, add=True)
        pltpu.make_async_copy(dst_hbm.at[pl.ds(ebase + k * CH, CH)], db,
                              lsD).wait()
        pltpu.async_copy(ones_v, ddst_sh.at[db], ssD, add=True)

    def body(t, _):
        chunk(2 * t, sb0, db0, lsS0, lsD0, ssS0, ssD0)
        chunk(2 * t + 1, sb1, db1, lsS1, lsD1, ssS1, ssD1)
        return 0

    lax.fori_loop(0, NCHUNK // 2, body, 0)
    pltpu.make_async_copy(ones_v, dsrc_sh.at[sb0], ssS0).wait()
    pltpu.make_async_copy(ones_v, dsrc_sh.at[sb1], ssS1).wait()
    pltpu.make_async_copy(ones_v, ddst_sh.at[db0], ssD0).wait()
    pltpu.make_async_copy(ones_v, ddst_sh.at[db1], ssD1).wait()
    plsc.subcore_barrier()

    pltpu.sync_copy(dsrc_sh.at[pl.ds(s * RPT, RPT)],
                    out_hbm.at[c, 0, pl.ds(s * RPT, RPT)])
    pltpu.sync_copy(ddst_sh.at[pl.ds(s * RPT, RPT)],
                    out_hbm.at[c, 1, pl.ds(s * RPT, RPT)])


@functools.cache
def _make_agg_kernel():
    mesh = plsc.VectorSubcoreMesh(core_axis_name="c", subcore_axis_name="s")
    return functools.partial(
        pl.kernel,
        mesh=mesh,
        out_type=jax.ShapeDtypeStruct((NC, NPAD, D), jnp.float32),
        scratch_types=[
            pltpu.VMEM((EPW,), jnp.int32),
            pltpu.VMEM((CH,), jnp.int32),
            pltpu.VMEM((CH,), jnp.int32),
            pltpu.VMEM((CH, D), jnp.float32),
            pltpu.VMEM((CH, D), jnp.float32),
            pltpu.VMEM_SHARED((NPAD, D), jnp.float32),
            pltpu.SemaphoreType.DMA,
            pltpu.SemaphoreType.DMA,
            pltpu.SemaphoreType.DMA,
            pltpu.SemaphoreType.DMA,
            pltpu.SemaphoreType.DMA,
            pltpu.SemaphoreType.DMA,
            pltpu.SemaphoreType.DMA,
        ],
    )(_agg_body)


def _agg_body(table_hbm, src_hbm, dst_hbm, out_hbm, sidx_v, didx0, didx1,
              rows0, rows1, acc_sh, isem, gsem0, gsem1, ssem0, ssem1, dsem0,
              dsem1):
    c = lax.axis_index("c")
    s = lax.axis_index("s")
    w = s * NC + c
    ebase = w * EPW

    icp = pltpu.async_copy(src_hbm.at[pl.ds(ebase, EPW)], sidx_v, isem)

    zero16 = jnp.zeros((16,), jnp.float32)
    izero16 = jnp.zeros((16,), jnp.int32)
    for j in range(CH // 16):
        didx0[pl.ds(16 * j, 16)] = izero16
        didx1[pl.ds(16 * j, 16)] = izero16

    def zrow(i, _):
        for j in range(D // 16):
            rows0[i, pl.ds(16 * j, 16)] = zero16
            rows1[i, pl.ds(16 * j, 16)] = zero16
        return 0

    lax.fori_loop(0, CH, zrow, 0)
    for b in range(RPT // CH):
        pltpu.sync_copy(rows0, acc_sh.at[pl.ds(s * RPT + b * CH, CH)])
    icp.wait()
    plsc.subcore_barrier()

    pltpu.async_copy(rows0, acc_sh.at[didx0], ssem0, add=True)
    pltpu.async_copy(rows1, acc_sh.at[didx1], ssem1, add=True)

    def gath(k, rows, gsem):
        pltpu.async_copy(table_hbm.at[sidx_v.at[pl.ds(k * CH, CH)]], rows,
                         gsem)

    def wait_gath(k, rows, gsem):
        pltpu.make_async_copy(table_hbm.at[sidx_v.at[pl.ds(k * CH, CH)]],
                              rows, gsem).wait()

    def dload(k, didx, dsem):
        pltpu.async_copy(dst_hbm.at[pl.ds(ebase + k * CH, CH)], didx, dsem)

    def wait_dload(k, didx, dsem):
        pltpu.make_async_copy(dst_hbm.at[pl.ds(ebase + k * CH, CH)], didx,
                              dsem).wait()

    def scat(rows, didx, ssem):
        pltpu.async_copy(rows, acc_sh.at[didx], ssem, add=True)

    def wait_scat(rows, didx, ssem):
        pltpu.make_async_copy(rows, acc_sh.at[didx], ssem).wait()

    def body(t, _):
        k0 = 2 * t
        k1 = k0 + 1
        wait_scat(rows0, didx0, ssem0)
        gath(k0, rows0, gsem0)
        dload(k0, didx0, dsem0)
        wait_scat(rows1, didx1, ssem1)
        gath(k1, rows1, gsem1)
        dload(k1, didx1, dsem1)
        wait_gath(k0, rows0, gsem0)
        wait_dload(k0, didx0, dsem0)
        scat(rows0, didx0, ssem0)
        wait_gath(k1, rows1, gsem1)
        wait_dload(k1, didx1, dsem1)
        scat(rows1, didx1, ssem1)
        return 0

    lax.fori_loop(0, NCHUNK // 2, body, 0)

    wait_scat(rows0, didx0, ssem0)
    wait_scat(rows1, didx1, ssem1)
    plsc.subcore_barrier()

    pltpu.sync_copy(acc_sh.at[pl.ds(s * RPT, RPT)],
                    out_hbm.at[c, pl.ds(s * RPT, RPT)])


def _norm_body(dp_ref, x_ref, xs_ref, ns_ref, nd_ref):
    dp = dp_ref[...]
    deg_out = dp[0, 0] + dp[1, 0]
    deg_in = dp[0, 1] + dp[1, 1]
    ns = jnp.where(deg_out > 0, lax.rsqrt(jnp.maximum(deg_out, 1.0)), 0.0)
    nd = jnp.where(deg_in > 0, lax.rsqrt(jnp.maximum(deg_in, 1.0)), 0.0)
    ns_ref[...] = ns
    nd_ref[...] = nd
    xs_ref[...] = x_ref[...] * ns.reshape(BN, 1)


def _normscale(degp, x_pad):
    return pl.pallas_call(
        _norm_body,
        grid=(GRID,),
        in_specs=[
            pl.BlockSpec((NC, 2, BN), lambda i: (0, 0, i)),
            pl.BlockSpec((BN, D), lambda i: (i, 0)),
        ],
        out_specs=[
            pl.BlockSpec((BN, D), lambda i: (i, 0)),
            pl.BlockSpec((BN,), lambda i: (i,)),
            pl.BlockSpec((BN,), lambda i: (i,)),
        ],
        out_shape=[
            jax.ShapeDtypeStruct((NPAD, D), jnp.float32),
            jax.ShapeDtypeStruct((NPAD,), jnp.float32),
            jax.ShapeDtypeStruct((NPAD,), jnp.float32),
        ],
    )(degp, x_pad)


def _layer1_body(u_ref, nd_ref, ns_ref, w_ref, b_ref, hs_ref):
    u = u_ref[0] + u_ref[1]
    agg = u * nd_ref[...].reshape(BN, 1)
    h = jnp.dot(agg, w_ref[...], preferred_element_type=jnp.float32,
                precision=lax.Precision.HIGHEST) + b_ref[...]
    hs_ref[...] = h * ns_ref[...].reshape(BN, 1)


def _layer1(U1, nd, ns, W1, b1):
    return pl.pallas_call(
        _layer1_body,
        grid=(GRID,),
        in_specs=[
            pl.BlockSpec((NC, BN, D), lambda i: (0, i, 0)),
            pl.BlockSpec((BN,), lambda i: (i,)),
            pl.BlockSpec((BN,), lambda i: (i,)),
            pl.BlockSpec((D, D), lambda i: (0, 0)),
            pl.BlockSpec((D,), lambda i: (0,)),
        ],
        out_specs=pl.BlockSpec((BN, D), lambda i: (i, 0)),
        out_shape=jax.ShapeDtypeStruct((NPAD, D), jnp.float32),
    )(U1, nd, ns, W1, b1)


def _final_body(u_ref, nd_ref, wm_ref, bm_ref, ws_ref, bs_ref, noise_ref,
                z_ref):
    u = u_ref[0] + u_ref[1]
    agg = u * nd_ref[...].reshape(BN, 1)
    mean = jnp.dot(agg, wm_ref[...], preferred_element_type=jnp.float32,
                   precision=lax.Precision.HIGHEST) + bm_ref[...]
    logstd = jnp.dot(agg, ws_ref[...], preferred_element_type=jnp.float32,
                     precision=lax.Precision.HIGHEST) + bs_ref[...]
    z_ref[...] = noise_ref[...] * jnp.exp(logstd) + mean


def _final(U2, nd, Wm, bm, Ws, bs, noise_pad):
    return pl.pallas_call(
        _final_body,
        grid=(GRID,),
        in_specs=[
            pl.BlockSpec((NC, BN, D), lambda i: (0, i, 0)),
            pl.BlockSpec((BN,), lambda i: (i,)),
            pl.BlockSpec((D, D), lambda i: (0, 0)),
            pl.BlockSpec((D,), lambda i: (0,)),
            pl.BlockSpec((D, D), lambda i: (0, 0)),
            pl.BlockSpec((D,), lambda i: (0,)),
            pl.BlockSpec((BN, D), lambda i: (i, 0)),
        ],
        out_specs=pl.BlockSpec((BN, D), lambda i: (i, 0)),
        out_shape=jax.ShapeDtypeStruct((NPAD, D), jnp.float32),
    )(U2, nd, Wm, bm, Ws, bs, noise_pad)


def kernel(x, edge_index, W1, b1, Wm, bm, Ws, bs):
    pad_rows = N + jnp.arange(PADE, dtype=jnp.int32) % (NPAD - N)
    padb = jnp.broadcast_to(pad_rows, (NW, PADE))
    srcw = edge_index[0].astype(jnp.int32).reshape(NW, E // NW)
    dstw = edge_index[1].astype(jnp.int32).reshape(NW, E // NW)
    src = jnp.concatenate([srcw, padb], axis=1).reshape(-1)
    dst = jnp.concatenate([dstw, padb], axis=1).reshape(-1)
    x_pad = jnp.pad(x, ((0, NPAD - N), (0, 0)))

    degp = _make_deg_kernel()(src, dst)
    xs, ns, nd = _normscale(degp, x_pad)
    agg = _make_agg_kernel()
    U1 = agg(xs, src, dst)
    hs = _layer1(U1, nd, ns, W1, b1)
    U2 = agg(hs, src, dst)

    noise = jax.random.normal(jax.random.key(42), (N, D), dtype=jnp.float32)
    noise_pad = jnp.pad(noise, ((0, NPAD - N), (0, 0)))
    z_pad = _final(U2, nd, Wm, bm, Ws, bs, noise_pad)
    return z_pad[:N]

# --- scband reference (transcript-rebuilt; emitter-appended) ---
"""Pipeline reference for scband-encoder-10797547782618 (READ-ONLY COPY).

The authoritative reference and input builder live on the scoring server;
editing this copy changes nothing except your own understanding.
"""

import jax, jax.numpy as jnp
import numpy as np

N_NODES = 10000
N_EDGES = 320000
D_IN = 128
D_OUT = 128

def setup_inputs(seed: int = 0) -> dict:
    key = jax.random.key(seed)
    ks = jax.random.split(key, 8)
    x = jax.random.normal(ks[0], (N_NODES, D_IN), dtype=jnp.float32)
    edge_index = jax.random.randint(ks[1], (2, N_EDGES), 0, N_NODES, dtype=jnp.int64)
    s1 = 1.0 / np.sqrt(D_IN)
    s2 = 1.0 / np.sqrt(D_OUT)
    W1 = jax.random.uniform(ks[2], (D_IN, D_OUT), dtype=jnp.float32, minval=-s1, maxval=s1)
    b1 = jnp.zeros((D_OUT,), dtype=jnp.float32)
    Wm = jax.random.uniform(ks[3], (D_OUT, D_OUT), dtype=jnp.float32, minval=-s2, maxval=s2)
    bm = jnp.zeros((D_OUT,), dtype=jnp.float32)
    Ws = jax.random.uniform(ks[4], (D_OUT, D_OUT), dtype=jnp.float32, minval=-s2, maxval=s2)
    bs = jnp.zeros((D_OUT,), dtype=jnp.float32)
    return {"x": x, "edge_index": edge_index, "W1": W1, "b1": b1, "Wm": Wm, "bm": bm, "Ws": Ws, "bs": bs}

def _graph_conv(h, src, dst, norm_src, norm_dst, W, b):
    # DGL GraphConv with symmetric normalization: D^{-1/2} A D^{-1/2} h W + b
    hs = h * norm_src[:, None]
    msgs = jnp.take(hs, src, axis=0)
    agg = jnp.zeros((h.shape[0], h.shape[1]), dtype=h.dtype).at[dst].add(msgs)
    agg = agg * norm_dst[:, None]
    return agg @ W + b

def reference(x, edge_index, W1, b1, Wm, bm, Ws, bs):
    src = edge_index[0]
    dst = edge_index[1]
    n = x.shape[0]
    ones = jnp.ones((src.shape[0],), dtype=jnp.float32)
    deg_out = jnp.zeros((n,), dtype=jnp.float32).at[src].add(ones)
    deg_in = jnp.zeros((n,), dtype=jnp.float32).at[dst].add(ones)
    norm_src = jnp.where(deg_out > 0, jax.lax.rsqrt(jnp.maximum(deg_out, 1.0)), 0.0)
    norm_dst = jnp.where(deg_in > 0, jax.lax.rsqrt(jnp.maximum(deg_in, 1.0)), 0.0)
    h = _graph_conv(x, src, dst, norm_src, norm_dst, W1, b1)
    mean = _graph_conv(h, src, dst, norm_src, norm_dst, Wm, bm)
    logstddev = _graph_conv(h, src, dst, norm_src, norm_dst, Ws, bs)
    gaussian_noise = jax.random.normal(jax.random.key(42), mean.shape, dtype=jnp.float32)
    sampled_z = gaussian_noise * jnp.exp(logstddev) + mean
    return sampled_z

if __name__ == "__main__":
    import jax
    _d = setup_inputs()
    print(jax.jit(kernel)(*tuple(_d.values())))

</pallas_src>

<mosaic_0001>
#map = affine_map<(d0, d1) -> (0, 0)>
#map1 = affine_map<(d0, d1) -> (0)>
#map2 = affine_map<(d0, d1) -> (0, 0, 0)>
module attributes {stable_mosaic.version = 14 : i64} {
  func.func @_agg_body(%arg0: i32, %arg1: i32, %arg2: memref<10240x128xf32, #tpu.memory_space<hbm>>, %arg3: memref<327680xi32, #tpu.memory_space<hbm>>, %arg4: memref<327680xi32, #tpu.memory_space<hbm>>, %arg5: memref<2x10240x128xf32, #tpu.memory_space<hbm>>, %arg6: memref<10240xi32, #tpu.memory_space<vmem>>, %arg7: memref<128xi32, #tpu.memory_space<vmem>>, %arg8: memref<128xi32, #tpu.memory_space<vmem>>, %arg9: memref<128x128xf32, #tpu.memory_space<vmem>>, %arg10: memref<128x128xf32, #tpu.memory_space<vmem>>, %arg11: memref<10240x128xf32, #tpu.memory_space<vmem_shared>>, %arg12: memref<!tpu.dma_semaphore, #tpu.memory_space<semaphore_mem>>, %arg13: memref<!tpu.dma_semaphore, #tpu.memory_space<semaphore_mem>>, %arg14: memref<!tpu.dma_semaphore, #tpu.memory_space<semaphore_mem>>, %arg15: memref<!tpu.dma_semaphore, #tpu.memory_space<semaphore_mem>>, %arg16: memref<!tpu.dma_semaphore, #tpu.memory_space<semaphore_mem>>, %arg17: memref<!tpu.dma_semaphore, #tpu.memory_space<semaphore_mem>>, %arg18: memref<!tpu.dma_semaphore, #tpu.memory_space<semaphore_mem>>) attributes {dimension_semantics = [#tpu.dimension_semantics<core_parallel>, #tpu.dimension_semantics<subcore_parallel>], iteration_bounds = array<i64: 2, 16>, scalar_prefetch = 0 : i64, scratch_operands = 13 : i64, tpu.core_type = #tpu.core_type<sc_vector_subcore>, window_params = [{transform_indices = #map}, {transform_indices = #map1}, {transform_indices = #map1}, {transform_indices = #map2}]} {
    %mul3A = arith.constant 2 : i32
    %mul3A_0 = arith.muli %arg1, %mul3A : i32
    %add3A = arith.addi %mul3A_0, %arg0 : i32
    %mul3A_1 = arith.constant 10240 : i32
    %mul3A_2 = arith.muli %add3A, %mul3A_1 : i32
    %dma_start3A = tpu.memref_slice %arg3[%mul3A_2] : memref<327680xi32, #tpu.memory_space<hbm>> -> memref<10240xi32, #tpu.memory_space<hbm>>
    %dma_start3A_3 = tpu.memref_slice %arg3[%mul3A_2] : memref<327680xi32, #tpu.memory_space<hbm>> -> memref<10240xi32, #tpu.memory_space<hbm>>
    tpu.enqueue_dma source(%dma_start3A_3 : memref<10240xi32, #tpu.memory_space<hbm>>) target(%arg6 : memref<10240xi32, #tpu.memory_space<vmem>>) target_semaphore(%arg12 : memref<!tpu.dma_semaphore, #tpu.memory_space<semaphore_mem>>)
    %broadcast_in_dim3A = arith.constant 0.000000e+00 : f32
    %broadcast_in_dim3A_4 = vector.broadcast %broadcast_in_dim3A : f32 to vector<16xf32>
    %broadcast_in_dim3A_5 = arith.constant 0 : i32
    %broadcast_in_dim3A_6 = vector.broadcast %broadcast_in_dim3A_5 : i32 to vector<16xi32>
    %swap3A = arith.constant 0 : index
    %swap3A_7 = tpu.vector_load %arg7[%swap3A] {strides = array<i32>} : memref<128xi32, #tpu.memory_space<vmem>>, vector<16xi32>,
    %swap3A_8 = vector.shape_cast %swap3A_7 : vector<16xi32> to vector<16xi32>
    %swap3A_9 = vector.shape_cast %broadcast_in_dim3A_6 : vector<16xi32> to vector<16xi32>
    tpu.vector_store %arg7[%swap3A], %swap3A_9 {strides = array<i32>} : memref<128xi32, #tpu.memory_space<vmem>>, vector<16xi32>,
    %swap3A_10 = arith.constant 0 : index
    %swap3A_11 = tpu.vector_load %arg8[%swap3A_10] {strides = array<i32>} : memref<128xi32, #tpu.memory_space<vmem>>, vector<16xi32>,
    %swap3A_12 = vector.shape_cast %swap3A_11 : vector<16xi32> to vector<16xi32>
    %swap3A_13 = vector.shape_cast %broadcast_in_dim3A_6 : vector<16xi32> to vector<16xi32>
    tpu.vector_store %arg8[%swap3A_10], %swap3A_13 {strides = array<i32>} : memref<128xi32, #tpu.memory_space<vmem>>, vector<16xi32>,
    %swap3A_14 = arith.constant 16 : index
    %swap3A_15 = tpu.vector_load %arg7[%swap3A_14] {strides = array<i32>} : memref<128xi32, #tpu.memory_space<vmem>>, vector<16xi32>,
    %swap3A_16 = vector.shape_cast %swap3A_15 : vector<16xi32> to vector<16xi32>
    %swap3A_17 = vector.shape_cast %broadcast_in_dim3A_6 : vector<16xi32> to vector<16xi32>
    tpu.vector_store %arg7[%swap3A_14], %swap3A_17 {strides = array<i32>} : memref<128xi32, #tpu.memory_space<vmem>>, vector<16xi32>,
    %swap3A_18 = arith.constant 16 : index
    %swap3A_19 = tpu.vector_load %arg8[%swap3A_18] {strides = array<i32>} : memref<128xi32, #tpu.memory_space<vmem>>, vector<16xi32>,
    %swap3A_20 = vector.shape_cast %swap3A_19 : vector<16xi32> to vector<16xi32>
    %swap3A_21 = vector.shape_cast %broadcast_in_dim3A_6 : vector<16xi32> to vector<16xi32>
    tpu.vector_store %arg8[%swap3A_18], %swap3A_21 {strides = array<i32>} : memref<128xi32, #tpu.memory_space<vmem>>, vector<16xi32>,
    %swap3A_22 = arith.constant 32 : index
    %swap3A_23 = tpu.vector_load %arg7[%swap3A_22] {strides = array<i32>} : memref<128xi32, #tpu.memory_space<vmem>>, vector<16xi32>,
    %swap3A_24 = vector.shape_cast %swap3A_23 : vector<16xi32> to vector<16xi32>
    %swap3A_25 = vector.shape_cast %broadcast_in_dim3A_6 : vector<16xi32> to vector<16xi32>
    tpu.vector_store %arg7[%swap3A_22], %swap3A_25 {strides = array<i32>} : memref<128xi32, #tpu.memory_space<vmem>>, vector<16xi32>,
    %swap3A_26 = arith.constant 32 : index
    %swap3A_27 = tpu.vector_load %arg8[%swap3A_26] {strides = array<i32>} : memref<128xi32, #tpu.memory_space<vmem>>, vector<16xi32>,
    %swap3A_28 = vector.shape_cast %swap3A_27 : vector<16xi32> to vector<16xi32>
    %swap3A_29 = vector.shape_cast %broadcast_in_dim3A_6 : vector<16xi32> to vector<16xi32>
    tpu.vector_store %arg8[%swap3A_26], %swap3A_29 {strides = array<i32>} : memref<128xi32, #tpu.memory_space<vmem>>, vector<16xi32>,
    %swap3A_30 = arith.constant 48 : index
    %swap3A_31 = tpu.vector_load %arg7[%swap3A_30] {strides = array<i32>} : memref<128xi32, #tpu.memory_space<vmem>>, vector<16xi32>,
    %swap3A_32 = vector.shape_cast %swap3A_31 : vector<16xi32> to vector<16xi32>
    %swap3A_33 = vector.shape_cast %broadcast_in_dim3A_6 : vector<16xi32> to vector<16xi32>
    tpu.vector_store %arg7[%swap3A_30], %swap3A_33 {strides = array<i32>} : memref<128xi32, #tpu.memory_space<vmem>>, vector<16xi32>,
    %swap3A_34 = arith.constant 48 : index
    %swap3A_35 = tpu.vector_load %arg8[%swap3A_34] {strides = array<i32>} : memref<128xi32, #tpu.memory_space<vmem>>, vector<16xi32>,
    %swap3A_36 = vector.shape_cast %swap3A_35 : vector<16xi32> to vector<16xi32>
    %swap3A_37 = vector.shape_cast %broadcast_in_dim3A_6 : vector<16xi32> to vector<16xi32>
    tpu.vector_store %arg8[%swap3A_34], %swap3A_37 {strides = array<i32>} : memref<128xi32, #tpu.memory_space<vmem>>, vector<16xi32>,
    %swap3A_38 = arith.constant 64 : index
    %swap3A_39 = tpu.vector_load %arg7[%swap3A_38] {strides = array<i32>} : memref<128xi32, #tpu.memory_space<vmem>>, vector<16xi32>,
    %swap3A_40 = vector.shape_cast %swap3A_39 : vector<16xi32> to vector<16xi32>
    %swap3A_41 = vector.shape_cast %broadcast_in_dim3A_6 : vector<16xi32> to vector<16xi32>
    tpu.vector_store %arg7[%swap3A_38], %swap3A_41 {strides = array<i32>} : memref<128xi32, #tpu.memory_space<vmem>>, vector<16xi32>,
    %swap3A_42 = arith.constant 64 : index
    %swap3A_43 = tpu.vector_load %arg8[%swap3A_42] {strides = array<i32>} : memref<128xi32, #tpu.memory_space<vmem>>, vector<16xi32>,
    %swap3A_44 = vector.shape_cast %swap3A_43 : vector<16xi32> to vector<16xi32>
    %swap3A_45 = vector.shape_cast %broadcast_in_dim3A_6 : vector<16xi32> to vector<16xi32>
    tpu.vector_store %arg8[%swap3A_42], %swap3A_45 {strides = array<i32>} : memref<128xi32, #tpu.memory_space<vmem>>, vector<16xi32>,
    %swap3A_46 = arith.constant 80 : index
    %swap3A_47 = tpu.vector_load %arg7[%swap3A_46] {strides = array<i32>} : memref<128xi32, #tpu.memory_space<vmem>>, vector<16xi32>,
    %swap3A_48 = vector.shape_cast %swap3A_47 : vector<16xi32> to vector<16xi32>
    %swap3A_49 = vector.shape_cast %broadcast_in_dim3A_6 : vector<16xi32> to vector<16xi32>
    tpu.vector_store %arg7[%swap3A_46], %swap3A_49 {strides = array<i32>} : memref<128xi32, #tpu.memory_space<vmem>>, vector<16xi32>,
    %swap3A_50 = arith.constant 80 : index
    %swap3A_51 = tpu.vector_load %arg8[%swap3A_50] {strides = array<i32>} : memref<128xi32, #tpu.memory_space<vmem>>, vector<16xi32>,
    %swap3A_52 = vector.shape_cast %swap3A_51 : vector<16xi32> to vector<16xi32>
    %swap3A_53 = vector.shape_cast %broadcast_in_dim3A_6 : vector<16xi32> to vector<16xi32>
    tpu.vector_store %arg8[%swap3A_50], %swap3A_53 {strides = array<i32>} : memref<128xi32, #tpu.memory_space<vmem>>, vector<16xi32>,
    %swap3A_54 = arith.constant 96 : index
    %swap3A_55 = tpu.vector_load %arg7[%swap3A_54] {strides = array<i32>} : memref<128xi32, #tpu.memory_space<vmem>>, vector<16xi32>,
    %swap3A_56 = vector.shape_cast %swap3A_55 : vector<16xi32> to vector<16xi32>
    %swap3A_57 = vector.shape_cast %broadcast_in_dim3A_6 : vector<16xi32> to vector<16xi32>
    tpu.vector_store %arg7[%swap3A_54], %swap3A_57 {strides = array<i32>} : memref<128xi32, #tpu.memory_space<vmem>>, vector<16xi32>,
    %swap3A_58 = arith.constant 96 : index
    %swap3A_59 = tpu.vector_load %arg8[%swap3A_58] {strides = array<i32>} : memref<128xi32, #tpu.memory_space<vmem>>, vector<16xi32>,
    %swap3A_60 = vector.shape_cast %swap3A_59 : vector<16xi32> to vector<16xi32>
    %swap3A_61 = vector.shape_cast %broadcast_in_dim3A_6 : vector<16xi32> to vector<16xi32>
    tpu.vector_store %arg8[%swap3A_58], %swap3A_61 {strides = array<i32>} : memref<128xi32, #tpu.memory_space<vmem>>, vector<16xi32>,
    %swap3A_62 = arith.constant 112 : index
    %swap3A_63 = tpu.vector_load %arg7[%swap3A_62] {strides = array<i32>} : memref<128xi32, #tpu.memory_space<vmem>>, vector<16xi32>,
    %swap3A_64 = vector.shape_cast %swap3A_63 : vector<16xi32> to vector<16xi32>
    %swap3A_65 = vector.shape_cast %broadcast_in_dim3A_6 : vector<16xi32> to vector<16xi32>
    tpu.vector_store %arg7[%swap3A_62], %swap3A_65 {strides = array<i32>} : memref<128xi32, #tpu.memory_space<vmem>>, vector<16xi32>,
    %swap3A_66 = arith.constant 112 : index
    %swap3A_67 = tpu.vector_load %arg8[%swap3A_66] {strides = array<i32>} : memref<128xi32, #tpu.memory_space<vmem>>, vector<16xi32>,
    %swap3A_68 = vector.shape_cast %swap3A_67 : vector<16xi32> to vector<16xi32>
    %swap3A_69 = vector.shape_cast %broadcast_in_dim3A_6 : vector<16xi32> to vector<16xi32>
    tpu.vector_store %arg8[%swap3A_66], %swap3A_69 {strides = array<i32>} : memref<128xi32, #tpu.memory_space<vmem>>, vector<16xi32>,
    %scan3A = arith.constant 0 : i32
    %scan3A_70 = arith.constant 0 : i32
    %scan3A_71 = arith.constant 128 : i32
    %scan3A_72 = arith.addi %scan3A_70, %scan3A_71 : i32
    %scan3A_73 = arith.constant 1 : i32
    %scan3A_74 = scf.for %scan3A_121 = %scan3A_70 to %scan3A_72 step %scan3A_73 iter_args(%scan3A_122 = %scan3A) -> (i32)  : i32 {
      %swap3A_123 = arith.index_cast %scan3A_121 : i32 to index
      %swap3A_124 = arith.constant 0 : index
      %swap3A_125 = tpu.vector_load %arg9[%swap3A_123, %swap3A_124] {strides = array<i32>} : memref<128x128xf32, #tpu.memory_space<vmem>>, vector<1x16xf32>,
      %swap3A_126 = vector.shape_cast %swap3A_125 : vector<1x16xf32> to vector<16xf32>
      %swap3A_127 = vector.shape_cast %broadcast_in_dim3A_4 : vector<16xf32> to vector<1x16xf32>
      tpu.vector_store %arg9[%swap3A_123, %swap3A_124], %swap3A_127 {strides = array<i32>} : memref<128x128xf32, #tpu.memory_space<vmem>>, vector<1x16xf32>,
      %swap3A_128 = arith.index_cast %scan3A_121 : i32 to index
      %swap3A_129 = arith.constant 0 : index
      %swap3A_130 = tpu.vector_load %arg10[%swap3A_128, %swap3A_129] {strides = array<i32>} : memref<128x128xf32, #tpu.memory_space<vmem>>, vector<1x16xf32>,
      %swap3A_131 = vector.shape_cast %swap3A_130 : vector<1x16xf32> to vector<16xf32>
      %swap3A_132 = vector.shape_cast %broadcast_in_dim3A_4 : vector<16xf32> to vector<1x16xf32>
      tpu.vector_store %arg10[%swap3A_128, %swap3A_129], %swap3A_132 {strides = array<i32>} : memref<128x128xf32, #tpu.memory_space<vmem>>, vector<1x16xf32>,
      %swap3A_133 = arith.index_cast %scan3A_121 : i32 to index
      %swap3A_134 = arith.constant 16 : index
      %swap3A_135 = tpu.vector_load %arg9[%swap3A_133, %swap3A_134] {strides = array<i32>} : memref<128x128xf32, #tpu.memory_space<vmem>>, vector<1x16xf32>,
      %swap3A_136 = vector.shape_cast %swap3A_135 : vector<1x16xf32> to vector<16xf32>
      %swap3A_137 = vector.shape_cast %broadcast_in_dim3A_4 : vector<16xf32> to vector<1x16xf32>
      tpu.vector_store %arg9[%swap3A_133, %swap3A_134], %swap3A_137 {strides = array<i32>} : memref<128x128xf32, #tpu.memory_space<vmem>>, vector<1x16xf32>,
      %swap3A_138 = arith.index_cast %scan3A_121 : i32 to index
      %swap3A_139 = arith.constant 16 : index
      %swap3A_140 = tpu.vector_load %arg10[%swap3A_138, %swap3A_139] {strides = array<i32>} : memref<128x128xf32, #tpu.memory_space<vmem>>, vector<1x16xf32>,
      %swap3A_141 = vector.shape_cast %swap3A_140 : vector<1x16xf32> to vector<16xf32>
      %swap3A_142 = vector.shape_cast %broadcast_in_dim3A_4 : vector<16xf32> to vector<1x16xf32>
      tpu.vector_store %arg10[%swap3A_138, %swap3A_139], %swap3A_142 {strides = array<i32>} : memref<128x128xf32, #tpu.memory_space<vmem>>, vector<1x16xf32>,
      %swap3A_143 = arith.index_cast %scan3A_121 : i32 to index
      %swap3A_144 = arith.constant 32 : index
      %swap3A_145 = tpu.vector_load %arg9[%swap3A_143, %swap3A_144] {strides = array<i32>} : memref<128x128xf32, #tpu.memory_space<vmem>>, vector<1x16xf32>,
      %swap3A_146 = vector.shape_cast %swap3A_145 : vector<1x16xf32> to vector<16xf32>
      %swap3A_147 = vector.shape_cast %broadcast_in_dim3A_4 : vector<16xf32> to vector<1x16xf32>
      tpu.vector_store %arg9[%swap3A_143, %swap3A_144], %swap3A_147 {strides = array<i32>} : memref<128x128xf32, #tpu.memory_space<vmem>>, vector<1x16xf32>,
      %swap3A_148 = arith.index_cast %scan3A_121 : i32 to index
      %swap3A_149 = arith.constant 32 : index
      %swap3A_150 = tpu.vector_load %arg10[%swap3A_148, %swap3A_149] {strides = array<i32>} : memref<128x128xf32, #tpu.memory_space<vmem>>, vector<1x16xf32>,
      %swap3A_151 = vector.shape_cast %swap3A_150 : vector<1x16xf32> to vector<16xf32>
      %swap3A_152 = vector.shape_cast %broadcast_in_dim3A_4 : vector<16xf32> to vector<1x16xf32>
      tpu.vector_store %arg10[%swap3A_148, %swap3A_149], %swap3A_152 {strides = array<i32>} : memref<128x128xf32, #tpu.memory_space<vmem>>, vector<1x16xf32>,
      %swap3A_153 = arith.index_cast %scan3A_121 : i32 to index
      %swap3A_154 = arith.constant 48 : index
      %swap3A_155 = tpu.vector_load %arg9[%swap3A_153, %swap3A_154] {strides = array<i32>} : memref<128x128xf32, #tpu.memory_space<vmem>>, vector<1x16xf32>,
      %swap3A_156 = vector.shape_cast %swap3A_155 : vector<1x16xf32> to vector<16xf32>
      %swap3A_157 = vector.shape_cast %broadcast_in_dim3A_4 : vector<16xf32> to vector<1x16xf32>
      tpu.vector_store %arg9[%swap3A_153, %swap3A_154], %swap3A_157 {strides = array<i32>} : memref<128x128xf32, #tpu.memory_space<vmem>>, vector<1x16xf32>,
      %swap3A_158 = arith.index_cast %scan3A_121 : i32 to index
      %swap3A_159 = arith.constant 48 : index
      %swap3A_160 = tpu.vector_load %arg10[%swap3A_158, %swap3A_159] {strides = array<i32>} : memref<128x128xf32, #tpu.memory_space<vmem>>, vector<1x16xf32>,
      %swap3A_161 = vector.shape_cast %swap3A_160 : vector<1x16xf32> to vector<16xf32>
      %swap3A_162 = vector.shape_cast %broadcast_in_dim3A_4 : vector<16xf32> to vector<1x16xf32>
      tpu.vector_store %arg10[%swap3A_158, %swap3A_159], %swap3A_162 {strides = array<i32>} : memref<128x128xf32, #tpu.memory_space<vmem>>, vector<1x16xf32>,
      %swap3A_163 = arith.index_cast %scan3A_121 : i32 to index
      %swap3A_164 = arith.constant 64 : index
      %swap3A_165 = tpu.vector_load %arg9[%swap3A_163, %swap3A_164] {strides = array<i32>} : memref<128x128xf32, #tpu.memory_space<vmem>>, vector<1x16xf32>,
      %swap3A_166 = vector.shape_cast %swap3A_165 : vector<1x16xf32> to vector<16xf32>
      %swap3A_167 = vector.shape_cast %broadcast_in_dim3A_4 : vector<16xf32> to vector<1x16xf32>
      tpu.vector_store %arg9[%swap3A_163, %swap3A_164], %swap3A_167 {strides = array<i32>} : memref<128x128xf32, #tpu.memory_space<vmem>>, vector<1x16xf32>,
      %swap3A_168 = arith.index_cast %scan3A_121 : i32 to index
      %swap3A_169 = arith.constant 64 : index
      %swap3A_170 = tpu.vector_load %arg10[%swap3A_168, %swap3A_169] {strides = array<i32>} : memref<128x128xf32, #tpu.memory_space<vmem>>, vector<1x16xf32>,
      %swap3A_171 = vector.shape_cast %swap3A_170 : vector<1x16xf32> to vector<16xf32>
      %swap3A_172 = vector.shape_cast %broadcast_in_dim3A_4 : vector<16xf32> to vector<1x16xf32>
      tpu.vector_store %arg10[%swap3A_168, %swap3A_169], %swap3A_172 {strides = array<i32>} : memref<128x128xf32, #tpu.memory_space<vmem>>, vector<1x16xf32>,
      %swap3A_173 = arith.index_cast %scan3A_121 : i32 to index
      %swap3A_174 = arith.constant 80 : index
      %swap3A_175 = tpu.vector_load %arg9[%swap3A_173, %swap3A_174] {strides = array<i32>} : memref<128x128xf32, #tpu.memory_space<vmem>>, vector<1x16xf32>,
      %swap3A_176 = vector.shape_cast %swap3A_175 : vector<1x16xf32> to vector<16xf32>
      %swap3A_177 = vector.shape_cast %broadcast_in_dim3A_4 : vector<16xf32> to vector<1x16xf32>
      tpu.vector_store %arg9[%swap3A_173, %swap3A_174], %swap3A_177 {strides = array<i32>} : memref<128x128xf32, #tpu.memory_space<vmem>>, vector<1x16xf32>,
      %swap3A_178 = arith.index_cast %scan3A_121 : i32 to index
      %swap3A_179 = arith.constant 80 : index
      %swap3A_180 = tpu.vector_load %arg10[%swap3A_178, %swap3A_179] {strides = array<i32>} : memref<128x128xf32, #tpu.memory_space<vmem>>, vector<1x16xf32>,
      %swap3A_181 = vector.shape_cast %swap3A_180 : vector<1x16xf32> to vector<16xf32>
      %swap3A_182 = vector.shape_cast %broadcast_in_dim3A_4 : vector<16xf32> to vector<1x16xf32>
      tpu.vector_store %arg10[%swap3A_178, %swap3A_179], %swap3A_182 {strides = array<i32>} : memref<128x128xf32, #tpu.memory_space<vmem>>, vector<1x16xf32>,
      %swap3A_183 = arith.index_cast %scan3A_121 : i32 to index
      %swap3A_184 = arith.constant 96 : index
      %swap3A_185 = tpu.vector_load %arg9[%swap3A_183, %swap3A_184] {strides = array<i32>} : memref<128x128xf32, #tpu.memory_space<vmem>>, vector<1x16xf32>,
      %swap3A_186 = vector.shape_cast %swap3A_185 : vector<1x16xf32> to vector<16xf32>
      %swap3A_187 = vector.shape_cast %broadcast_in_dim3A_4 : vector<16xf32> to vector<1x16xf32>
      tpu.vector_store %arg9[%swap3A_183, %swap3A_184], %swap3A_187 {strides = array<i32>} : memref<128x128xf32, #tpu.memory_space<vmem>>, vector<1x16xf32>,
      %swap3A_188 = arith.index_cast %scan3A_121 : i32 to index
      %swap3A_189 = arith.constant 96 : index
      %swap3A_190 = tpu.vector_load %arg10[%swap3A_188, %swap3A_189] {strides = array<i32>} : memref<128x128xf32, #tpu.memory_space<vmem>>, vector<1x16xf32>,
      %swap3A_191 = vector.shape_cast %swap3A_190 : vector<1x16xf32> to vector<16xf32>
      %swap3A_192 = vector.shape_cast %broadcast_in_dim3A_4 : vector<16xf32> to vector<1x16xf32>
      tpu.vector_store %arg10[%swap3A_188, %swap3A_189], %swap3A_192 {strides = array<i32>} : memref<128x128xf32, #tpu.memory_space<vmem>>, vector<1x16xf32>,
      %swap3A_193 = arith.index_cast %scan3A_121 : i32 to index
      %swap3A_194 = arith.constant 112 : index
      %swap3A_195 = tpu.vector_load %arg9[%swap3A_193, %swap3A_194] {strides = array<i32>} : memref<128x128xf32, #tpu.memory_space<vmem>>, vector<1x16xf32>,
      %swap3A_196 = vector.shape_cast %swap3A_195 : vector<1x16xf32> to vector<16xf32>
      %swap3A_197 = vector.shape_cast %broadcast_in_dim3A_4 : vector<16xf32> to vector<1x16xf32>
      tpu.vector_store %arg9[%swap3A_193, %swap3A_194], %swap3A_197 {strides = array<i32>} : memref<128x128xf32, #tpu.memory_space<vmem>>, vector<1x16xf32>,
      %swap3A_198 = arith.index_cast %scan3A_121 : i32 to index
      %swap3A_199 = arith.constant 112 : index
      %swap3A_200 = tpu.vector_load %arg10[%swap3A_198, %swap3A_199] {strides = array<i32>} : memref<128x128xf32, #tpu.memory_space<vmem>>, vector<1x16xf32>,
      %swap3A_201 = vector.shape_cast %swap3A_200 : vector<1x16xf32> to vector<16xf32>
      %swap3A_202 = vector.shape_cast %broadcast_in_dim3A_4 : vector<16xf32> to vector<1x16xf32>
      tpu.vector_store %arg10[%swap3A_198, %swap3A_199], %swap3A_202 {strides = array<i32>} : memref<128x128xf32, #tpu.memory_space<vmem>>, vector<1x16xf32>,
      %scan3A_203 = arith.constant 0 : i32
      scf.yield %scan3A_203 : i32
    }
    %scan3A_75 = arith.constant 128 : i32
    %mul3A_76 = arith.constant 640 : i32
    %mul3A_77 = arith.muli %arg1, %mul3A_76 : i32
    %add3A_78 = arith.constant 0 : i32
    %add3A_79 = arith.addi %mul3A_77, %add3A_78 : i32
    "tpu.region"() ({
      %run_scoped3A = tpu.sem_alloc : memref<!tpu.dma_semaphore, #tpu.memory_space<semaphore_mem>>
      %dma_start3A_121 = arith.constant 0 : i32
      %dma_start3A_122 = tpu.memref_slice %arg11[%add3A_79, %dma_start3A_121] : memref<10240x128xf32, #tpu.memory_space<vmem_shared>> -> memref<128x128xf32, #tpu.memory_space<vmem_shared>>
      %dma_start3A_123 = arith.constant 0 : i32
      %dma_start3A_124 = tpu.memref_slice %arg11[%add3A_79, %dma_start3A_123] : memref<10240x128xf32, #tpu.memory_space<vmem_shared>> -> memref<128x128xf32, #tpu.memory_space<vmem_shared>>
      tpu.enqueue_dma source(%arg9 : memref<128x128xf32, #tpu.memory_space<vmem>>) target(%dma_start3A_124 : memref<128x128xf32, #tpu.memory_space<vmem_shared>>) target_semaphore(%run_scoped3A : memref<!tpu.dma_semaphore, #tpu.memory_space<semaphore_mem>>)
      %dma_wait3A_125 = arith.constant 0 : i32
      %dma_wait3A_126 = tpu.memref_slice %arg11[%add3A_79, %dma_wait3A_125] : memref<10240x128xf32, #tpu.memory_space<vmem_shared>> -> memref<128x128xf32, #tpu.memory_space<vmem_shared>>
      %dma_wait3A_127 = arith.constant 0 : i32
      %dma_wait3A_128 = tpu.memref_slice %arg11[%add3A_79, %dma_wait3A_127] : memref<10240x128xf32, #tpu.memory_space<vmem_shared>> -> memref<128x128xf32, #tpu.memory_space<vmem_shared>>
      tpu.wait_dma2 semaphore(%run_scoped3A : memref<!tpu.dma_semaphore, #tpu.memory_space<semaphore_mem>>) src(%arg9 : memref<128x128xf32, #tpu.memory_space<vmem>>) dst(%dma_wait3A_128 : memref<128x128xf32, #tpu.memory_space<vmem_shared>>)
      tpu.yield
    }) : () -> ()
    %mul3A_80 = arith.constant 640 : i32
    %mul3A_81 = arith.muli %arg1, %mul3A_80 : i32
    %add3A_82 = arith.constant 128 : i32
    %add3A_83 = arith.addi %mul3A_81, %add3A_82 : i32
    "tpu.region"() ({
      %run_scoped3A = tpu.sem_alloc : memref<!tpu.dma_semaphore, #tpu.memory_space<semaphore_mem>>
      %dma_start3A_121 = arith.constant 0 : i32
      %dma_start3A_122 = tpu.memref_slice %arg11[%add3A_83, %dma_start3A_121] : memref<10240x128xf32, #tpu.memory_space<vmem_shared>> -> memref<128x128xf32, #tpu.memory_space<vmem_shared>>
      %dma_start3A_123 = arith.constant 0 : i32
      %dma_start3A_124 = tpu.memref_slice %arg11[%add3A_83, %dma_start3A_123] : memref<10240x128xf32, #tpu.memory_space<vmem_shared>> -> memref<128x128xf32, #tpu.memory_space<vmem_shared>>
      tpu.enqueue_dma source(%arg9 : memref<128x128xf32, #tpu.memory_space<vmem>>) target(%dma_start3A_124 : memref<128x128xf32, #tpu.memory_space<vmem_shared>>) target_semaphore(%run_scoped3A : memref<!tpu.dma_semaphore, #tpu.memory_space<semaphore_mem>>)
      %dma_wait3A_125 = arith.constant 0 : i32
      %dma_wait3A_126 = tpu.memref_slice %arg11[%add3A_83, %dma_wait3A_125] : memref<10240x128xf32, #tpu.memory_space<vmem_shared>> -> memref<128x128xf32, #tpu.memory_space<vmem_shared>>
      %dma_wait3A_127 = arith.constant 0 : i32
      %dma_wait3A_128 = tpu.memref_slice %arg11[%add3A_83, %dma_wait3A_127] : memref<10240x128xf32, #tpu.memory_space<vmem_shared>> -> memref<128x128xf32, #tpu.memory_space<vmem_shared>>
      tpu.wait_dma2 semaphore(%run_scoped3A : memref<!tpu.dma_semaphore, #tpu.memory_space<semaphore_mem>>) src(%arg9 : memref<128x128xf32, #tpu.memory_space<vmem>>) dst(%dma_wait3A_128 : memref<128x128xf32, #tpu.memory_space<vmem_shared>>)
      tpu.yield
    }) : () -> ()
    %mul3A_84 = arith.constant 640 : i32
    %mul3A_85 = arith.muli %arg1, %mul3A_84 : i32
    %add3A_86 = arith.constant 256 : i32
    %add3A_87 = arith.addi %mul3A_85, %add3A_86 : i32
    "tpu.region"() ({
      %run_scoped3A = tpu.sem_alloc : memref<!tpu.dma_semaphore, #tpu.memory_space<semaphore_mem>>
      %dma_start3A_121 = arith.constant 0 : i32
      %dma_start3A_122 = tpu.memref_slice %arg11[%add3A_87, %dma_start3A_121] : memref<10240x128xf32, #tpu.memory_space<vmem_shared>> -> memref<128x128xf32, #tpu.memory_space<vmem_shared>>
      %dma_start3A_123 = arith.constant 0 : i32
      %dma_start3A_124 = tpu.memref_slice %arg11[%add3A_87, %dma_start3A_123] : memref<10240x128xf32, #tpu.memory_space<vmem_shared>> -> memref<128x128xf32, #tpu.memory_space<vmem_shared>>
      tpu.enqueue_dma source(%arg9 : memref<128x128xf32, #tpu.memory_space<vmem>>) target(%dma_start3A_124 : memref<128x128xf32, #tpu.memory_space<vmem_shared>>) target_semaphore(%run_scoped3A : memref<!tpu.dma_semaphore, #tpu.memory_space<semaphore_mem>>)
      %dma_wait3A_125 = arith.constant 0 : i32
      %dma_wait3A_126 = tpu.memref_slice %arg11[%add3A_87, %dma_wait3A_125] : memref<10240x128xf32, #tpu.memory_space<vmem_shared>> -> memref<128x128xf32, #tpu.memory_space<vmem_shared>>
      %dma_wait3A_127 = arith.constant 0 : i32
      %dma_wait3A_128 = tpu.memref_slice %arg11[%add3A_87, %dma_wait3A_127] : memref<10240x128xf32, #tpu.memory_space<vmem_shared>> -> memref<128x128xf32, #tpu.memory_space<vmem_shared>>
      tpu.wait_dma2 semaphore(%run_scoped3A : memref<!tpu.dma_semaphore, #tpu.memory_space<semaphore_mem>>) src(%arg9 : memref<128x128xf32, #tpu.memory_space<vmem>>) dst(%dma_wait3A_128 : memref<128x128xf32, #tpu.memory_space<vmem_shared>>)
      tpu.yield
    }) : () -> ()
    %mul3A_88 = arith.constant 640 : i32
    %mul3A_89 = arith.muli %arg1, %mul3A_88 : i32
    %add3A_90 = arith.constant 384 : i32
    %add3A_91 = arith.addi %mul3A_89, %add3A_90 : i32
    "tpu.region"() ({
      %run_scoped3A = tpu.sem_alloc : memref<!tpu.dma_semaphore, #tpu.memory_space<semaphore_mem>>
      %dma_start3A_121 = arith.constant 0 : i32
      %dma_start3A_122 = tpu.memref_slice %arg11[%add3A_91, %dma_start3A_121] : memref<10240x128xf32, #tpu.memory_space<vmem_shared>> -> memref<128x128xf32, #tpu.memory_space<vmem_shared>>
      %dma_start3A_123 = arith.constant 0 : i32
      %dma_start3A_124 = tpu.memref_slice %arg11[%add3A_91, %dma_start3A_123] : memref<10240x128xf32, #tpu.memory_space<vmem_shared>> -> memref<128x128xf32, #tpu.memory_space<vmem_shared>>
      tpu.enqueue_dma source(%arg9 : memref<128x128xf32, #tpu.memory_space<vmem>>) target(%dma_start3A_124 : memref<128x128xf32, #tpu.memory_space<vmem_shared>>) target_semaphore(%run_scoped3A : memref<!tpu.dma_semaphore, #tpu.memory_space<semaphore_mem>>)
      %dma_wait3A_125 = arith.constant 0 : i32
      %dma_wait3A_126 = tpu.memref_slice %arg11[%add3A_91, %dma_wait3A_125] : memref<10240x128xf32, #tpu.memory_space<vmem_shared>> -> memref<128x128xf32, #tpu.memory_space<vmem_shared>>
      %dma_wait3A_127 = arith.constant 0 : i32
      %dma_wait3A_128 = tpu.memref_slice %arg11[%add3A_91, %dma_wait3A_127] : memref<10240x128xf32, #tpu.memory_space<vmem_shared>> -> memref<128x128xf32, #tpu.memory_space<vmem_shared>>
      tpu.wait_dma2 semaphore(%run_scoped3A : memref<!tpu.dma_semaphore, #tpu.memory_space<semaphore_mem>>) src(%arg9 : memref<128x128xf32, #tpu.memory_space<vmem>>) dst(%dma_wait3A_128 : memref<128x128xf32, #tpu.memory_space<vmem_shared>>)
      tpu.yield
    }) : () -> ()
    %mul3A_92 = arith.constant 640 : i32
    %mul3A_93 = arith.muli %arg1, %mul3A_92 : i32
    %add3A_94 = arith.constant 512 : i32
    %add3A_95 = arith.addi %mul3A_93, %add3A_94 : i32
    "tpu.region"() ({
      %run_scoped3A = tpu.sem_alloc : memref<!tpu.dma_semaphore, #tpu.memory_space<semaphore_mem>>
      %dma_start3A_121 = arith.constant 0 : i32
      %dma_start3A_122 = tpu.memref_slice %arg11[%add3A_95, %dma_start3A_121] : memref<10240x128xf32, #tpu.memory_space<vmem_shared>> -> memref<128x128xf32, #tpu.memory_space<vmem_shared>>
      %dma_start3A_123 = arith.constant 0 : i32
      %dma_start3A_124 = tpu.memref_slice %arg11[%add3A_95, %dma_start3A_123] : memref<10240x128xf32, #tpu.memory_space<vmem_shared>> -> memref<128x128xf32, #tpu.memory_space<vmem_shared>>
      tpu.enqueue_dma source(%arg9 : memref<128x128xf32, #tpu.memory_space<vmem>>) target(%dma_start3A_124 : memref<128x128xf32, #tpu.memory_space<vmem_shared>>) target_semaphore(%run_scoped3A : memref<!tpu.dma_semaphore, #tpu.memory_space<semaphore_mem>>)
      %dma_wait3A_125 = arith.constant 0 : i32
      %dma_wait3A_126 = tpu.memref_slice %arg11[%add3A_95, %dma_wait3A_125] : memref<10240x128xf32, #tpu.memory_space<vmem_shared>> -> memref<128x128xf32, #tpu.memory_space<vmem_shared>>
      %dma_wait3A_127 = arith.constant 0 : i32
      %dma_wait3A_128 = tpu.memref_slice %arg11[%add3A_95, %dma_wait3A_127] : memref<10240x128xf32, #tpu.memory_space<vmem_shared>> -> memref<128x128xf32, #tpu.memory_space<vmem_shared>>
      tpu.wait_dma2 semaphore(%run_scoped3A : memref<!tpu.dma_semaphore, #tpu.memory_space<semaphore_mem>>) src(%arg9 : memref<128x128xf32, #tpu.memory_space<vmem>>) dst(%dma_wait3A_128 : memref<128x128xf32, #tpu.memory_space<vmem_shared>>)
      tpu.yield
    }) : () -> ()
    %dma_wait3A = tpu.memref_slice %arg3[%mul3A_2] : memref<327680xi32, #tpu.memory_space<hbm>> -> memref<10240xi32, #tpu.memory_space<hbm>>
    %dma_wait3A_96 = tpu.memref_slice %arg3[%mul3A_2] : memref<327680xi32, #tpu.memory_space<hbm>> -> memref<10240xi32, #tpu.memory_space<hbm>>
    tpu.wait_dma2 semaphore(%arg12 : memref<!tpu.dma_semaphore, #tpu.memory_space<semaphore_mem>>) src(%dma_wait3A_96 : memref<10240xi32, #tpu.memory_space<hbm>>) dst(%arg6 : memref<10240xi32, #tpu.memory_space<vmem>>)
    %barrier3A = arith.constant 0 : index
    tpu.barrier barrier_id(%barrier3A)
    %dma_start3A_97 = arith.constant 0 : i32
    %dma_start3A_98 = arith.constant 0 : i32
    %dma_start3A_99 = tpu.memref_slice %arg11[%dma_start3A_97, %dma_start3A_98] : memref<10240x128xf32, #tpu.memory_space<vmem_shared>> -> memref<10240x128xf32, #tpu.memory_space<vmem_shared>>
    tpu.enqueue_indirect_dma source(%arg9 : memref<128x128xf32, #tpu.memory_space<vmem>>) target(%dma_start3A_99 : memref<10240x128xf32, #tpu.memory_space<vmem_shared>>) offsets(%arg7 : memref<128xi32, #tpu.memory_space<vmem>>) semaphore(%arg15 : memref<!tpu.dma_semaphore, #tpu.memory_space<semaphore_mem>>) {add = true}
    %dma_start3A_100 = arith.constant 0 : i32
    %dma_start3A_101 = arith.constant 0 : i32
    %dma_start3A_102 = tpu.memref_slice %arg11[%dma_start3A_100, %dma_start3A_101] : memref<10240x128xf32, #tpu.memory_space<vmem_shared>> -> memref<10240x128xf32, #tpu.memory_space<vmem_shared>>
    tpu.enqueue_indirect_dma source(%arg10 : memref<128x128xf32, #tpu.memory_space<vmem>>) target(%dma_start3A_102 : memref<10240x128xf32, #tpu.memory_space<vmem_shared>>) offsets(%arg8 : memref<128xi32, #tpu.memory_space<vmem>>) semaphore(%arg16 : memref<!tpu.dma_semaphore, #tpu.memory_space<semaphore_mem>>) {add = true}
    %scan3A_103 = arith.constant 0 : i32
    %scan3A_104 = arith.constant 0 : i32
    %scan3A_105 = arith.constant 40 : i32
    %scan3A_106 = arith.addi %scan3A_104, %scan3A_105 : i32
    %scan3A_107 = arith.constant 1 : i32
    %scan3A_108 = scf.for %scan3A_121 = %scan3A_104 to %scan3A_106 step %scan3A_107 iter_args(%scan3A_122 = %scan3A_103) -> (i32)  : i32 {
      %mul3A_123 = arith.constant 2 : i32
      %mul3A_124 = arith.muli %mul3A_123, %scan3A_121 : i32
      %add3A_125 = arith.constant 1 : i32
      %add3A_126 = arith.addi %mul3A_124, %add3A_125 : i32
      %dma_wait3A_127 = arith.constant 0 : i32
      %dma_wait3A_128 = arith.constant 0 : i32
      %dma_wait3A_129 = tpu.memref_slice %arg11[%dma_wait3A_127, %dma_wait3A_128] : memref<10240x128xf32, #tpu.memory_space<vmem_shared>> -> memref<10240x128xf32, #tpu.memory_space<vmem_shared>>
      tpu.wait_indirect_dma semaphore(%arg15 : memref<!tpu.dma_semaphore, #tpu.memory_space<semaphore_mem>>) src(%arg9 : memref<128x128xf32, #tpu.memory_space<vmem>>) dst(%dma_wait3A_129 : memref<10240x128xf32, #tpu.memory_space<vmem_shared>>)
      %mul3A_130 = arith.constant 128 : i32
      %mul3A_131 = arith.muli %mul3A_124, %mul3A_130 : i32
      %dma_start3A_132 = tpu.memref_slice %arg6[%mul3A_131] : memref<10240xi32, #tpu.memory_space<vmem>> -> memref<128xi32, #tpu.memory_space<vmem>>
      %dma_start3A_133 = arith.constant 0 : i32
      %dma_start3A_134 = arith.constant 0 : i32
      %dma_start3A_135 = tpu.memref_slice %arg2[%dma_start3A_133, %dma_start3A_134] : memref<10240x128xf32, #tpu.memory_space<hbm>> -> memref<10240x128xf32, #tpu.memory_space<hbm>>
      tpu.enqueue_indirect_dma source(%dma_start3A_135 : memref<10240x128xf32, #tpu.memory_space<hbm>>) target(%arg9 : memref<128x128xf32, #tpu.memory_space<vmem>>) offsets(%dma_start3A_132 : memref<128xi32, #tpu.memory_space<vmem>>) semaphore(%arg13 : memref<!tpu.dma_semaphore, #tpu.memory_space<semaphore_mem>>)
      %mul3A_136 = arith.constant 128 : i32
      %mul3A_137 = arith.muli %mul3A_124, %mul3A_136 : i32
      %add3A_138 = arith.addi %mul3A_2, %mul3A_137 : i32
      %dma_start3A_139 = tpu.memref_slice %arg4[%add3A_138] : memref<327680xi32, #tpu.memory_space<hbm>> -> memref<128xi32, #tpu.memory_space<hbm>>
      %dma_start3A_140 = tpu.memref_slice %arg4[%add3A_138] : memref<327680xi32, #tpu.memory_space<hbm>> -> memref<128xi32, #tpu.memory_space<hbm>>
      tpu.enqueue_dma source(%dma_start3A_140 : memref<128xi32, #tpu.memory_space<hbm>>) target(%arg7 : memref<128xi32, #tpu.memory_space<vmem>>) target_semaphore(%arg17 : memref<!tpu.dma_semaphore, #tpu.memory_space<semaphore_mem>>)
      %dma_wait3A_141 = arith.constant 0 : i32
      %dma_wait3A_142 = arith.constant 0 : i32
      %dma_wait3A_143 = tpu.memref_slice %arg11[%dma_wait3A_141, %dma_wait3A_142] : memref<10240x128xf32, #tpu.memory_space<vmem_shared>> -> memref<10240x128xf32, #tpu.memory_space<vmem_shared>>
      tpu.wait_indirect_dma semaphore(%arg16 : memref<!tpu.dma_semaphore, #tpu.memory_space<semaphore_mem>>) src(%arg10 : memref<128x128xf32, #tpu.memory_space<vmem>>) dst(%dma_wait3A_143 : memref<10240x128xf32, #tpu.memory_space<vmem_shared>>)
      %mul3A_144 = arith.constant 128 : i32
      %mul3A_145 = arith.muli %add3A_126, %mul3A_144 : i32
      %dma_start3A_146 = tpu.memref_slice %arg6[%mul3A_145] : memref<10240xi32, #tpu.memory_space<vmem>> -> memref<128xi32, #tpu.memory_space<vmem>>
      %dma_start3A_147 = arith.constant 0 : i32
      %dma_start3A_148 = arith.constant 0 : i32
      %dma_start3A_149 = tpu.memref_slice %arg2[%dma_start3A_147, %dma_start3A_148] : memref<10240x128xf32, #tpu.memory_space<hbm>> -> memref<10240x128xf32, #tpu.memory_space<hbm>>
      tpu.enqueue_indirect_dma source(%dma_start3A_149 : memref<10240x128xf32, #tpu.memory_space<hbm>>) target(%arg10 : memref<128x128xf32, #tpu.memory_space<vmem>>) offsets(%dma_start3A_146 : memref<128xi32, #tpu.memory_space<vmem>>) semaphore(%arg14 : memref<!tpu.dma_semaphore, #tpu.memory_space<semaphore_mem>>)
      %mul3A_150 = arith.constant 128 : i32
      %mul3A_151 = arith.muli %add3A_126, %mul3A_150 : i32
      %add3A_152 = arith.addi %mul3A_2, %mul3A_151 : i32
      %dma_start3A_153 = tpu.memref_slice %arg4[%add3A_152] : memref<327680xi32, #tpu.memory_space<hbm>> -> memref<128xi32, #tpu.memory_space<hbm>>
      %dma_start3A_154 = tpu.memref_slice %arg4[%add3A_152] : memref<327680xi32, #tpu.memory_space<hbm>> -> memref<128xi32, #tpu.memory_space<hbm>>
      tpu.enqueue_dma source(%dma_start3A_154 : memref<128xi32, #tpu.memory_space<hbm>>) target(%arg8 : memref<128xi32, #tpu.memory_space<vmem>>) target_semaphore(%arg18 : memref<!tpu.dma_semaphore, #tpu.memory_space<semaphore_mem>>)
      %mul3A_155 = arith.constant 128 : i32
      %mul3A_156 = arith.muli %mul3A_124, %mul3A_155 : i32
      %dma_wait3A_157 = tpu.memref_slice %arg6[%mul3A_156] : memref<10240xi32, #tpu.memory_space<vmem>> -> memref<128xi32, #tpu.memory_space<vmem>>
      %dma_wait3A_158 = arith.constant 0 : i32
      %dma_wait3A_159 = arith.constant 0 : i32
      %dma_wait3A_160 = tpu.memref_slice %arg2[%dma_wait3A_158, %dma_wait3A_159] : memref<10240x128xf32, #tpu.memory_space<hbm>> -> memref<10240x128xf32, #tpu.memory_space<hbm>>
      tpu.wait_indirect_dma semaphore(%arg13 : memref<!tpu.dma_semaphore, #tpu.memory_space<semaphore_mem>>) src(%dma_wait3A_160 : memref<10240x128xf32, #tpu.memory_space<hbm>>) dst(%arg9 : memref<128x128xf32, #tpu.memory_space<vmem>>)
      %mul3A_161 = arith.constant 128 : i32
      %mul3A_162 = arith.muli %mul3A_124, %mul3A_161 : i32
      %add3A_163 = arith.addi %mul3A_2, %mul3A_162 : i32
      %dma_wait3A_164 = tpu.memref_slice %arg4[%add3A_163] : memref<327680xi32, #tpu.memory_space<hbm>> -> memref<128xi32, #tpu.memory_space<hbm>>
      %dma_wait3A_165 = tpu.memref_slice %arg4[%add3A_163] : memref<327680xi32, #tpu.memory_space<hbm>> -> memref<128xi32, #tpu.memory_space<hbm>>
      tpu.wait_dma2 semaphore(%arg17 : memref<!tpu.dma_semaphore, #tpu.memory_space<semaphore_mem>>) src(%dma_wait3A_165 : memref<128xi32, #tpu.memory_space<hbm>>) dst(%arg7 : memref<128xi32, #tpu.memory_space<vmem>>)
      %dma_start3A_166 = arith.constant 0 : i32
      %dma_start3A_167 = arith.constant 0 : i32
      %dma_start3A_168 = tpu.memref_slice %arg11[%dma_start3A_166, %dma_start3A_167] : memref<10240x128xf32, #tpu.memory_space<vmem_shared>> -> memref<10240x128xf32, #tpu.memory_space<vmem_shared>>
      tpu.enqueue_indirect_dma source(%arg9 : memref<128x128xf32, #tpu.memory_space<vmem>>) target(%dma_start3A_168 : memref<10240x128xf32, #tpu.memory_space<vmem_shared>>) offsets(%arg7 : memref<128xi32, #tpu.memory_space<vmem>>) semaphore(%arg15 : memref<!tpu.dma_semaphore, #tpu.memory_space<semaphore_mem>>) {add = true}
      %mul3A_169 = arith.constant 128 : i32
      %mul3A_170 = arith.muli %add3A_126, %mul3A_169 : i32
      %dma_wait3A_171 = tpu.memref_slice %arg6[%mul3A_170] : memref<10240xi32, #tpu.memory_space<vmem>> -> memref<128xi32, #tpu.memory_space<vmem>>
      %dma_wait3A_172 = arith.constant 0 : i32
      %dma_wait3A_173 = arith.constant 0 : i32
      %dma_wait3A_174 = tpu.memref_slice %arg2[%dma_wait3A_172, %dma_wait3A_173] : memref<10240x128xf32, #tpu.memory_space<hbm>> -> memref<10240x128xf32, #tpu.memory_space<hbm>>
      tpu.wait_indirect_dma semaphore(%arg14 : memref<!tpu.dma_semaphore, #tpu.memory_space<semaphore_mem>>) src(%dma_wait3A_174 : memref<10240x128xf32, #tpu.memory_space<hbm>>) dst(%arg10 : memref<128x128xf32, #tpu.memory_space<vmem>>)
      %mul3A_175 = arith.constant 128 : i32
      %mul3A_176 = arith.muli %add3A_126, %mul3A_175 : i32
      %add3A_177 = arith.addi %mul3A_2, %mul3A_176 : i32
      %dma_wait3A_178 = tpu.memref_slice %arg4[%add3A_177] : memref<327680xi32, #tpu.memory_space<hbm>> -> memref<128xi32, #tpu.memory_space<hbm>>
      %dma_wait3A_179 = tpu.memref_slice %arg4[%add3A_177] : memref<327680xi32, #tpu.memory_space<hbm>> -> memref<128xi32, #tpu.memory_space<hbm>>
      tpu.wait_dma2 semaphore(%arg18 : memref<!tpu.dma_semaphore, #tpu.memory_space<semaphore_mem>>) src(%dma_wait3A_179 : memref<128xi32, #tpu.memory_space<hbm>>) dst(%arg8 : memref<128xi32, #tpu.memory_space<vmem>>)
      %dma_start3A_180 = arith.constant 0 : i32
      %dma_start3A_181 = arith.constant 0 : i32
      %dma_start3A_182 = tpu.memref_slice %arg11[%dma_start3A_180, %dma_start3A_181] : memref<10240x128xf32, #tpu.memory_space<vmem_shared>> -> memref<10240x128xf32, #tpu.memory_space<vmem_shared>>
      tpu.enqueue_indirect_dma source(%arg10 : memref<128x128xf32, #tpu.memory_space<vmem>>) target(%dma_start3A_182 : memref<10240x128xf32, #tpu.memory_space<vmem_shared>>) offsets(%arg8 : memref<128xi32, #tpu.memory_space<vmem>>) semaphore(%arg16 : memref<!tpu.dma_semaphore, #tpu.memory_space<semaphore_mem>>) {add = true}
      %scan3A_183 = arith.constant 0 : i32
      scf.yield %scan3A_183 : i32
    }
    %scan3A_109 = arith.constant 40 : i32
    %dma_wait3A_110 = arith.constant 0 : i32
    %dma_wait3A_111 = arith.constant 0 : i32
    %dma_wait3A_112 = tpu.memref_slice %arg11[%dma_wait3A_110, %dma_wait3A_111] : memref<10240x128xf32, #tpu.memory_space<vmem_shared>> -> memref<10240x128xf32, #tpu.memory_space<vmem_shared>>
    tpu.wait_indirect_dma semaphore(%arg15 : memref<!tpu.dma_semaphore, #tpu.memory_space<semaphore_mem>>) src(%arg9 : memref<128x128xf32, #tpu.memory_space<vmem>>) dst(%dma_wait3A_112 : memref<10240x128xf32, #tpu.memory_space<vmem_shared>>)
    %dma_wait3A_113 = arith.constant 0 : i32
    %dma_wait3A_114 = arith.constant 0 : i32
    %dma_wait3A_115 = tpu.memref_slice %arg11[%dma_wait3A_113, %dma_wait3A_114] : memref<10240x128xf32, #tpu.memory_space<vmem_shared>> -> memref<10240x128xf32, #tpu.memory_space<vmem_shared>>
    tpu.wait_indirect_dma semaphore(%arg16 : memref<!tpu.dma_semaphore, #tpu.memory_space<semaphore_mem>>) src(%arg10 : memref<128x128xf32, #tpu.memory_space<vmem>>) dst(%dma_wait3A_115 : memref<10240x128xf32, #tpu.memory_space<vmem_shared>>)
    %barrier3A_116 = arith.constant 0 : index
    tpu.barrier barrier_id(%barrier3A_116)
    %mul3A_117 = arith.constant 640 : i32
    %mul3A_118 = arith.muli %arg1, %mul3A_117 : i32
    %mul3A_119 = arith.constant 640 : i32
    %mul3A_120 = arith.muli %arg1, %mul3A_119 : i32
    "tpu.region"() ({
      %run_scoped3A = tpu.sem_alloc : memref<!tpu.dma_semaphore, #tpu.memory_space<semaphore_mem>>
      %dma_start3A_121 = arith.constant 0 : i32
      %dma_start3A_122 = tpu.memref_slice %arg5[%arg0, %mul3A_120, %dma_start3A_121] : memref<2x10240x128xf32, #tpu.memory_space<hbm>> -> memref<1x640x128xf32, #tpu.memory_space<hbm>>
      %dma_start3A_123 = tpu.memref_squeeze %dma_start3A_122 : memref<1x640x128xf32, #tpu.memory_space<hbm>> -> memref<640x128xf32, #tpu.memory_space<hbm>>
      %dma_start3A_124 = arith.constant 0 : i32
      %dma_start3A_125 = tpu.memref_slice %arg11[%mul3A_118, %dma_start3A_124] : memref<10240x128xf32, #tpu.memory_space<vmem_shared>> -> memref<640x128xf32, #tpu.memory_space<vmem_shared>>
      tpu.enqueue_dma source(%dma_start3A_125 : memref<640x128xf32, #tpu.memory_space<vmem_shared>>) target(%dma_start3A_123 : memref<640x128xf32, #tpu.memory_space<hbm>>) target_semaphore(%run_scoped3A : memref<!tpu.dma_semaphore, #tpu.memory_space<semaphore_mem>>)
      %dma_wait3A_126 = arith.constant 0 : i32
      %dma_wait3A_127 = tpu.memref_slice %arg5[%arg0, %mul3A_120, %dma_wait3A_126] : memref<2x10240x128xf32, #tpu.memory_space<hbm>> -> memref<1x640x128xf32, #tpu.memory_space<hbm>>
      %dma_wait3A_128 = tpu.memref_squeeze %dma_wait3A_127 : memref<1x640x128xf32, #tpu.memory_space<hbm>> -> memref<640x128xf32, #tpu.memory_space<hbm>>
      %dma_wait3A_129 = arith.constant 0 : i32
      %dma_wait3A_130 = tpu.memref_slice %arg11[%mul3A_118, %dma_wait3A_129] : memref<10240x128xf32, #tpu.memory_space<vmem_shared>> -> memref<640x128xf32, #tpu.memory_space<vmem_shared>>
      tpu.wait_dma2 semaphore(%run_scoped3A : memref<!tpu.dma_semaphore, #tpu.memory_space<semaphore_mem>>) src(%dma_wait3A_130 : memref<640x128xf32, #tpu.memory_space<vmem_shared>>) dst(%dma_wait3A_128 : memref<640x128xf32, #tpu.memory_space<hbm>>)
      tpu.yield
    }) : () -> ()
    return
  }
}

#map = affine_map<(d0, d1) -> (0, 0)>
#map1 = affine_map<(d0, d1) -> (0)>
#map2 = affine_map<(d0, d1) -> (0, 0, 0)>
module attributes {stable_mosaic.version = 14 : i64} {
  func.func @_agg_body(%arg0: i32, %arg1: i32, %arg2: memref<10240x128xf32, #tpu.memory_space<hbm>>, %arg3: memref<327680xi32, #tpu.memory_space<hbm>>, %arg4: memref<327680xi32, #tpu.memory_space<hbm>>, %arg5: memref<2x10240x128xf32, #tpu.memory_space<hbm>>, %arg6: memref<10240xi32, #tpu.memory_space<vmem>>, %arg7: memref<128xi32, #tpu.memory_space<vmem>>, %arg8: memref<128xi32, #tpu.memory_space<vmem>>, %arg9: memref<128x128xf32, #tpu.memory_space<vmem>>, %arg10: memref<128x128xf32, #tpu.memory_space<vmem>>, %arg11: memref<10240x128xf32, #tpu.memory_space<vmem_shared>>, %arg12: memref<!tpu.dma_semaphore, #tpu.memory_space<semaphore_mem>>, %arg13: memref<!tpu.dma_semaphore, #tpu.memory_space<semaphore_mem>>, %arg14: memref<!tpu.dma_semaphore, #tpu.memory_space<semaphore_mem>>, %arg15: memref<!tpu.dma_semaphore, #tpu.memory_space<semaphore_mem>>, %arg16: memref<!tpu.dma_semaphore, #tpu.memory_space<semaphore_mem>>, %arg17: memref<!tpu.dma_semaphore, #tpu.memory_space<semaphore_mem>>, %arg18: memref<!tpu.dma_semaphore, #tpu.memory_space<semaphore_mem>>) attributes {dimension_semantics = [#tpu.dimension_semantics<core_parallel>, #tpu.dimension_semantics<subcore_parallel>], iteration_bounds = array<i64: 2, 16>, scalar_prefetch = 0 : i64, scratch_operands = 13 : i64, tpu.core_type = #tpu.core_type<sc_vector_subcore>, window_params = [{transform_indices = #map}, {transform_indices = #map1}, {transform_indices = #map1}, {transform_indices = #map2}]} {
    %mul3A = arith.constant 2 : i32
    %mul3A_0 = arith.muli %arg1, %mul3A : i32
    %add3A = arith.addi %mul3A_0, %arg0 : i32
    %mul3A_1 = arith.constant 10240 : i32
    %mul3A_2 = arith.muli %add3A, %mul3A_1 : i32
    %dma_start3A = tpu.memref_slice %arg3[%mul3A_2] : memref<327680xi32, #tpu.memory_space<hbm>> -> memref<10240xi32, #tpu.memory_space<hbm>>
    %dma_start3A_3 = tpu.memref_slice %arg3[%mul3A_2] : memref<327680xi32, #tpu.memory_space<hbm>> -> memref<10240xi32, #tpu.memory_space<hbm>>
    tpu.enqueue_dma source(%dma_start3A_3 : memref<10240xi32, #tpu.memory_space<hbm>>) target(%arg6 : memref<10240xi32, #tpu.memory_space<vmem>>) target_semaphore(%arg12 : memref<!tpu.dma_semaphore, #tpu.memory_space<semaphore_mem>>)
    %broadcast_in_dim3A = arith.constant 0.000000e+00 : f32
    %broadcast_in_dim3A_4 = vector.broadcast %broadcast_in_dim3A : f32 to vector<16xf32>
    %broadcast_in_dim3A_5 = arith.constant 0 : i32
    %broadcast_in_dim3A_6 = vector.broadcast %broadcast_in_dim3A_5 : i32 to vector<16xi32>
    %swap3A = arith.constant 0 : index
    %swap3A_7 = tpu.vector_load %arg7[%swap3A] {strides = array<i32>} : memref<128xi32, #tpu.memory_space<vmem>>, vector<16xi32>,
    %swap3A_8 = vector.shape_cast %swap3A_7 : vector<16xi32> to vector<16xi32>
    %swap3A_9 = vector.shape_cast %broadcast_in_dim3A_6 : vector<16xi32> to vector<16xi32>
    tpu.vector_store %arg7[%swap3A], %swap3A_9 {strides = array<i32>} : memref<128xi32, #tpu.memory_space<vmem>>, vector<16xi32>,
    %swap3A_10 = arith.constant 0 : index
    %swap3A_11 = tpu.vector_load %arg8[%swap3A_10] {strides = array<i32>} : memref<128xi32, #tpu.memory_space<vmem>>, vector<16xi32>,
    %swap3A_12 = vector.shape_cast %swap3A_11 : vector<16xi32> to vector<16xi32>
    %swap3A_13 = vector.shape_cast %broadcast_in_dim3A_6 : vector<16xi32> to vector<16xi32>
    tpu.vector_store %arg8[%swap3A_10], %swap3A_13 {strides = array<i32>} : memref<128xi32, #tpu.memory_space<vmem>>, vector<16xi32>,
    %swap3A_14 = arith.constant 16 : index
    %swap3A_15 = tpu.vector_load %arg7[%swap3A_14] {strides = array<i32>} : memref<128xi32, #tpu.memory_space<vmem>>, vector<16xi32>,
    %swap3A_16 = vector.shape_cast %swap3A_15 : vector<16xi32> to vector<16xi32>
    %swap3A_17 = vector.shape_cast %broadcast_in_dim3A_6 : vector<16xi32> to vector<16xi32>
    tpu.vector_store %arg7[%swap3A_14], %swap3A_17 {strides = array<i32>} : memref<128xi32, #tpu.memory_space<vmem>>, vector<16xi32>,
    %swap3A_18 = arith.constant 16 : index
    %swap3A_19 = tpu.vector_load %arg8[%swap3A_18] {strides = array<i32>} : memref<128xi32, #tpu.memory_space<vmem>>, vector<16xi32>,
    %swap3A_20 = vector.shape_cast %swap3A_19 : vector<16xi32> to vector<16xi32>
    %swap3A_21 = vector.shape_cast %broadcast_in_dim3A_6 : vector<16xi32> to vector<16xi32>
    tpu.vector_store %arg8[%swap3A_18], %swap3A_21 {strides = array<i32>} : memref<128xi32, #tpu.memory_space<vmem>>, vector<16xi32>,
    %swap3A_22 = arith.constant 32 : index
    %swap3A_23 = tpu.vector_load %arg7[%swap3A_22] {strides = array<i32>} : memref<128xi32, #tpu.memory_space<vmem>>, vector<16xi32>,
    %swap3A_24 = vector.shape_cast %swap3A_23 : vector<16xi32> to vector<16xi32>
    %swap3A_25 = vector.shape_cast %broadcast_in_dim3A_6 : vector<16xi32> to vector<16xi32>
    tpu.vector_store %arg7[%swap3A_22], %swap3A_25 {strides = array<i32>} : memref<128xi32, #tpu.memory_space<vmem>>, vector<16xi32>,
    %swap3A_26 = arith.constant 32 : index
    %swap3A_27 = tpu.vector_load %arg8[%swap3A_26] {strides = array<i32>} : memref<128xi32, #tpu.memory_space<vmem>>, vector<16xi32>,
    %swap3A_28 = vector.shape_cast %swap3A_27 : vector<16xi32> to vector<16xi32>
    %swap3A_29 = vector.shape_cast %broadcast_in_dim3A_6 : vector<16xi32> to vector<16xi32>
    tpu.vector_store %arg8[%swap3A_26], %swap3A_29 {strides = array<i32>} : memref<128xi32, #tpu.memory_space<vmem>>, vector<16xi32>,
    %swap3A_30 = arith.constant 48 : index
    %swap3A_31 = tpu.vector_load %arg7[%swap3A_30] {strides = array<i32>} : memref<128xi32, #tpu.memory_space<vmem>>, vector<16xi32>,
    %swap3A_32 = vector.shape_cast %swap3A_31 : vector<16xi32> to vector<16xi32>
    %swap3A_33 = vector.shape_cast %broadcast_in_dim3A_6 : vector<16xi32> to vector<16xi32>
    tpu.vector_store %arg7[%swap3A_30], %swap3A_33 {strides = array<i32>} : memref<128xi32, #tpu.memory_space<vmem>>, vector<16xi32>,
    %swap3A_34 = arith.constant 48 : index
    %swap3A_35 = tpu.vector_load %arg8[%swap3A_34] {strides = array<i32>} : memref<128xi32, #tpu.memory_space<vmem>>, vector<16xi32>,
    %swap3A_36 = vector.shape_cast %swap3A_35 : vector<16xi32> to vector<16xi32>
    %swap3A_37 = vector.shape_cast %broadcast_in_dim3A_6 : vector<16xi32> to vector<16xi32>
    tpu.vector_store %arg8[%swap3A_34], %swap3A_37 {strides = array<i32>} : memref<128xi32, #tpu.memory_space<vmem>>, vector<16xi32>,
    %swap3A_38 = arith.constant 64 : index
    %swap3A_39 = tpu.vector_load %arg7[%swap3A_38] {strides = array<i32>} : memref<128xi32, #tpu.memory_space<vmem>>, vector<16xi32>,
    %swap3A_40 = vector.shape_cast %swap3A_39 : vector<16xi32> to vector<16xi32>
    %swap3A_41 = vector.shape_cast %broadcast_in_dim3A_6 : vector<16xi32> to vector<16xi32>
    tpu.vector_store %arg7[%swap3A_38], %swap3A_41 {strides = array<i32>} : memref<128xi32, #tpu.memory_space<vmem>>, vector<16xi32>,
    %swap3A_42 = arith.constant 64 : index
    %swap3A_43 = tpu.vector_load %arg8[%swap3A_42] {strides = array<i32>} : memref<128xi32, #tpu.memory_space<vmem>>, vector<16xi32>,
    %swap3A_44 = vector.shape_cast %swap3A_43 : vector<16xi32> to vector<16xi32>
    %swap3A_45 = vector.shape_cast %broadcast_in_dim3A_6 : vector<16xi32> to vector<16xi32>
    tpu.vector_store %arg8[%swap3A_42], %swap3A_45 {strides = array<i32>} : memref<128xi32, #tpu.memory_space<vmem>>, vector<16xi32>,
    %swap3A_46 = arith.constant 80 : index
    %swap3A_47 = tpu.vector_load %arg7[%swap3A_46] {strides = array<i32>} : memref<128xi32, #tpu.memory_space<vmem>>, vector<16xi32>,
    %swap3A_48 = vector.shape_cast %swap3A_47 : vector<16xi32> to vector<16xi32>
    %swap3A_49 = vector.shape_cast %broadcast_in_dim3A_6 : vector<16xi32> to vector<16xi32>
    tpu.vector_store %arg7[%swap3A_46], %swap3A_49 {strides = array<i32>} : memref<128xi32, #tpu.memory_space<vmem>>, vector<16xi32>,
    %swap3A_50 = arith.constant 80 : index
    %swap3A_51 = tpu.vector_load %arg8[%swap3A_50] {strides = array<i32>} : memref<128xi32, #tpu.memory_space<vmem>>, vector<16xi32>,
    %swap3A_52 = vector.shape_cast %swap3A_51 : vector<16xi32> to vector<16xi32>
    %swap3A_53 = vector.shape_cast %broadcast_in_dim3A_6 : vector<16xi32> to vector<16xi32>
    tpu.vector_store %arg8[%swap3A_50], %swap3A_53 {strides = array<i32>} : memref<128xi32, #tpu.memory_space<vmem>>, vector<16xi32>,
    %swap3A_54 = arith.constant 96 : index
    %swap3A_55 = tpu.vector_load %arg7[%swap3A_54] {strides = array<i32>} : memref<128xi32, #tpu.memory_space<vmem>>, vector<16xi32>,
    %swap3A_56 = vector.shape_cast %swap3A_55 : vector<16xi32> to vector<16xi32>
    %swap3A_57 = vector.shape_cast %broadcast_in_dim3A_6 : vector<16xi32> to vector<16xi32>
    tpu.vector_store %arg7[%swap3A_54], %swap3A_57 {strides = array<i32>} : memref<128xi32, #tpu.memory_space<vmem>>, vector<16xi32>,
    %swap3A_58 = arith.constant 96 : index
    %swap3A_59 = tpu.vector_load %arg8[%swap3A_58] {strides = array<i32>} : memref<128xi32, #tpu.memory_space<vmem>>, vector<16xi32>,
    %swap3A_60 = vector.shape_cast %swap3A_59 : vector<16xi32> to vector<16xi32>
    %swap3A_61 = vector.shape_cast %broadcast_in_dim3A_6 : vector<16xi32> to vector<16xi32>
    tpu.vector_store %arg8[%swap3A_58], %swap3A_61 {strides = array<i32>} : memref<128xi32, #tpu.memory_space<vmem>>, vector<16xi32>,
    %swap3A_62 = arith.constant 112 : index
    %swap3A_63 = tpu.vector_load %arg7[%swap3A_62] {strides = array<i32>} : memref<128xi32, #tpu.memory_space<vmem>>, vector<16xi32>,
    %swap3A_64 = vector.shape_cast %swap3A_63 : vector<16xi32> to vector<16xi32>
    %swap3A_65 = vector.shape_cast %broadcast_in_dim3A_6 : vector<16xi32> to vector<16xi32>
    tpu.vector_store %arg7[%swap3A_62], %swap3A_65 {strides = array<i32>} : memref<128xi32, #tpu.memory_space<vmem>>, vector<16xi32>,
    %swap3A_66 = arith.constant 112 : index
    %swap3A_67 = tpu.vector_load %arg8[%swap3A_66] {strides = array<i32>} : memref<128xi32, #tpu.memory_space<vmem>>, vector<16xi32>,
    %swap3A_68 = vector.shape_cast %swap3A_67 : vector<16xi32> to vector<16xi32>
    %swap3A_69 = vector.shape_cast %broadcast_in_dim3A_6 : vector<16xi32> to vector<16xi32>
    tpu.vector_store %arg8[%swap3A_66], %swap3A_69 {strides = array<i32>} : memref<128xi32, #tpu.memory_space<vmem>>, vector<16xi32>,
    %scan3A = arith.constant 0 : i32
    %scan3A_70 = arith.constant 0 : i32
    %scan3A_71 = arith.constant 128 : i32
    %scan3A_72 = arith.addi %scan3A_70, %scan3A_71 : i32
    %scan3A_73 = arith.constant 1 : i32
    %scan3A_74 = scf.for %scan3A_121 = %scan3A_70 to %scan3A_72 step %scan3A_73 iter_args(%scan3A_122 = %scan3A) -> (i32)  : i32 {
      %swap3A_123 = arith.index_cast %scan3A_121 : i32 to index
      %swap3A_124 = arith.constant 0 : index
      %swap3A_125 = tpu.vector_load %arg9[%swap3A_123, %swap3A_124] {strides = array<i32>} : memref<128x128xf32, #tpu.memory_space<vmem>>, vector<1x16xf32>,
      %swap3A_126 = vector.shape_cast %swap3A_125 : vector<1x16xf32> to vector<16xf32>
      %swap3A_127 = vector.shape_cast %broadcast_in_dim3A_4 : vector<16xf32> to vector<1x16xf32>
      tpu.vector_store %arg9[%swap3A_123, %swap3A_124], %swap3A_127 {strides = array<i32>} : memref<128x128xf32, #tpu.memory_space<vmem>>, vector<1x16xf32>,
      %swap3A_128 = arith.index_cast %scan3A_121 : i32 to index
      %swap3A_129 = arith.constant 0 : index
      %swap3A_130 = tpu.vector_load %arg10[%swap3A_128, %swap3A_129] {strides = array<i32>} : memref<128x128xf32, #tpu.memory_space<vmem>>, vector<1x16xf32>,
      %swap3A_131 = vector.shape_cast %swap3A_130 : vector<1x16xf32> to vector<16xf32>
      %swap3A_132 = vector.shape_cast %broadcast_in_dim3A_4 : vector<16xf32> to vector<1x16xf32>
      tpu.vector_store %arg10[%swap3A_128, %swap3A_129], %swap3A_132 {strides = array<i32>} : memref<128x128xf32, #tpu.memory_space<vmem>>, vector<1x16xf32>,
      %swap3A_133 = arith.index_cast %scan3A_121 : i32 to index
      %swap3A_134 = arith.constant 16 : index
      %swap3A_135 = tpu.vector_load %arg9[%swap3A_133, %swap3A_134] {strides = array<i32>} : memref<128x128xf32, #tpu.memory_space<vmem>>, vector<1x16xf32>,
      %swap3A_136 = vector.shape_cast %swap3A_135 : vector<1x16xf32> to vector<16xf32>
      %swap3A_137 = vector.shape_cast %broadcast_in_dim3A_4 : vector<16xf32> to vector<1x16xf32>
      tpu.vector_store %arg9[%swap3A_133, %swap3A_134], %swap3A_137 {strides = array<i32>} : memref<128x128xf32, #tpu.memory_space<vmem>>, vector<1x16xf32>,
      %swap3A_138 = arith.index_cast %scan3A_121 : i32 to index
      %swap3A_139 = arith.constant 16 : index
      %swap3A_140 = tpu.vector_load %arg10[%swap3A_138, %swap3A_139] {strides = array<i32>} : memref<128x128xf32, #tpu.memory_space<vmem>>, vector<1x16xf32>,
      %swap3A_141 = vector.shape_cast %swap3A_140 : vector<1x16xf32> to vector<16xf32>
      %swap3A_142 = vector.shape_cast %broadcast_in_dim3A_4 : vector<16xf32> to vector<1x16xf32>
      tpu.vector_store %arg10[%swap3A_138, %swap3A_139], %swap3A_142 {strides = array<i32>} : memref<128x128xf32, #tpu.memory_space<vmem>>, vector<1x16xf32>,
      %swap3A_143 = arith.index_cast %scan3A_121 : i32 to index
      %swap3A_144 = arith.constant 32 : index
      %swap3A_145 = tpu.vector_load %arg9[%swap3A_143, %swap3A_144] {strides = array<i32>} : memref<128x128xf32, #tpu.memory_space<vmem>>, vector<1x16xf32>,
      %swap3A_146 = vector.shape_cast %swap3A_145 : vector<1x16xf32> to vector<16xf32>
      %swap3A_147 = vector.shape_cast %broadcast_in_dim3A_4 : vector<16xf32> to vector<1x16xf32>
      tpu.vector_store %arg9[%swap3A_143, %swap3A_144], %swap3A_147 {strides = array<i32>} : memref<128x128xf32, #tpu.memory_space<vmem>>, vector<1x16xf32>,
      %swap3A_148 = arith.index_cast %scan3A_121 : i32 to index
      %swap3A_149 = arith.constant 32 : index
      %swap3A_150 = tpu.vector_load %arg10[%swap3A_148, %swap3A_149] {strides = array<i32>} : memref<128x128xf32, #tpu.memory_space<vmem>>, vector<1x16xf32>,
      %swap3A_151 = vector.shape_cast %swap3A_150 : vector<1x16xf32> to vector<16xf32>
      %swap3A_152 = vector.shape_cast %broadcast_in_dim3A_4 : vector<16xf32> to vector<1x16xf32>
      tpu.vector_store %arg10[%swap3A_148, %swap3A_149], %swap3A_152 {strides = array<i32>} : memref<128x128xf32, #tpu.memory_space<vmem>>, vector<1x16xf32>,
      %swap3A_153 = arith.index_cast %scan3A_121 : i32 to index
      %swap3A_154 = arith.constant 48 : index
      %swap3A_155 = tpu.vector_load %arg9[%swap3A_153, %swap3A_154] {strides = array<i32>} : memref<128x128xf32, #tpu.memory_space<vmem>>, vector<1x16xf32>,
      %swap3A_156 = vector.shape_cast %swap3A_155 : vector<1x16xf32> to vector<16xf32>
      %swap3A_157 = vector.shape_cast %broadcast_in_dim3A_4 : vector<16xf32> to vector<1x16xf32>
      tpu.vector_store %arg9[%swap3A_153, %swap3A_154], %swap3A_157 {strides = array<i32>} : memref<128x128xf32, #tpu.memory_space<vmem>>, vector<1x16xf32>,
      %swap3A_158 = arith.index_cast %scan3A_121 : i32 to index
      %swap3A_159 = arith.constant 48 : index
      %swap3A_160 = tpu.vector_load %arg10[%swap3A_158, %swap3A_159] {strides = array<i32>} : memref<128x128xf32, #tpu.memory_space<vmem>>, vector<1x16xf32>,
      %swap3A_161 = vector.shape_cast %swap3A_160 : vector<1x16xf32> to vector<16xf32>
      %swap3A_162 = vector.shape_cast %broadcast_in_dim3A_4 : vector<16xf32> to vector<1x16xf32>
      tpu.vector_store %arg10[%swap3A_158, %swap3A_159], %swap3A_162 {strides = array<i32>} : memref<128x128xf32, #tpu.memory_space<vmem>>, vector<1x16xf32>,
      %swap3A_163 = arith.index_cast %scan3A_121 : i32 to index
      %swap3A_164 = arith.constant 64 : index
      %swap3A_165 = tpu.vector_load %arg9[%swap3A_163, %swap3A_164] {strides = array<i32>} : memref<128x128xf32, #tpu.memory_space<vmem>>, vector<1x16xf32>,
      %swap3A_166 = vector.shape_cast %swap3A_165 : vector<1x16xf32> to vector<16xf32>
      %swap3A_167 = vector.shape_cast %broadcast_in_dim3A_4 : vector<16xf32> to vector<1x16xf32>
      tpu.vector_store %arg9[%swap3A_163, %swap3A_164], %swap3A_167 {strides = array<i32>} : memref<128x128xf32, #tpu.memory_space<vmem>>, vector<1x16xf32>,
      %swap3A_168 = arith.index_cast %scan3A_121 : i32 to index
      %swap3A_169 = arith.constant 64 : index
      %swap3A_170 = tpu.vector_load %arg10[%swap3A_168, %swap3A_169] {strides = array<i32>} : memref<128x128xf32, #tpu.memory_space<vmem>>, vector<1x16xf32>,
      %swap3A_171 = vector.shape_cast %swap3A_170 : vector<1x16xf32> to vector<16xf32>
      %swap3A_172 = vector.shape_cast %broadcast_in_dim3A_4 : vector<16xf32> to vector<1x16xf32>
      tpu.vector_store %arg10[%swap3A_168, %swap3A_169], %swap3A_172 {strides = array<i32>} : memref<128x128xf32, #tpu.memory_space<vmem>>, vector<1x16xf32>,
      %swap3A_173 = arith.index_cast %scan3A_121 : i32 to index
      %swap3A_174 = arith.constant 80 : index
      %swap3A_175 = tpu.vector_load %arg9[%swap3A_173, %swap3A_174] {strides = array<i32>} : memref<128x128xf32, #tpu.memory_space<vmem>>, vector<1x16xf32>,
      %swap3A_176 = vector.shape_cast %swap3A_175 : vector<1x16xf32> to vector<16xf32>
      %swap3A_177 = vector.shape_cast %broadcast_in_dim3A_4 : vector<16xf32> to vector<1x16xf32>
      tpu.vector_store %arg9[%swap3A_173, %swap3A_174], %swap3A_177 {strides = array<i32>} : memref<128x128xf32, #tpu.memory_space<vmem>>, vector<1x16xf32>,
      %swap3A_178 = arith.index_cast %scan3A_121 : i32 to index
      %swap3A_179 = arith.constant 80 : index
      %swap3A_180 = tpu.vector_load %arg10[%swap3A_178, %swap3A_179] {strides = array<i32>} : memref<128x128xf32, #tpu.memory_space<vmem>>, vector<1x16xf32>,
      %swap3A_181 = vector.shape_cast %swap3A_180 : vector<1x16xf32> to vector<16xf32>
      %swap3A_182 = vector.shape_cast %broadcast_in_dim3A_4 : vector<16xf32> to vector<1x16xf32>
      tpu.vector_store %arg10[%swap3A_178, %swap3A_179], %swap3A_182 {strides = array<i32>} : memref<128x128xf32, #tpu.memory_space<vmem>>, vector<1x16xf32>,
      %swap3A_183 = arith.index_cast %scan3A_121 : i32 to index
      %swap3A_184 = arith.constant 96 : index
      %swap3A_185 = tpu.vector_load %arg9[%swap3A_183, %swap3A_184] {strides = array<i32>} : memref<128x128xf32, #tpu.memory_space<vmem>>, vector<1x16xf32>,
      %swap3A_186 = vector.shape_cast %swap3A_185 : vector<1x16xf32> to vector<16xf32>
      %swap3A_187 = vector.shape_cast %broadcast_in_dim3A_4 : vector<16xf32> to vector<1x16xf32>
      tpu.vector_store %arg9[%swap3A_183, %swap3A_184], %swap3A_187 {strides = array<i32>} : memref<128x128xf32, #tpu.memory_space<vmem>>, vector<1x16xf32>,
      %swap3A_188 = arith.index_cast %scan3A_121 : i32 to index
      %swap3A_189 = arith.constant 96 : index
      %swap3A_190 = tpu.vector_load %arg10[%swap3A_188, %swap3A_189] {strides = array<i32>} : memref<128x128xf32, #tpu.memory_space<vmem>>, vector<1x16xf32>,
      %swap3A_191 = vector.shape_cast %swap3A_190 : vector<1x16xf32> to vector<16xf32>
      %swap3A_192 = vector.shape_cast %broadcast_in_dim3A_4 : vector<16xf32> to vector<1x16xf32>
      tpu.vector_store %arg10[%swap3A_188, %swap3A_189], %swap3A_192 {strides = array<i32>} : memref<128x128xf32, #tpu.memory_space<vmem>>, vector<1x16xf32>,
      %swap3A_193 = arith.index_cast %scan3A_121 : i32 to index
      %swap3A_194 = arith.constant 112 : index
      %swap3A_195 = tpu.vector_load %arg9[%swap3A_193, %swap3A_194] {strides = array<i32>} : memref<128x128xf32, #tpu.memory_space<vmem>>, vector<1x16xf32>,
      %swap3A_196 = vector.shape_cast %swap3A_195 : vector<1x16xf32> to vector<16xf32>
      %swap3A_197 = vector.shape_cast %broadcast_in_dim3A_4 : vector<16xf32> to vector<1x16xf32>
      tpu.vector_store %arg9[%swap3A_193, %swap3A_194], %swap3A_197 {strides = array<i32>} : memref<128x128xf32, #tpu.memory_space<vmem>>, vector<1x16xf32>,
      %swap3A_198 = arith.index_cast %scan3A_121 : i32 to index
      %swap3A_199 = arith.constant 112 : index
      %swap3A_200 = tpu.vector_load %arg10[%swap3A_198, %swap3A_199] {strides = array<i32>} : memref<128x128xf32, #tpu.memory_space<vmem>>, vector<1x16xf32>,
      %swap3A_201 = vector.shape_cast %swap3A_200 : vector<1x16xf32> to vector<16xf32>
      %swap3A_202 = vector.shape_cast %broadcast_in_dim3A_4 : vector<16xf32> to vector<1x16xf32>
      tpu.vector_store %arg10[%swap3A_198, %swap3A_199], %swap3A_202 {strides = array<i32>} : memref<128x128xf32, #tpu.memory_space<vmem>>, vector<1x16xf32>,
      %scan3A_203 = arith.constant 0 : i32
      scf.yield %scan3A_203 : i32
    }
    %scan3A_75 = arith.constant 128 : i32
    %mul3A_76 = arith.constant 640 : i32
    %mul3A_77 = arith.muli %arg1, %mul3A_76 : i32
    %add3A_78 = arith.constant 0 : i32
    %add3A_79 = arith.addi %mul3A_77, %add3A_78 : i32
    "tpu.region"() ({
      %run_scoped3A = tpu.sem_alloc : memref<!tpu.dma_semaphore, #tpu.memory_space<semaphore_mem>>
      %dma_start3A_121 = arith.constant 0 : i32
      %dma_start3A_122 = tpu.memref_slice %arg11[%add3A_79, %dma_start3A_121] : memref<10240x128xf32, #tpu.memory_space<vmem_shared>> -> memref<128x128xf32, #tpu.memory_space<vmem_shared>>
      %dma_start3A_123 = arith.constant 0 : i32
      %dma_start3A_124 = tpu.memref_slice %arg11[%add3A_79, %dma_start3A_123] : memref<10240x128xf32, #tpu.memory_space<vmem_shared>> -> memref<128x128xf32, #tpu.memory_space<vmem_shared>>
      tpu.enqueue_dma source(%arg9 : memref<128x128xf32, #tpu.memory_space<vmem>>) target(%dma_start3A_124 : memref<128x128xf32, #tpu.memory_space<vmem_shared>>) target_semaphore(%run_scoped3A : memref<!tpu.dma_semaphore, #tpu.memory_space<semaphore_mem>>)
      %dma_wait3A_125 = arith.constant 0 : i32
      %dma_wait3A_126 = tpu.memref_slice %arg11[%add3A_79, %dma_wait3A_125] : memref<10240x128xf32, #tpu.memory_space<vmem_shared>> -> memref<128x128xf32, #tpu.memory_space<vmem_shared>>
      %dma_wait3A_127 = arith.constant 0 : i32
      %dma_wait3A_128 = tpu.memref_slice %arg11[%add3A_79, %dma_wait3A_127] : memref<10240x128xf32, #tpu.memory_space<vmem_shared>> -> memref<128x128xf32, #tpu.memory_space<vmem_shared>>
      tpu.wait_dma2 semaphore(%run_scoped3A : memref<!tpu.dma_semaphore, #tpu.memory_space<semaphore_mem>>) src(%arg9 : memref<128x128xf32, #tpu.memory_space<vmem>>) dst(%dma_wait3A_128 : memref<128x128xf32, #tpu.memory_space<vmem_shared>>)
      tpu.yield
    }) : () -> ()
    %mul3A_80 = arith.constant 640 : i32
    %mul3A_81 = arith.muli %arg1, %mul3A_80 : i32
    %add3A_82 = arith.constant 128 : i32
    %add3A_83 = arith.addi %mul3A_81, %add3A_82 : i32
    "tpu.region"() ({
      %run_scoped3A = tpu.sem_alloc : memref<!tpu.dma_semaphore, #tpu.memory_space<semaphore_mem>>
      %dma_start3A_121 = arith.constant 0 : i32
      %dma_start3A_122 = tpu.memref_slice %arg11[%add3A_83, %dma_start3A_121] : memref<10240x128xf32, #tpu.memory_space<vmem_shared>> -> memref<128x128xf32, #tpu.memory_space<vmem_shared>>
      %dma_start3A_123 = arith.constant 0 : i32
      %dma_start3A_124 = tpu.memref_slice %arg11[%add3A_83, %dma_start3A_123] : memref<10240x128xf32, #tpu.memory_space<vmem_shared>> -> memref<128x128xf32, #tpu.memory_space<vmem_shared>>
      tpu.enqueue_dma source(%arg9 : memref<128x128xf32, #tpu.memory_space<vmem>>) target(%dma_start3A_124 : memref<128x128xf32, #tpu.memory_space<vmem_shared>>) target_semaphore(%run_scoped3A : memref<!tpu.dma_semaphore, #tpu.memory_space<semaphore_mem>>)
      %dma_wait3A_125 = arith.constant 0 : i32
      %dma_wait3A_126 = tpu.memref_slice %arg11[%add3A_83, %dma_wait3A_125] : memref<10240x128xf32, #tpu.memory_space<vmem_shared>> -> memref<128x128xf32, #tpu.memory_space<vmem_shared>>
      %dma_wait3A_127 = arith.constant 0 : i32
      %dma_wait3A_128 = tpu.memref_slice %arg11[%add3A_83, %dma_wait3A_127] : memref<10240x128xf32, #tpu.memory_space<vmem_shared>> -> memref<128x128xf32, #tpu.memory_space<vmem_shared>>
      tpu.wait_dma2 semaphore(%run_scoped3A : memref<!tpu.dma_semaphore, #tpu.memory_space<semaphore_mem>>) src(%arg9 : memref<128x128xf32, #tpu.memory_space<vmem>>) dst(%dma_wait3A_128 : memref<128x128xf32, #tpu.memory_space<vmem_shared>>)
      tpu.yield
    }) : () -> ()
    %mul3A_84 = arith.constant 640 : i32
    %mul3A_85 = arith.muli %arg1, %mul3A_84 : i32
    %add3A_86 = arith.constant 256 : i32
    %add3A_87 = arith.addi %mul3A_85, %add3A_86 : i32
    "tpu.region"() ({
      %run_scoped3A = tpu.sem_alloc : memref<!tpu.dma_semaphore, #tpu.memory_space<semaphore_mem>>
      %dma_start3A_121 = arith.constant 0 : i32
      %dma_start3A_122 = tpu.memref_slice %arg11[%add3A_87, %dma_start3A_121] : memref<10240x128xf32, #tpu.memory_space<vmem_shared>> -> memref<128x128xf32, #tpu.memory_space<vmem_shared>>
      %dma_start3A_123 = arith.constant 0 : i32
      %dma_start3A_124 = tpu.memref_slice %arg11[%add3A_87, %dma_start3A_123] : memref<10240x128xf32, #tpu.memory_space<vmem_shared>> -> memref<128x128xf32, #tpu.memory_space<vmem_shared>>
      tpu.enqueue_dma source(%arg9 : memref<128x128xf32, #tpu.memory_space<vmem>>) target(%dma_start3A_124 : memref<128x128xf32, #tpu.memory_space<vmem_shared>>) target_semaphore(%run_scoped3A : memref<!tpu.dma_semaphore, #tpu.memory_space<semaphore_mem>>)
      %dma_wait3A_125 = arith.constant 0 : i32
      %dma_wait3A_126 = tpu.memref_slice %arg11[%add3A_87, %dma_wait3A_125] : memref<10240x128xf32, #tpu.memory_space<vmem_shared>> -> memref<128x128xf32, #tpu.memory_space<vmem_shared>>
      %dma_wait3A_127 = arith.constant 0 : i32
      %dma_wait3A_128 = tpu.memref_slice %arg11[%add3A_87, %dma_wait3A_127] : memref<10240x128xf32, #tpu.memory_space<vmem_shared>> -> memref<128x128xf32, #tpu.memory_space<vmem_shared>>
      tpu.wait_dma2 semaphore(%run_scoped3A : memref<!tpu.dma_semaphore, #tpu.memory_space<semaphore_mem>>) src(%arg9 : memref<128x128xf32, #tpu.memory_space<vmem>>) dst(%dma_wait3A_128 : memref<128x128xf32, #tpu.memory_space<vmem_shared>>)
      tpu.yield
    }) : () -> ()
    %mul3A_88 = arith.constant 640 : i32
    %mul3A_89 = arith.muli %arg1, %mul3A_88 : i32
    %add3A_90 = arith.constant 384 : i32
    %add3A_91 = arith.addi %mul3A_89, %add3A_90 : i32
    "tpu.region"() ({
      %run_scoped3A = tpu.sem_alloc : memref<!tpu.dma_semaphore, #tpu.memory_space<semaphore_mem>>
      %dma_start3A_121 = arith.constant 0 : i32
      %dma_start3A_122 = tpu.memref_slice %arg11[%add3A_91, %dma_start3A_121] : memref<10240x128xf32, #tpu.memory_space<vmem_shared>> -> memref<128x128xf32, #tpu.memory_space<vmem_shared>>
      %dma_start3A_123 = arith.constant 0 : i32
      %dma_start3A_124 = tpu.memref_slice %arg11[%add3A_91, %dma_start3A_123] : memref<10240x128xf32, #tpu.memory_space<vmem_shared>> -> memref<128x128xf32, #tpu.memory_space<vmem_shared>>
      tpu.enqueue_dma source(%arg9 : memref<128x128xf32, #tpu.memory_space<vmem>>) target(%dma_start3A_124 : memref<128x128xf32, #tpu.memory_space<vmem_shared>>) target_semaphore(%run_scoped3A : memref<!tpu.dma_semaphore, #tpu.memory_space<semaphore_mem>>)
      %dma_wait3A_125 = arith.constant 0 : i32
      %dma_wait3A_126 = tpu.memref_slice %arg11[%add3A_91, %dma_wait3A_125] : memref<10240x128xf32, #tpu.memory_space<vmem_shared>> -> memref<128x128xf32, #tpu.memory_space<vmem_shared>>
      %dma_wait3A_127 = arith.constant 0 : i32
      %dma_wait3A_128 = tpu.memref_slice %arg11[%add3A_91, %dma_wait3A_127] : memref<10240x128xf32, #tpu.memory_space<vmem_shared>> -> memref<128x128xf32, #tpu.memory_space<vmem_shared>>
      tpu.wait_dma2 semaphore(%run_scoped3A : memref<!tpu.dma_semaphore, #tpu.memory_space<semaphore_mem>>) src(%arg9 : memref<128x128xf32, #tpu.memory_space<vmem>>) dst(%dma_wait3A_128 : memref<128x128xf32, #tpu.memory_space<vmem_shared>>)
      tpu.yield
    }) : () -> ()
    %mul3A_92 = arith.constant 640 : i32
    %mul3A_93 = arith.muli %arg1, %mul3A_92 : i32
    %add3A_94 = arith.constant 512 : i32
    %add3A_95 = arith.addi %mul3A_93, %add3A_94 : i32
    "tpu.region"() ({
      %run_scoped3A = tpu.sem_alloc : memref<!tpu.dma_semaphore, #tpu.memory_space<semaphore_mem>>
      %dma_start3A_121 = arith.constant 0 : i32
      %dma_start3A_122 = tpu.memref_slice %arg11[%add3A_95, %dma_start3A_121] : memref<10240x128xf32, #tpu.memory_space<vmem_shared>> -> memref<128x128xf32, #tpu.memory_space<vmem_shared>>
      %dma_start3A_123 = arith.constant 0 : i32
      %dma_start3A_124 = tpu.memref_slice %arg11[%add3A_95, %dma_start3A_123] : memref<10240x128xf32, #tpu.memory_space<vmem_shared>> -> memref<128x128xf32, #tpu.memory_space<vmem_shared>>
      tpu.enqueue_dma source(%arg9 : memref<128x128xf32, #tpu.memory_space<vmem>>) target(%dma_start3A_124 : memref<128x128xf32, #tpu.memory_space<vmem_shared>>) target_semaphore(%run_scoped3A : memref<!tpu.dma_semaphore, #tpu.memory_space<semaphore_mem>>)
      %dma_wait3A_125 = arith.constant 0 : i32
      %dma_wait3A_126 = tpu.memref_slice %arg11[%add3A_95, %dma_wait3A_125] : memref<10240x128xf32, #tpu.memory_space<vmem_shared>> -> memref<128x128xf32, #tpu.memory_space<vmem_shared>>
      %dma_wait3A_127 = arith.constant 0 : i32
      %dma_wait3A_128 = tpu.memref_slice %arg11[%add3A_95, %dma_wait3A_127] : memref<10240x128xf32, #tpu.memory_space<vmem_shared>> -> memref<128x128xf32, #tpu.memory_space<vmem_shared>>
      tpu.wait_dma2 semaphore(%run_scoped3A : memref<!tpu.dma_semaphore, #tpu.memory_space<semaphore_mem>>) src(%arg9 : memref<128x128xf32, #tpu.memory_space<vmem>>) dst(%dma_wait3A_128 : memref<128x128xf32, #tpu.memory_space<vmem_shared>>)
      tpu.yield
    }) : () -> ()
    %dma_wait3A = tpu.memref_slice %arg3[%mul3A_2] : memref<327680xi32, #tpu.memory_space<hbm>> -> memref<10240xi32, #tpu.memory_space<hbm>>
    %dma_wait3A_96 = tpu.memref_slice %arg3[%mul3A_2] : memref<327680xi32, #tpu.memory_space<hbm>> -> memref<10240xi32, #tpu.memory_space<hbm>>
    tpu.wait_dma2 semaphore(%arg12 : memref<!tpu.dma_semaphore, #tpu.memory_space<semaphore_mem>>) src(%dma_wait3A_96 : memref<10240xi32, #tpu.memory_space<hbm>>) dst(%arg6 : memref<10240xi32, #tpu.memory_space<vmem>>)
    %barrier3A = arith.constant 0 : index
    tpu.barrier barrier_id(%barrier3A)
    %dma_start3A_97 = arith.constant 0 : i32
    %dma_start3A_98 = arith.constant 0 : i32
    %dma_start3A_99 = tpu.memref_slice %arg11[%dma_start3A_97, %dma_start3A_98] : memref<10240x128xf32, #tpu.memory_space<vmem_shared>> -> memref<10240x128xf32, #tpu.memory_space<vmem_shared>>
    tpu.enqueue_indirect_dma source(%arg9 : memref<128x128xf32, #tpu.memory_space<vmem>>) target(%dma_start3A_99 : memref<10240x128xf32, #tpu.memory_space<vmem_shared>>) offsets(%arg7 : memref<128xi32, #tpu.memory_space<vmem>>) semaphore(%arg15 : memref<!tpu.dma_semaphore, #tpu.memory_space<semaphore_mem>>) {add = true}
    %dma_start3A_100 = arith.constant 0 : i32
    %dma_start3A_101 = arith.constant 0 : i32
    %dma_start3A_102 = tpu.memref_slice %arg11[%dma_start3A_100, %dma_start3A_101] : memref<10240x128xf32, #tpu.memory_space<vmem_shared>> -> memref<10240x128xf32, #tpu.memory_space<vmem_shared>>
    tpu.enqueue_indirect_dma source(%arg10 : memref<128x128xf32, #tpu.memory_space<vmem>>) target(%dma_start3A_102 : memref<10240x128xf32, #tpu.memory_space<vmem_shared>>) offsets(%arg8 : memref<128xi32, #tpu.memory_space<vmem>>) semaphore(%arg16 : memref<!tpu.dma_semaphore, #tpu.memory_space<semaphore_mem>>) {add = true}
    %scan3A_103 = arith.constant 0 : i32
    %scan3A_104 = arith.constant 0 : i32
    %scan3A_105 = arith.constant 40 : i32
    %scan3A_106 = arith.addi %scan3A_104, %scan3A_105 : i32
    %scan3A_107 = arith.constant 1 : i32
    %scan3A_108 = scf.for %scan3A_121 = %scan3A_104 to %scan3A_106 step %scan3A_107 iter_args(%scan3A_122 = %scan3A_103) -> (i32)  : i32 {
      %mul3A_123 = arith.constant 2 : i32
      %mul3A_124 = arith.muli %mul3A_123, %scan3A_121 : i32
      %add3A_125 = arith.constant 1 : i32
      %add3A_126 = arith.addi %mul3A_124, %add3A_125 : i32
      %dma_wait3A_127 = arith.constant 0 : i32
      %dma_wait3A_128 = arith.constant 0 : i32
      %dma_wait3A_129 = tpu.memref_slice %arg11[%dma_wait3A_127, %dma_wait3A_128] : memref<10240x128xf32, #tpu.memory_space<vmem_shared>> -> memref<10240x128xf32, #tpu.memory_space<vmem_shared>>
      tpu.wait_indirect_dma semaphore(%arg15 : memref<!tpu.dma_semaphore, #tpu.memory_space<semaphore_mem>>) src(%arg9 : memref<128x128xf32, #tpu.memory_space<vmem>>) dst(%dma_wait3A_129 : memref<10240x128xf32, #tpu.memory_space<vmem_shared>>)
      %mul3A_130 = arith.constant 128 : i32
      %mul3A_131 = arith.muli %mul3A_124, %mul3A_130 : i32
      %dma_start3A_132 = tpu.memref_slice %arg6[%mul3A_131] : memref<10240xi32, #tpu.memory_space<vmem>> -> memref<128xi32, #tpu.memory_space<vmem>>
      %dma_start3A_133 = arith.constant 0 : i32
      %dma_start3A_134 = arith.constant 0 : i32
      %dma_start3A_135 = tpu.memref_slice %arg2[%dma_start3A_133, %dma_start3A_134] : memref<10240x128xf32, #tpu.memory_space<hbm>> -> memref<10240x128xf32, #tpu.memory_space<hbm>>
      tpu.enqueue_indirect_dma source(%dma_start3A_135 : memref<10240x128xf32, #tpu.memory_space<hbm>>) target(%arg9 : memref<128x128xf32, #tpu.memory_space<vmem>>) offsets(%dma_start3A_132 : memref<128xi32, #tpu.memory_space<vmem>>) semaphore(%arg13 : memref<!tpu.dma_semaphore, #tpu.memory_space<semaphore_mem>>)
      %mul3A_136 = arith.constant 128 : i32
      %mul3A_137 = arith.muli %mul3A_124, %mul3A_136 : i32
      %add3A_138 = arith.addi %mul3A_2, %mul3A_137 : i32
      %dma_start3A_139 = tpu.memref_slice %arg4[%add3A_138] : memref<327680xi32, #tpu.memory_space<hbm>> -> memref<128xi32, #tpu.memory_space<hbm>>
      %dma_start3A_140 = tpu.memref_slice %arg4[%add3A_138] : memref<327680xi32, #tpu.memory_space<hbm>> -> memref<128xi32, #tpu.memory_space<hbm>>
      tpu.enqueue_dma source(%dma_start3A_140 : memref<128xi32, #tpu.memory_space<hbm>>) target(%arg7 : memref<128xi32, #tpu.memory_space<vmem>>) target_semaphore(%arg17 : memref<!tpu.dma_semaphore, #tpu.memory_space<semaphore_mem>>)
      %dma_wait3A_141 = arith.constant 0 : i32
      %dma_wait3A_142 = arith.constant 0 : i32
      %dma_wait3A_143 = tpu.memref_slice %arg11[%dma_wait3A_141, %dma_wait3A_142] : memref<10240x128xf32, #tpu.memory_space<vmem_shared>> -> memref<10240x128xf32, #tpu.memory_space<vmem_shared>>
      tpu.wait_indirect_dma semaphore(%arg16 : memref<!tpu.dma_semaphore, #tpu.memory_space<semaphore_mem>>) src(%arg10 : memref<128x128xf32, #tpu.memory_space<vmem>>) dst(%dma_wait3A_143 : memref<10240x128xf32, #tpu.memory_space<vmem_shared>>)
      %mul3A_144 = arith.constant 128 : i32
      %mul3A_145 = arith.muli %add3A_126, %mul3A_144 : i32
      %dma_start3A_146 = tpu.memref_slice %arg6[%mul3A_145] : memref<10240xi32, #tpu.memory_space<vmem>> -> memref<128xi32, #tpu.memory_space<vmem>>
      %dma_start3A_147 = arith.constant 0 : i32
      %dma_start3A_148 = arith.constant 0 : i32
      %dma_start3A_149 = tpu.memref_slice %arg2[%dma_start3A_147, %dma_start3A_148] : memref<10240x128xf32, #tpu.memory_space<hbm>> -> memref<10240x128xf32, #tpu.memory_space<hbm>>
      tpu.enqueue_indirect_dma source(%dma_start3A_149 : memref<10240x128xf32, #tpu.memory_space<hbm>>) target(%arg10 : memref<128x128xf32, #tpu.memory_space<vmem>>) offsets(%dma_start3A_146 : memref<128xi32, #tpu.memory_space<vmem>>) semaphore(%arg14 : memref<!tpu.dma_semaphore, #tpu.memory_space<semaphore_mem>>)
      %mul3A_150 = arith.constant 128 : i32
      %mul3A_151 = arith.muli %add3A_126, %mul3A_150 : i32
      %add3A_152 = arith.addi %mul3A_2, %mul3A_151 : i32
      %dma_start3A_153 = tpu.memref_slice %arg4[%add3A_152] : memref<327680xi32, #tpu.memory_space<hbm>> -> memref<128xi32, #tpu.memory_space<hbm>>
      %dma_start3A_154 = tpu.memref_slice %arg4[%add3A_152] : memref<327680xi32, #tpu.memory_space<hbm>> -> memref<128xi32, #tpu.memory_space<hbm>>
      tpu.enqueue_dma source(%dma_start3A_154 : memref<128xi32, #tpu.memory_space<hbm>>) target(%arg8 : memref<128xi32, #tpu.memory_space<vmem>>) target_semaphore(%arg18 : memref<!tpu.dma_semaphore, #tpu.memory_space<semaphore_mem>>)
      %mul3A_155 = arith.constant 128 : i32
      %mul3A_156 = arith.muli %mul3A_124, %mul3A_155 : i32
      %dma_wait3A_157 = tpu.memref_slice %arg6[%mul3A_156] : memref<10240xi32, #tpu.memory_space<vmem>> -> memref<128xi32, #tpu.memory_space<vmem>>
      %dma_wait3A_158 = arith.constant 0 : i32
      %dma_wait3A_159 = arith.constant 0 : i32
      %dma_wait3A_160 = tpu.memref_slice %arg2[%dma_wait3A_158, %dma_wait3A_159] : memref<10240x128xf32, #tpu.memory_space<hbm>> -> memref<10240x128xf32, #tpu.memory_space<hbm>>
      tpu.wait_indirect_dma semaphore(%arg13 : memref<!tpu.dma_semaphore, #tpu.memory_space<semaphore_mem>>) src(%dma_wait3A_160 : memref<10240x128xf32, #tpu.memory_space<hbm>>) dst(%arg9 : memref<128x128xf32, #tpu.memory_space<vmem>>)
      %mul3A_161 = arith.constant 128 : i32
      %mul3A_162 = arith.muli %mul3A_124, %mul3A_161 : i32
      %add3A_163 = arith.addi %mul3A_2, %mul3A_162 : i32
      %dma_wait3A_164 = tpu.memref_slice %arg4[%add3A_163] : memref<327680xi32, #tpu.memory_space<hbm>> -> memref<128xi32, #tpu.memory_space<hbm>>
      %dma_wait3A_165 = tpu.memref_slice %arg4[%add3A_163] : memref<327680xi32, #tpu.memory_space<hbm>> -> memref<128xi32, #tpu.memory_space<hbm>>
      tpu.wait_dma2 semaphore(%arg17 : memref<!tpu.dma_semaphore, #tpu.memory_space<semaphore_mem>>) src(%dma_wait3A_165 : memref<128xi32, #tpu.memory_space<hbm>>) dst(%arg7 : memref<128xi32, #tpu.memory_space<vmem>>)
      %dma_start3A_166 = arith.constant 0 : i32
      %dma_start3A_167 = arith.constant 0 : i32
      %dma_start3A_168 = tpu.memref_slice %arg11[%dma_start3A_166, %dma_start3A_167] : memref<10240x128xf32, #tpu.memory_space<vmem_shared>> -> memref<10240x128xf32, #tpu.memory_space<vmem_shared>>
      tpu.enqueue_indirect_dma source(%arg9 : memref<128x128xf32, #tpu.memory_space<vmem>>) target(%dma_start3A_168 : memref<10240x128xf32, #tpu.memory_space<vmem_shared>>) offsets(%arg7 : memref<128xi32, #tpu.memory_space<vmem>>) semaphore(%arg15 : memref<!tpu.dma_semaphore, #tpu.memory_space<semaphore_mem>>) {add = true}
      %mul3A_169 = arith.constant 128 : i32
      %mul3A_170 = arith.muli %add3A_126, %mul3A_169 : i32
      %dma_wait3A_171 = tpu.memref_slice %arg6[%mul3A_170] : memref<10240xi32, #tpu.memory_space<vmem>> -> memref<128xi32, #tpu.memory_space<vmem>>
      %dma_wait3A_172 = arith.constant 0 : i32
      %dma_wait3A_173 = arith.constant 0 : i32
      %dma_wait3A_174 = tpu.memref_slice %arg2[%dma_wait3A_172, %dma_wait3A_173] : memref<10240x128xf32, #tpu.memory_space<hbm>> -> memref<10240x128xf32, #tpu.memory_space<hbm>>
      tpu.wait_indirect_dma semaphore(%arg14 : memref<!tpu.dma_semaphore, #tpu.memory_space<semaphore_mem>>) src(%dma_wait3A_174 : memref<10240x128xf32, #tpu.memory_space<hbm>>) dst(%arg10 : memref<128x128xf32, #tpu.memory_space<vmem>>)
      %mul3A_175 = arith.constant 128 : i32
      %mul3A_176 = arith.muli %add3A_126, %mul3A_175 : i32
      %add3A_177 = arith.addi %mul3A_2, %mul3A_176 : i32
      %dma_wait3A_178 = tpu.memref_slice %arg4[%add3A_177] : memref<327680xi32, #tpu.memory_space<hbm>> -> memref<128xi32, #tpu.memory_space<hbm>>
      %dma_wait3A_179 = tpu.memref_slice %arg4[%add3A_177] : memref<327680xi32, #tpu.memory_space<hbm>> -> memref<128xi32, #tpu.memory_space<hbm>>
      tpu.wait_dma2 semaphore(%arg18 : memref<!tpu.dma_semaphore, #tpu.memory_space<semaphore_mem>>) src(%dma_wait3A_179 : memref<128xi32, #tpu.memory_space<hbm>>) dst(%arg8 : memref<128xi32, #tpu.memory_space<vmem>>)
      %dma_start3A_180 = arith.constant 0 : i32
      %dma_start3A_181 = arith.constant 0 : i32
      %dma_start3A_182 = tpu.memref_slice %arg11[%dma_start3A_180, %dma_start3A_181] : memref<10240x128xf32, #tpu.memory_space<vmem_shared>> -> memref<10240x128xf32, #tpu.memory_space<vmem_shared>>
      tpu.enqueue_indirect_dma source(%arg10 : memref<128x128xf32, #tpu.memory_space<vmem>>) target(%dma_start3A_182 : memref<10240x128xf32, #tpu.memory_space<vmem_shared>>) offsets(%arg8 : memref<128xi32, #tpu.memory_space<vmem>>) semaphore(%arg16 : memref<!tpu.dma_semaphore, #tpu.memory_space<semaphore_mem>>) {add = true}
      %scan3A_183 = arith.constant 0 : i32
      scf.yield %scan3A_183 : i32
    }
    %scan3A_109 = arith.constant 40 : i32
    %dma_wait3A_110 = arith.constant 0 : i32
    %dma_wait3A_111 = arith.constant 0 : i32
    %dma_wait3A_112 = tpu.memref_slice %arg11[%dma_wait3A_110, %dma_wait3A_111] : memref<10240x128xf32, #tpu.memory_space<vmem_shared>> -> memref<10240x128xf32, #tpu.memory_space<vmem_shared>>
    tpu.wait_indirect_dma semaphore(%arg15 : memref<!tpu.dma_semaphore, #tpu.memory_space<semaphore_mem>>) src(%arg9 : memref<128x128xf32, #tpu.memory_space<vmem>>) dst(%dma_wait3A_112 : memref<10240x128xf32, #tpu.memory_space<vmem_shared>>)
    %dma_wait3A_113 = arith.constant 0 : i32
    %dma_wait3A_114 = arith.constant 0 : i32
    %dma_wait3A_115 = tpu.memref_slice %arg11[%dma_wait3A_113, %dma_wait3A_114] : memref<10240x128xf32, #tpu.memory_space<vmem_shared>> -> memref<10240x128xf32, #tpu.memory_space<vmem_shared>>
    tpu.wait_indirect_dma semaphore(%arg16 : memref<!tpu.dma_semaphore, #tpu.memory_space<semaphore_mem>>) src(%arg10 : memref<128x128xf32, #tpu.memory_space<vmem>>) dst(%dma_wait3A_115 : memref<10240x128xf32, #tpu.memory_space<vmem_shared>>)
    %barrier3A_116 = arith.constant 0 : index
    tpu.barrier barrier_id(%barrier3A_116)
    %mul3A_117 = arith.constant 640 : i32
    %mul3A_118 = arith.muli %arg1, %mul3A_117 : i32
    %mul3A_119 = arith.constant 640 : i32
    %mul3A_120 = arith.muli %arg1, %mul3A_119 : i32
    "tpu.region"() ({
      %run_scoped3A = tpu.sem_alloc : memref<!tpu.dma_semaphore, #tpu.memory_space<semaphore_mem>>
      %dma_start3A_121 = arith.constant 0 : i32
      %dma_start3A_122 = tpu.memref_slice %arg5[%arg0, %mul3A_120, %dma_start3A_121] : memref<2x10240x128xf32, #tpu.memory_space<hbm>> -> memref<1x640x128xf32, #tpu.memory_space<hbm>>
      %dma_start3A_123 = tpu.memref_squeeze %dma_start3A_122 : memref<1x640x128xf32, #tpu.memory_space<hbm>> -> memref<640x128xf32, #tpu.memory_space<hbm>>
      %dma_start3A_124 = arith.constant 0 : i32
      %dma_start3A_125 = tpu.memref_slice %arg11[%mul3A_118, %dma_start3A_124] : memref<10240x128xf32, #tpu.memory_space<vmem_shared>> -> memref<640x128xf32, #tpu.memory_space<vmem_shared>>
      tpu.enqueue_dma source(%dma_start3A_125 : memref<640x128xf32, #tpu.memory_space<vmem_shared>>) target(%dma_start3A_123 : memref<640x128xf32, #tpu.memory_space<hbm>>) target_semaphore(%run_scoped3A : memref<!tpu.dma_semaphore, #tpu.memory_space<semaphore_mem>>)
      %dma_wait3A_126 = arith.constant 0 : i32
      %dma_wait3A_127 = tpu.memref_slice %arg5[%arg0, %mul3A_120, %dma_wait3A_126] : memref<2x10240x128xf32, #tpu.memory_space<hbm>> -> memref<1x640x128xf32, #tpu.memory_space<hbm>>
      %dma_wait3A_128 = tpu.memref_squeeze %dma_wait3A_127 : memref<1x640x128xf32, #tpu.memory_space<hbm>> -> memref<640x128xf32, #tpu.memory_space<hbm>>
      %dma_wait3A_129 = arith.constant 0 : i32
      %dma_wait3A_130 = tpu.memref_slice %arg11[%mul3A_118, %dma_wait3A_129] : memref<10240x128xf32, #tpu.memory_space<vmem_shared>> -> memref<640x128xf32, #tpu.memory_space<vmem_shared>>
      tpu.wait_dma2 semaphore(%run_scoped3A : memref<!tpu.dma_semaphore, #tpu.memory_space<semaphore_mem>>) src(%dma_wait3A_130 : memref<640x128xf32, #tpu.memory_space<vmem_shared>>) dst(%dma_wait3A_128 : memref<640x128xf32, #tpu.memory_space<hbm>>)
      tpu.yield
    }) : () -> ()
    return
  }
}

#map = affine_map<(d0, d1) -> (0)>
#map1 = affine_map<(d0, d1) -> (0, 0, 0)>
module attributes {stable_mosaic.version = 14 : i64} {
  func.func @_deg_body(%arg0: i32, %arg1: i32, %arg2: memref<327680xi32, #tpu.memory_space<hbm>>, %arg3: memref<327680xi32, #tpu.memory_space<hbm>>, %arg4: memref<2x2x10240xf32, #tpu.memory_space<hbm>>, %arg5: memref<128xi32, #tpu.memory_space<vmem>>, %arg6: memref<128xi32, #tpu.memory_space<vmem>>, %arg7: memref<128xi32, #tpu.memory_space<vmem>>, %arg8: memref<128xi32, #tpu.memory_space<vmem>>, %arg9: memref<128xf32, #tpu.memory_space<vmem>>, %arg10: memref<128xf32, #tpu.memory_space<vmem>>, %arg11: memref<640xf32, #tpu.memory_space<vmem>>, %arg12: memref<10240xf32, #tpu.memory_space<vmem_shared>>, %arg13: memref<10240xf32, #tpu.memory_space<vmem_shared>>, %arg14: memref<!tpu.dma_semaphore, #tpu.memory_space<semaphore_mem>>, %arg15: memref<!tpu.dma_semaphore, #tpu.memory_space<semaphore_mem>>, %arg16: memref<!tpu.dma_semaphore, #tpu.memory_space<semaphore_mem>>, %arg17: memref<!tpu.dma_semaphore, #tpu.memory_space<semaphore_mem>>, %arg18: memref<!tpu.dma_semaphore, #tpu.memory_space<semaphore_mem>>, %arg19: memref<!tpu.dma_semaphore, #tpu.memory_space<semaphore_mem>>, %arg20: memref<!tpu.dma_semaphore, #tpu.memory_space<semaphore_mem>>, %arg21: memref<!tpu.dma_semaphore, #tpu.memory_space<semaphore_mem>>) attributes {dimension_semantics = [#tpu.dimension_semantics<core_parallel>, #tpu.dimension_semantics<subcore_parallel>], iteration_bounds = array<i64: 2, 16>, scalar_prefetch = 0 : i64, scratch_operands = 17 : i64, tpu.core_type = #tpu.core_type<sc_vector_subcore>, window_params = [{transform_indices = #map}, {transform_indices = #map}, {transform_indices = #map1}]} {
    %mul3A = arith.constant 2 : i32
    %mul3A_0 = arith.muli %arg1, %mul3A : i32
    %add3A = arith.addi %mul3A_0, %arg0 : i32
    %mul3A_1 = arith.constant 10240 : i32
    %mul3A_2 = arith.muli %add3A, %mul3A_1 : i32
    %broadcast_in_dim3A = arith.constant 0.000000e+00 : f32
    %broadcast_in_dim3A_3 = vector.broadcast %broadcast_in_dim3A : f32 to vector<16xf32>
    %broadcast_in_dim3A_4 = arith.constant 0 : i32
    %broadcast_in_dim3A_5 = vector.broadcast %broadcast_in_dim3A_4 : i32 to vector<16xi32>
    %add3A_6 = arith.constant 1.000000e+00 : f32
    %add3A_7 = vector.broadcast %add3A_6 : f32 to vector<16xf32>
    %add3A_8 = arith.addf %broadcast_in_dim3A_3, %add3A_7 : vector<16xf32>
    %swap3A = arith.constant 0 : index
    %swap3A_9 = tpu.vector_load %arg9[%swap3A] {strides = array<i32>} : memref<128xf32, #tpu.memory_space<vmem>>, vector<16xf32>,
    %swap3A_10 = vector.shape_cast %swap3A_9 : vector<16xf32> to vector<16xf32>
    %swap3A_11 = vector.shape_cast %add3A_8 : vector<16xf32> to vector<16xf32>
    tpu.vector_store %arg9[%swap3A], %swap3A_11 {strides = array<i32>} : memref<128xf32, #tpu.memory_space<vmem>>, vector<16xf32>,
    %swap3A_12 = arith.constant 0 : index
    %swap3A_13 = tpu.vector_load %arg10[%swap3A_12] {strides = array<i32>} : memref<128xf32, #tpu.memory_space<vmem>>, vector<16xf32>,
    %swap3A_14 = vector.shape_cast %swap3A_13 : vector<16xf32> to vector<16xf32>
    %swap3A_15 = vector.shape_cast %broadcast_in_dim3A_3 : vector<16xf32> to vector<16xf32>
    tpu.vector_store %arg10[%swap3A_12], %swap3A_15 {strides = array<i32>} : memref<128xf32, #tpu.memory_space<vmem>>, vector<16xf32>,
    %swap3A_16 = arith.constant 0 : index
    %swap3A_17 = tpu.vector_load %arg5[%swap3A_16] {strides = array<i32>} : memref<128xi32, #tpu.memory_space<vmem>>, vector<16xi32>,
    %swap3A_18 = vector.shape_cast %swap3A_17 : vector<16xi32> to vector<16xi32>
    %swap3A_19 = vector.shape_cast %broadcast_in_dim3A_5 : vector<16xi32> to vector<16xi32>
    tpu.vector_store %arg5[%swap3A_16], %swap3A_19 {strides = array<i32>} : memref<128xi32, #tpu.memory_space<vmem>>, vector<16xi32>,
    %swap3A_20 = arith.constant 0 : index
    %swap3A_21 = tpu.vector_load %arg6[%swap3A_20] {strides = array<i32>} : memref<128xi32, #tpu.memory_space<vmem>>, vector<16xi32>,
    %swap3A_22 = vector.shape_cast %swap3A_21 : vector<16xi32> to vector<16xi32>
    %swap3A_23 = vector.shape_cast %broadcast_in_dim3A_5 : vector<16xi32> to vector<16xi32>
    tpu.vector_store %arg6[%swap3A_20], %swap3A_23 {strides = array<i32>} : memref<128xi32, #tpu.memory_space<vmem>>, vector<16xi32>,
    %swap3A_24 = arith.constant 0 : index
    %swap3A_25 = tpu.vector_load %arg7[%swap3A_24] {strides = array<i32>} : memref<128xi32, #tpu.memory_space<vmem>>, vector<16xi32>,
    %swap3A_26 = vector.shape_cast %swap3A_25 : vector<16xi32> to vector<16xi32>
    %swap3A_27 = vector.shape_cast %broadcast_in_dim3A_5 : vector<16xi32> to vector<16xi32>
    tpu.vector_store %arg7[%swap3A_24], %swap3A_27 {strides = array<i32>} : memref<128xi32, #tpu.memory_space<vmem>>, vector<16xi32>,
    %swap3A_28 = arith.constant 0 : index
    %swap3A_29 = tpu.vector_load %arg8[%swap3A_28] {strides = array<i32>} : memref<128xi32, #tpu.memory_space<vmem>>, vector<16xi32>,
    %swap3A_30 = vector.shape_cast %swap3A_29 : vector<16xi32> to vector<16xi32>
    %swap3A_31 = vector.shape_cast %broadcast_in_dim3A_5 : vector<16xi32> to vector<16xi32>
    tpu.vector_store %arg8[%swap3A_28], %swap3A_31 {strides = array<i32>} : memref<128xi32, #tpu.memory_space<vmem>>, vector<16xi32>,
    %add3A_32 = arith.constant 1.000000e+00 : f32
    %add3A_33 = vector.broadcast %add3A_32 : f32 to vector<16xf32>
    %add3A_34 = arith.addf %broadcast_in_dim3A_3, %add3A_33 : vector<16xf32>
    %swap3A_35 = arith.constant 16 : index
    %swap3A_36 = tpu.vector_load %arg9[%swap3A_35] {strides = array<i32>} : memref<128xf32, #tpu.memory_space<vmem>>, vector<16xf32>,
    %swap3A_37 = vector.shape_cast %swap3A_36 : vector<16xf32> to vector<16xf32>
    %swap3A_38 = vector.shape_cast %add3A_34 : vector<16xf32> to vector<16xf32>
    tpu.vector_store %arg9[%swap3A_35], %swap3A_38 {strides = array<i32>} : memref<128xf32, #tpu.memory_space<vmem>>, vector<16xf32>,
    %swap3A_39 = arith.constant 16 : index
    %swap3A_40 = tpu.vector_load %arg10[%swap3A_39] {strides = array<i32>} : memref<128xf32, #tpu.memory_space<vmem>>, vector<16xf32>,
    %swap3A_41 = vector.shape_cast %swap3A_40 : vector<16xf32> to vector<16xf32>
    %swap3A_42 = vector.shape_cast %broadcast_in_dim3A_3 : vector<16xf32> to vector<16xf32>
    tpu.vector_store %arg10[%swap3A_39], %swap3A_42 {strides = array<i32>} : memref<128xf32, #tpu.memory_space<vmem>>, vector<16xf32>,
    %swap3A_43 = arith.constant 16 : index
    %swap3A_44 = tpu.vector_load %arg5[%swap3A_43] {strides = array<i32>} : memref<128xi32, #tpu.memory_space<vmem>>, vector<16xi32>,
    %swap3A_45 = vector.shape_cast %swap3A_44 : vector<16xi32> to vector<16xi32>
    %swap3A_46 = vector.shape_cast %broadcast_in_dim3A_5 : vector<16xi32> to vector<16xi32>
    tpu.vector_store %arg5[%swap3A_43], %swap3A_46 {strides = array<i32>} : memref<128xi32, #tpu.memory_space<vmem>>, vector<16xi32>,
    %swap3A_47 = arith.constant 16 : index
    %swap3A_48 = tpu.vector_load %arg6[%swap3A_47] {strides = array<i32>} : memref<128xi32, #tpu.memory_space<vmem>>, vector<16xi32>,
    %swap3A_49 = vector.shape_cast %swap3A_48 : vector<16xi32> to vector<16xi32>
    %swap3A_50 = vector.shape_cast %broadcast_in_dim3A_5 : vector<16xi32> to vector<16xi32>
    tpu.vector_store %arg6[%swap3A_47], %swap3A_50 {strides = array<i32>} : memref<128xi32, #tpu.memory_space<vmem>>, vector<16xi32>,
    %swap3A_51 = arith.constant 16 : index
    %swap3A_52 = tpu.vector_load %arg7[%swap3A_51] {strides = array<i32>} : memref<128xi32, #tpu.memory_space<vmem>>, vector<16xi32>,
    %swap3A_53 = vector.shape_cast %swap3A_52 : vector<16xi32> to vector<16xi32>
    %swap3A_54 = vector.shape_cast %broadcast_in_dim3A_5 : vector<16xi32> to vector<16xi32>
    tpu.vector_store %arg7[%swap3A_51], %swap3A_54 {strides = array<i32>} : memref<128xi32, #tpu.memory_space<vmem>>, vector<16xi32>,
    %swap3A_55 = arith.constant 16 : index
    %swap3A_56 = tpu.vector_load %arg8[%swap3A_55] {strides = array<i32>} : memref<128xi32, #tpu.memory_space<vmem>>, vector<16xi32>,
    %swap3A_57 = vector.shape_cast %swap3A_56 : vector<16xi32> to vector<16xi32>
    %swap3A_58 = vector.shape_cast %broadcast_in_dim3A_5 : vector<16xi32> to vector<16xi32>
    tpu.vector_store %arg8[%swap3A_55], %swap3A_58 {strides = array<i32>} : memref<128xi32, #tpu.memory_space<vmem>>, vector<16xi32>,
    %add3A_59 = arith.constant 1.000000e+00 : f32
    %add3A_60 = vector.broadcast %add3A_59 : f32 to vector<16xf32>
    %add3A_61 = arith.addf %broadcast_in_dim3A_3, %add3A_60 : vector<16xf32>
    %swap3A_62 = arith.constant 32 : index
    %swap3A_63 = tpu.vector_load %arg9[%swap3A_62] {strides = array<i32>} : memref<128xf32, #tpu.memory_space<vmem>>, vector<16xf32>,
    %swap3A_64 = vector.shape_cast %swap3A_63 : vector<16xf32> to vector<16xf32>
    %swap3A_65 = vector.shape_cast %add3A_61 : vector<16xf32> to vector<16xf32>
    tpu.vector_store %arg9[%swap3A_62], %swap3A_65 {strides = array<i32>} : memref<128xf32, #tpu.memory_space<vmem>>, vector<16xf32>,
    %swap3A_66 = arith.constant 32 : index
    %swap3A_67 = tpu.vector_load %arg10[%swap3A_66] {strides = array<i32>} : memref<128xf32, #tpu.memory_space<vmem>>, vector<16xf32>,
    %swap3A_68 = vector.shape_cast %swap3A_67 : vector<16xf32> to vector<16xf32>
    %swap3A_69 = vector.shape_cast %broadcast_in_dim3A_3 : vector<16xf32> to vector<16xf32>
    tpu.vector_store %arg10[%swap3A_66], %swap3A_69 {strides = array<i32>} : memref<128xf32, #tpu.memory_space<vmem>>, vector<16xf32>,
    %swap3A_70 = arith.constant 32 : index
    %swap3A_71 = tpu.vector_load %arg5[%swap3A_70] {strides = array<i32>} : memref<128xi32, #tpu.memory_space<vmem>>, vector<16xi32>,
    %swap3A_72 = vector.shape_cast %swap3A_71 : vector<16xi32> to vector<16xi32>
    %swap3A_73 = vector.shape_cast %broadcast_in_dim3A_5 : vector<16xi32> to vector<16xi32>
    tpu.vector_store %arg5[%swap3A_70], %swap3A_73 {strides = array<i32>} : memref<128xi32, #tpu.memory_space<vmem>>, vector<16xi32>,
    %swap3A_74 = arith.constant 32 : index
    %swap3A_75 = tpu.vector_load %arg6[%swap3A_74] {strides = array<i32>} : memref<128xi32, #tpu.memory_space<vmem>>, vector<16xi32>,
    %swap3A_76 = vector.shape_cast %swap3A_75 : vector<16xi32> to vector<16xi32>
    %swap3A_77 = vector.shape_cast %broadcast_in_dim3A_5 : vector<16xi32> to vector<16xi32>
    tpu.vector_store %arg6[%swap3A_74], %swap3A_77 {strides = array<i32>} : memref<128xi32, #tpu.memory_space<vmem>>, vector<16xi32>,
    %swap3A_78 = arith.constant 32 : index
    %swap3A_79 = tpu.vector_load %arg7[%swap3A_78] {strides = array<i32>} : memref<128xi32, #tpu.memory_space<vmem>>, vector<16xi32>,
    %swap3A_80 = vector.shape_cast %swap3A_79 : vector<16xi32> to vector<16xi32>
    %swap3A_81 = vector.shape_cast %broadcast_in_dim3A_5 : vector<16xi32> to vector<16xi32>
    tpu.vector_store %arg7[%swap3A_78], %swap3A_81 {strides = array<i32>} : memref<128xi32, #tpu.memory_space<vmem>>, vector<16xi32>,
    %swap3A_82 = arith.constant 32 : index
    %swap3A_83 = tpu.vector_load %arg8[%swap3A_82] {strides = array<i32>} : memref<128xi32, #tpu.memory_space<vmem>>, vector<16xi32>,
    %swap3A_84 = vector.shape_cast %swap3A_83 : vector<16xi32> to vector<16xi32>
    %swap3A_85 = vector.shape_cast %broadcast_in_dim3A_5 : vector<16xi32> to vector<16xi32>
    tpu.vector_store %arg8[%swap3A_82], %swap3A_85 {strides = array<i32>} : memref<128xi32, #tpu.memory_space<vmem>>, vector<16xi32>,
    %add3A_86 = arith.constant 1.000000e+00 : f32
    %add3A_87 = vector.broadcast %add3A_86 : f32 to vector<16xf32>
    %add3A_88 = arith.addf %broadcast_in_dim3A_3, %add3A_87 : vector<16xf32>
    %swap3A_89 = arith.constant 48 : index
    %swap3A_90 = tpu.vector_load %arg9[%swap3A_89] {strides = array<i32>} : memref<128xf32, #tpu.memory_space<vmem>>, vector<16xf32>,
    %swap3A_91 = vector.shape_cast %swap3A_90 : vector<16xf32> to vector<16xf32>
    %swap3A_92 = vector.shape_cast %add3A_88 : vector<16xf32> to vector<16xf32>
    tpu.vector_store %arg9[%swap3A_89], %swap3A_92 {strides = array<i32>} : memref<128xf32, #tpu.memory_space<vmem>>, vector<16xf32>,
    %swap3A_93 = arith.constant 48 : index
    %swap3A_94 = tpu.vector_load %arg10[%swap3A_93] {strides = array<i32>} : memref<128xf32, #tpu.memory_space<vmem>>, vector<16xf32>,
    %swap3A_95 = vector.shape_cast %swap3A_94 : vector<16xf32> to vector<16xf32>
    %swap3A_96 = vector.shape_cast %broadcast_in_dim3A_3 : vector<16xf32> to vector<16xf32>
    tpu.vector_store %arg10[%swap3A_93], %swap3A_96 {strides = array<i32>} : memref<128xf32, #tpu.memory_space<vmem>>, vector<16xf32>,
    %swap3A_97 = arith.constant 48 : index
    %swap3A_98 = tpu.vector_load %arg5[%swap3A_97] {strides = array<i32>} : memref<128xi32, #tpu.memory_space<vmem>>, vector<16xi32>,
    %swap3A_99 = vector.shape_cast %swap3A_98 : vector<16xi32> to vector<16xi32>
    %swap3A_100 = vector.shape_cast %broadcast_in_dim3A_5 : vector<16xi32> to vector<16xi32>
    tpu.vector_store %arg5[%swap3A_97], %swap3A_100 {strides = array<i32>} : memref<128xi32, #tpu.memory_space<vmem>>, vector<16xi32>,
    %swap3A_101 = arith.constant 48 : index
    %swap3A_102 = tpu.vector_load %arg6[%swap3A_101] {strides = array<i32>} : memref<128xi32, #tpu.memory_space<vmem>>, vector<16xi32>,
    %swap3A_103 = vector.shape_cast %swap3A_102 : vector<16xi32> to vector<16xi32>
    %swap3A_104 = vector.shape_cast %broadcast_in_dim3A_5 : vector<16xi32> to vector<16xi32>
    tpu.vector_store %arg6[%swap3A_101], %swap3A_104 {strides = array<i32>} : memref<128xi32, #tpu.memory_space<vmem>>, vector<16xi32>,
    %swap3A_105 = arith.constant 48 : index
    %swap3A_106 = tpu.vector_load %arg7[%swap3A_105] {strides = array<i32>} : memref<128xi32, #tpu.memory_space<vmem>>, vector<16xi32>,
    %swap3A_107 = vector.shape_cast %swap3A_106 : vector<16xi32> to vector<16xi32>
    %swap3A_108 = vector.shape_cast %broadcast_in_dim3A_5 : vector<16xi32> to vector<16xi32>
    tpu.vector_store %arg7[%swap3A_105], %swap3A_108 {strides = array<i32>} : memref<128xi32, #tpu.memory_space<vmem>>, vector<16xi32>,
    %swap3A_109 = arith.constant 48 : index
    %swap3A_110 = tpu.vector_load %arg8[%swap3A_109] {strides = array<i32>} : memref<128xi32, #tpu.memory_space<vmem>>, vector<16xi32>,
    %swap3A_111 = vector.shape_cast %swap3A_110 : vector<16xi32> to vector<16xi32>
    %swap3A_112 = vector.shape_cast %broadcast_in_dim3A_5 : vector<16xi32> to vector<16xi32>
    tpu.vector_store %arg8[%swap3A_109], %swap3A_112 {strides = array<i32>} : memref<128xi32, #tpu.memory_space<vmem>>, vector<16xi32>,
    %add3A_113 = arith.constant 1.000000e+00 : f32
    %add3A_114 = vector.broadcast %add3A_113 : f32 to vector<16xf32>
    %add3A_115 = arith.addf %broadcast_in_dim3A_3, %add3A_114 : vector<16xf32>
    %swap3A_116 = arith.constant 64 : index
    %swap3A_117 = tpu.vector_load %arg9[%swap3A_116] {strides = array<i32>} : memref<128xf32, #tpu.memory_space<vmem>>, vector<16xf32>,
    %swap3A_118 = vector.shape_cast %swap3A_117 : vector<16xf32> to vector<16xf32>
    %swap3A_119 = vector.shape_cast %add3A_115 : vector<16xf32> to vector<16xf32>
    tpu.vector_store %arg9[%swap3A_116], %swap3A_119 {strides = array<i32>} : memref<128xf32, #tpu.memory_space<vmem>>, vector<16xf32>,
    %swap3A_120 = arith.constant 64 : index
    %swap3A_121 = tpu.vector_load %arg10[%swap3A_120] {strides = array<i32>} : memref<128xf32, #tpu.memory_space<vmem>>, vector<16xf32>,
    %swap3A_122 = vector.shape_cast %swap3A_121 : vector<16xf32> to vector<16xf32>
    %swap3A_123 = vector.shape_cast %broadcast_in_dim3A_3 : vector<16xf32> to vector<16xf32>
    tpu.vector_store %arg10[%swap3A_120], %swap3A_123 {strides = array<i32>} : memref<128xf32, #tpu.memory_space<vmem>>, vector<16xf32>,
    %swap3A_124 = arith.constant 64 : index
    %swap3A_125 = tpu.vector_load %arg5[%swap3A_124] {strides = array<i32>} : memref<128xi32, #tpu.memory_space<vmem>>, vector<16xi32>,
    %swap3A_126 = vector.shape_cast %swap3A_125 : vector<16xi32> to vector<16xi32>
    %swap3A_127 = vector.shape_cast %broadcast_in_dim3A_5 : vector<16xi32> to vector<16xi32>
    tpu.vector_store %arg5[%swap3A_124], %swap3A_127 {strides = array<i32>} : memref<128xi32, #tpu.memory_space<vmem>>, vector<16xi32>,
    %swap3A_128 = arith.constant 64 : index
    %swap3A_129 = tpu.vector_load %arg6[%swap3A_128] {strides = array<i32>} : memref<128xi32, #tpu.memory_space<vmem>>, vector<16xi32>,
    %swap3A_130 = vector.shape_cast %swap3A_129 : vector<16xi32> to vector<16xi32>
    %swap3A_131 = vector.shape_cast %broadcast_in_dim3A_5 : vector<16xi32> to vector<16xi32>
    tpu.vector_store %arg6[%swap3A_128], %swap3A_131 {strides = array<i32>} : memref<128xi32, #tpu.memory_space<vmem>>, vector<16xi32>,
    %swap3A_132 = arith.constant 64 : index
    %swap3A_133 = tpu.vector_load %arg7[%swap3A_132] {strides = array<i32>} : memref<128xi32, #tpu.memory_space<vmem>>, vector<16xi32>,
    %swap3A_134 = vector.shape_cast %swap3A_133 : vector<16xi32> to vector<16xi32>
    %swap3A_135 = vector.shape_cast %broadcast_in_dim3A_5 : vector<16xi32> to vector<16xi32>
    tpu.vector_store %arg7[%swap3A_132], %swap3A_135 {strides = array<i32>} : memref<128xi32, #tpu.memory_space<vmem>>, vector<16xi32>,
    %swap3A_136 = arith.constant 64 : index
    %swap3A_137 = tpu.vector_load %arg8[%swap3A_136] {strides = array<i32>} : memref<128xi32, #tpu.memory_space<vmem>>, vector<16xi32>,
    %swap3A_138 = vector.shape_cast %swap3A_137 : vector<16xi32> to vector<16xi32>
    %swap3A_139 = vector.shape_cast %broadcast_in_dim3A_5 : vector<16xi32> to vector<16xi32>
    tpu.vector_store %arg8[%swap3A_136], %swap3A_139 {strides = array<i32>} : memref<128xi32, #tpu.memory_space<vmem>>, vector<16xi32>,
    %add3A_140 = arith.constant 1.000000e+00 : f32
    %add3A_141 = vector.broadcast %add3A_140 : f32 to vector<16xf32>
    %add3A_142 = arith.addf %broadcast_in_dim3A_3, %add3A_141 : vector<16xf32>
    %swap3A_143 = arith.constant 80 : index
    %swap3A_144 = tpu.vector_load %arg9[%swap3A_143] {strides = array<i32>} : memref<128xf32, #tpu.memory_space<vmem>>, vector<16xf32>,
    %swap3A_145 = vector.shape_cast %swap3A_144 : vector<16xf32> to vector<16xf32>
    %swap3A_146 = vector.shape_cast %add3A_142 : vector<16xf32> to vector<16xf32>
    tpu.vector_store %arg9[%swap3A_143], %swap3A_146 {strides = array<i32>} : memref<128xf32, #tpu.memory_space<vmem>>, vector<16xf32>,
    %swap3A_147 = arith.constant 80 : index
    %swap3A_148 = tpu.vector_load %arg10[%swap3A_147] {strides = array<i32>} : memref<128xf32, #tpu.memory_space<vmem>>, vector<16xf32>,
    %swap3A_149 = vector.shape_cast %swap3A_148 : vector<16xf32> to vector<16xf32>
    %swap3A_150 = vector.shape_cast %broadcast_in_dim3A_3 : vector<16xf32> to vector<16xf32>
    tpu.vector_store %arg10[%swap3A_147], %swap3A_150 {strides = array<i32>} : memref<128xf32, #tpu.memory_space<vmem>>, vector<16xf32>,
    %swap3A_151 = arith.constant 80 : index
    %swap3A_152 = tpu.vector_load %arg5[%swap3A_151] {strides = array<i32>} : memref<128xi32, #tpu.memory_space<vmem>>, vector<16xi32>,
    %swap3A_153 = vector.shape_cast %swap3A_152 : vector<16xi32> to vector<16xi32>
    %swap3A_154 = vector.shape_cast %broadcast_in_dim3A_5 : vector<16xi32> to vector<16xi32>
    tpu.vector_store %arg5[%swap3A_151], %swap3A_154 {strides = array<i32>} : memref<128xi32, #tpu.memory_space<vmem>>, vector<16xi32>,
    %swap3A_155 = arith.constant 80 : index
    %swap3A_156 = tpu.vector_load %arg6[%swap3A_155] {strides = array<i32>} : memref<128xi32, #tpu.memory_space<vmem>>, vector<16xi32>,
    %swap3A_157 = vector.shape_cast %swap3A_156 : vector<16xi32> to vector<16xi32>
    %swap3A_158 = vector.shape_cast %broadcast_in_dim3A_5 : vector<16xi32> to vector<16xi32>
    tpu.vector_store %arg6[%swap3A_155], %swap3A_158 {strides = array<i32>} : memref<128xi32, #tpu.memory_space<vmem>>, vector<16xi32>,
    %swap3A_159 = arith.constant 80 : index
    %swap3A_160 = tpu.vector_load %arg7[%swap3A_159] {strides = array<i32>} : memref<128xi32, #tpu.memory_space<vmem>>, vector<16xi32>,
    %swap3A_161 = vector.shape_cast %swap3A_160 : vector<16xi32> to vector<16xi32>
    %swap3A_162 = vector.shape_cast %broadcast_in_dim3A_5 : vector<16xi32> to vector<16xi32>
    tpu.vector_store %arg7[%swap3A_159], %swap3A_162 {strides = array<i32>} : memref<128xi32, #tpu.memory_space<vmem>>, vector<16xi32>,
    %swap3A_163 = arith.constant 80 : index
    %swap3A_164 = tpu.vector_load %arg8[%swap3A_163] {strides = array<i32>} : memref<128xi32, #tpu.memory_space<vmem>>, vector<16xi32>,
    %swap3A_165 = vector.shape_cast %swap3A_164 : vector<16xi32> to vector<16xi32>
    %swap3A_166 = vector.shape_cast %broadcast_in_dim3A_5 : vector<16xi32> to vector<16xi32>
    tpu.vector_store %arg8[%swap3A_163], %swap3A_166 {strides = array<i32>} : memref<128xi32, #tpu.memory_space<vmem>>, vector<16xi32>,
    %add3A_167 = arith.constant 1.000000e+00 : f32
    %add3A_168 = vector.broadcast %add3A_167 : f32 to vector<16xf32>
    %add3A_169 = arith.addf %broadcast_in_dim3A_3, %add3A_168 : vector<16xf32>
    %swap3A_170 = arith.constant 96 : index
    %swap3A_171 = tpu.vector_load %arg9[%swap3A_170] {strides = array<i32>} : memref<128xf32, #tpu.memory_space<vmem>>, vector<16xf32>,
    %swap3A_172 = vector.shape_cast %swap3A_171 : vector<16xf32> to vector<16xf32>
    %swap3A_173 = vector.shape_cast %add3A_169 : vector<16xf32> to vector<16xf32>
    tpu.vector_store %arg9[%swap3A_170], %swap3A_173 {strides = array<i32>} : memref<128xf32, #tpu.memory_space<vmem>>, vector<16xf32>,
    %swap3A_174 = arith.constant 96 : index
    %swap3A_175 = tpu.vector_load %arg10[%swap3A_174] {strides = array<i32>} : memref<128xf32, #tpu.memory_space<vmem>>, vector<16xf32>,
    %swap3A_176 = vector.shape_cast %swap3A_175 : vector<16xf32> to vector<16xf32>
    %swap3A_177 = vector.shape_cast %broadcast_in_dim3A_3 : vector<16xf32> to vector<16xf32>
    tpu.vector_store %arg10[%swap3A_174], %swap3A_177 {strides = array<i32>} : memref<128xf32, #tpu.memory_space<vmem>>, vector<16xf32>,
    %swap3A_178 = arith.constant 96 : index
    %swap3A_179 = tpu.vector_load %arg5[%swap3A_178] {strides = array<i32>} : memref<128xi32, #tpu.memory_space<vmem>>, vector<16xi32>,
    %swap3A_180 = vector.shape_cast %swap3A_179 : vector<16xi32> to vector<16xi32>
    %swap3A_181 = vector.shape_cast %broadcast_in_dim3A_5 : vector<16xi32> to vector<16xi32>
    tpu.vector_store %arg5[%swap3A_178], %swap3A_181 {strides = array<i32>} : memref<128xi32, #tpu.memory_space<vmem>>, vector<16xi32>,
    %swap3A_182 = arith.constant 96 : index
    %swap3A_183 = tpu.vector_load %arg6[%swap3A_182] {strides = array<i32>} : memref<128xi32, #tpu.memory_space<vmem>>, vector<16xi32>,
    %swap3A_184 = vector.shape_cast %swap3A_183 : vector<16xi32> to vector<16xi32>
    %swap3A_185 = vector.shape_cast %broadcast_in_dim3A_5 : vector<16xi32> to vector<16xi32>
    tpu.vector_store %arg6[%swap3A_182], %swap3A_185 {strides = array<i32>} : memref<128xi32, #tpu.memory_space<vmem>>, vector<16xi32>,
    %swap3A_186 = arith.constant 96 : index
    %swap3A_187 = tpu.vector_load %arg7[%swap3A_186] {strides = array<i32>} : memref<128xi32, #tpu.memory_space<vmem>>, vector<16xi32>,
    %swap3A_188 = vector.shape_cast %swap3A_187 : vector<16xi32> to vector<16xi32>
    %swap3A_189 = vector.shape_cast %broadcast_in_dim3A_5 : vector<16xi32> to vector<16xi32>
    tpu.vector_store %arg7[%swap3A_186], %swap3A_189 {strides = array<i32>} : memref<128xi32, #tpu.memory_space<vmem>>, vector<16xi32>,
    %swap3A_190 = arith.constant 96 : index
    %swap3A_191 = tpu.vector_load %arg8[%swap3A_190] {strides = array<i32>} : memref<128xi32, #tpu.memory_space<vmem>>, vector<16xi32>,
    %swap3A_192 = vector.shape_cast %swap3A_191 : vector<16xi32> to vector<16xi32>
    %swap3A_193 = vector.shape_cast %broadcast_in_dim3A_5 : vector<16xi32> to vector<16xi32>
    tpu.vector_store %arg8[%swap3A_190], %swap3A_193 {strides = array<i32>} : memref<128xi32, #tpu.memory_space<vmem>>, vector<16xi32>,
    %add3A_194 = arith.constant 1.000000e+00 : f32
    %add3A_195 = vector.broadcast %add3A_194 : f32 to vector<16xf32>
    %add3A_196 = arith.addf %broadcast_in_dim3A_3, %add3A_195 : vector<16xf32>
    %swap3A_197 = arith.constant 112 : index
    %swap3A_198 = tpu.vector_load %arg9[%swap3A_197] {strides = array<i32>} : memref<128xf32, #tpu.memory_space<vmem>>, vector<16xf32>,
    %swap3A_199 = vector.shape_cast %swap3A_198 : vector<16xf32> to vector<16xf32>
    %swap3A_200 = vector.shape_cast %add3A_196 : vector<16xf32> to vector<16xf32>
    tpu.vector_store %arg9[%swap3A_197], %swap3A_200 {strides = array<i32>} : memref<128xf32, #tpu.memory_space<vmem>>, vector<16xf32>,
    %swap3A_201 = arith.constant 112 : index
    %swap3A_202 = tpu.vector_load %arg10[%swap3A_201] {strides = array<i32>} : memref<128xf32, #tpu.memory_space<vmem>>, vector<16xf32>,
    %swap3A_203 = vector.shape_cast %swap3A_202 : vector<16xf32> to vector<16xf32>
    %swap3A_204 = vector.shape_cast %broadcast_in_dim3A_3 : vector<16xf32> to vector<16xf32>
    tpu.vector_store %arg10[%swap3A_201], %swap3A_204 {strides = array<i32>} : memref<128xf32, #tpu.memory_space<vmem>>, vector<16xf32>,
    %swap3A_205 = arith.constant 112 : index
    %swap3A_206 = tpu.vector_load %arg5[%swap3A_205] {strides = array<i32>} : memref<128xi32, #tpu.memory_space<vmem>>, vector<16xi32>,
    %swap3A_207 = vector.shape_cast %swap3A_206 : vector<16xi32> to vector<16xi32>
    %swap3A_208 = vector.shape_cast %broadcast_in_dim3A_5 : vector<16xi32> to vector<16xi32>
    tpu.vector_store %arg5[%swap3A_205], %swap3A_208 {strides = array<i32>} : memref<128xi32, #tpu.memory_space<vmem>>, vector<16xi32>,
    %swap3A_209 = arith.constant 112 : index
    %swap3A_210 = tpu.vector_load %arg6[%swap3A_209] {strides = array<i32>} : memref<128xi32, #tpu.memory_space<vmem>>, vector<16xi32>,
    %swap3A_211 = vector.shape_cast %swap3A_210 : vector<16xi32> to vector<16xi32>
    %swap3A_212 = vector.shape_cast %broadcast_in_dim3A_5 : vector<16xi32> to vector<16xi32>
    tpu.vector_store %arg6[%swap3A_209], %swap3A_212 {strides = array<i32>} : memref<128xi32, #tpu.memory_space<vmem>>, vector<16xi32>,
    %swap3A_213 = arith.constant 112 : index
    %swap3A_214 = tpu.vector_load %arg7[%swap3A_213] {strides = array<i32>} : memref<128xi32, #tpu.memory_space<vmem>>, vector<16xi32>,
    %swap3A_215 = vector.shape_cast %swap3A_214 : vector<16xi32> to vector<16xi32>
    %swap3A_216 = vector.shape_cast %broadcast_in_dim3A_5 : vector<16xi32> to vector<16xi32>
    tpu.vector_store %arg7[%swap3A_213], %swap3A_216 {strides = array<i32>} : memref<128xi32, #tpu.memory_space<vmem>>, vector<16xi32>,
    %swap3A_217 = arith.constant 112 : index
    %swap3A_218 = tpu.vector_load %arg8[%swap3A_217] {strides = array<i32>} : memref<128xi32, #tpu.memory_space<vmem>>, vector<16xi32>,
    %swap3A_219 = vector.shape_cast %swap3A_218 : vector<16xi32> to vector<16xi32>
    %swap3A_220 = vector.shape_cast %broadcast_in_dim3A_5 : vector<16xi32> to vector<16xi32>
    tpu.vector_store %arg8[%swap3A_217], %swap3A_220 {strides = array<i32>} : memref<128xi32, #tpu.memory_space<vmem>>, vector<16xi32>,
    %swap3A_221 = arith.constant 0 : index
    %swap3A_222 = tpu.vector_load %arg11[%swap3A_221] {strides = array<i32>} : memref<640xf32, #tpu.memory_space<vmem>>, vector<16xf32>,
    %swap3A_223 = vector.shape_cast %swap3A_222 : vector<16xf32> to vector<16xf32>
    %swap3A_224 = vector.shape_cast %broadcast_in_dim3A_3 : vector<16xf32> to vector<16xf32>
    tpu.vector_store %arg11[%swap3A_221], %swap3A_224 {strides = array<i32>} : memref<640xf32, #tpu.memory_space<vmem>>, vector<16xf32>,
    %swap3A_225 = arith.constant 16 : index
    %swap3A_226 = tpu.vector_load %arg11[%swap3A_225] {strides = array<i32>} : memref<640xf32, #tpu.memory_space<vmem>>, vector<16xf32>,
    %swap3A_227 = vector.shape_cast %swap3A_226 : vector<16xf32> to vector<16xf32>
    %swap3A_228 = vector.shape_cast %broadcast_in_dim3A_3 : vector<16xf32> to vector<16xf32>
    tpu.vector_store %arg11[%swap3A_225], %swap3A_228 {strides = array<i32>} : memref<640xf32, #tpu.memory_space<vmem>>, vector<16xf32>,
    %swap3A_229 = arith.constant 32 : index
    %swap3A_230 = tpu.vector_load %arg11[%swap3A_229] {strides = array<i32>} : memref<640xf32, #tpu.memory_space<vmem>>, vector<16xf32>,
    %swap3A_231 = vector.shape_cast %swap3A_230 : vector<16xf32> to vector<16xf32>
    %swap3A_232 = vector.shape_cast %broadcast_in_dim3A_3 : vector<16xf32> to vector<16xf32>
    tpu.vector_store %arg11[%swap3A_229], %swap3A_232 {strides = array<i32>} : memref<640xf32, #tpu.memory_space<vmem>>, vector<16xf32>,
    %swap3A_233 = arith.constant 48 : index
    %swap3A_234 = tpu.vector_load %arg11[%swap3A_233] {strides = array<i32>} : memref<640xf32, #tpu.memory_space<vmem>>, vector<16xf32>,
    %swap3A_235 = vector.shape_cast %swap3A_234 : vector<16xf32> to vector<16xf32>
    %swap3A_236 = vector.shape_cast %broadcast_in_dim3A_3 : vector<16xf32> to vector<16xf32>
    tpu.vector_store %arg11[%swap3A_233], %swap3A_236 {strides = array<i32>} : memref<640xf32, #tpu.memory_space<vmem>>, vector<16xf32>,
    %swap3A_237 = arith.constant 64 : index
    %swap3A_238 = tpu.vector_load %arg11[%swap3A_237] {strides = array<i32>} : memref<640xf32, #tpu.memory_space<vmem>>, vector<16xf32>,
    %swap3A_239 = vector.shape_cast %swap3A_238 : vector<16xf32> to vector<16xf32>
    %swap3A_240 = vector.shape_cast %broadcast_in_dim3A_3 : vector<16xf32> to vector<16xf32>
    tpu.vector_store %arg11[%swap3A_237], %swap3A_240 {strides = array<i32>} : memref<640xf32, #tpu.memory_space<vmem>>, vector<16xf32>,
    %swap3A_241 = arith.constant 80 : index
    %swap3A_242 = tpu.vector_load %arg11[%swap3A_241] {strides = array<i32>} : memref<640xf32, #tpu.memory_space<vmem>>, vector<16xf32>,
    %swap3A_243 = vector.shape_cast %swap3A_242 : vector<16xf32> to vector<16xf32>
    %swap3A_244 = vector.shape_cast %broadcast_in_dim3A_3 : vector<16xf32> to vector<16xf32>
    tpu.vector_store %arg11[%swap3A_241], %swap3A_244 {strides = array<i32>} : memref<640xf32, #tpu.memory_space<vmem>>, vector<16xf32>,
    %swap3A_245 = arith.constant 96 : index
    %swap3A_246 = tpu.vector_load %arg11[%swap3A_245] {strides = array<i32>} : memref<640xf32, #tpu.memory_space<vmem>>, vector<16xf32>,
    %swap3A_247 = vector.shape_cast %swap3A_246 : vector<16xf32> to vector<16xf32>
    %swap3A_248 = vector.shape_cast %broadcast_in_dim3A_3 : vector<16xf32> to vector<16xf32>
    tpu.vector_store %arg11[%swap3A_245], %swap3A_248 {strides = array<i32>} : memref<640xf32, #tpu.memory_space<vmem>>, vector<16xf32>,
    %swap3A_249 = arith.constant 112 : index
    %swap3A_250 = tpu.vector_load %arg11[%swap3A_249] {strides = array<i32>} : memref<640xf32, #tpu.memory_space<vmem>>, vector<16xf32>,
    %swap3A_251 = vector.shape_cast %swap3A_250 : vector<16xf32> to vector<16xf32>
    %swap3A_252 = vector.shape_cast %broadcast_in_dim3A_3 : vector<16xf32> to vector<16xf32>
    tpu.vector_store %arg11[%swap3A_249], %swap3A_252 {strides = array<i32>} : memref<640xf32, #tpu.memory_space<vmem>>, vector<16xf32>,
    %swap3A_253 = arith.constant 128 : index
    %swap3A_254 = tpu.vector_load %arg11[%swap3A_253] {strides = array<i32>} : memref<640xf32, #tpu.memory_space<vmem>>, vector<16xf32>,
    %swap3A_255 = vector.shape_cast %swap3A_254 : vector<16xf32> to vector<16xf32>
    %swap3A_256 = vector.shape_cast %broadcast_in_dim3A_3 : vector<16xf32> to vector<16xf32>
    tpu.vector_store %arg11[%swap3A_253], %swap3A_256 {strides = array<i32>} : memref<640xf32, #tpu.memory_space<vmem>>, vector<16xf32>,
    %swap3A_257 = arith.constant 144 : index
    %swap3A_258 = tpu.vector_load %arg11[%swap3A_257] {strides = array<i32>} : memref<640xf32, #tpu.memory_space<vmem>>, vector<16xf32>,
    %swap3A_259 = vector.shape_cast %swap3A_258 : vector<16xf32> to vector<16xf32>
    %swap3A_260 = vector.shape_cast %broadcast_in_dim3A_3 : vector<16xf32> to vector<16xf32>
    tpu.vector_store %arg11[%swap3A_257], %swap3A_260 {strides = array<i32>} : memref<640xf32, #tpu.memory_space<vmem>>, vector<16xf32>,
    %swap3A_261 = arith.constant 160 : index
    %swap3A_262 = tpu.vector_load %arg11[%swap3A_261] {strides = array<i32>} : memref<640xf32, #tpu.memory_space<vmem>>, vector<16xf32>,
    %swap3A_263 = vector.shape_cast %swap3A_262 : vector<16xf32> to vector<16xf32>
    %swap3A_264 = vector.shape_cast %broadcast_in_dim3A_3 : vector<16xf32> to vector<16xf32>
    tpu.vector_store %arg11[%swap3A_261], %swap3A_264 {strides = array<i32>} : memref<640xf32, #tpu.memory_space<vmem>>, vector<16xf32>,
    %swap3A_265 = arith.constant 176 : index
    %swap3A_266 = tpu.vector_load %arg11[%swap3A_265] {strides = array<i32>} : memref<640xf32, #tpu.memory_space<vmem>>, vector<16xf32>,
    %swap3A_267 = vector.shape_cast %swap3A_266 : vector<16xf32> to vector<16xf32>
    %swap3A_268 = vector.shape_cast %broadcast_in_dim3A_3 : vector<16xf32> to vector<16xf32>
    tpu.vector_store %arg11[%swap3A_265], %swap3A_268 {strides = array<i32>} : memref<640xf32, #tpu.memory_space<vmem>>, vector<16xf32>,
    %swap3A_269 = arith.constant 192 : index
    %swap3A_270 = tpu.vector_load %arg11[%swap3A_269] {strides = array<i32>} : memref<640xf32, #tpu.memory_space<vmem>>, vector<16xf32>,
    %swap3A_271 = vector.shape_cast %swap3A_270 : vector<16xf32> to vector<16xf32>
    %swap3A_272 = vector.shape_cast %broadcast_in_dim3A_3 : vector<16xf32> to vector<16xf32>
    tpu.vector_store %arg11[%swap3A_269], %swap3A_272 {strides = array<i32>} : memref<640xf32, #tpu.memory_space<vmem>>, vector<16xf32>,
    %swap3A_273 = arith.constant 208 : index
    %swap3A_274 = tpu.vector_load %arg11[%swap3A_273] {strides = array<i32>} : memref<640xf32, #tpu.memory_space<vmem>>, vector<16xf32>,
    %swap3A_275 = vector.shape_cast %swap3A_274 : vector<16xf32> to vector<16xf32>
    %swap3A_276 = vector.shape_cast %broadcast_in_dim3A_3 : vector<16xf32> to vector<16xf32>
    tpu.vector_store %arg11[%swap3A_273], %swap3A_276 {strides = array<i32>} : memref<640xf32, #tpu.memory_space<vmem>>, vector<16xf32>,
    %swap3A_277 = arith.constant 224 : index
    %swap3A_278 = tpu.vector_load %arg11[%swap3A_277] {strides = array<i32>} : memref<640xf32, #tpu.memory_space<vmem>>, vector<16xf32>,
    %swap3A_279 = vector.shape_cast %swap3A_278 : vector<16xf32> to vector<16xf32>
    %swap3A_280 = vector.shape_cast %broadcast_in_dim3A_3 : vector<16xf32> to vector<16xf32>
    tpu.vector_store %arg11[%swap3A_277], %swap3A_280 {strides = array<i32>} : memref<640xf32, #tpu.memory_space<vmem>>, vector<16xf32>,
    %swap3A_281 = arith.constant 240 : index
    %swap3A_282 = tpu.vector_load %arg11[%swap3A_281] {strides = array<i32>} : memref<640xf32, #tpu.memory_space<vmem>>, vector<16xf32>,
    %swap3A_283 = vector.shape_cast %swap3A_282 : vector<16xf32> to vector<16xf32>
    %swap3A_284 = vector.shape_cast %broadcast_in_dim3A_3 : vector<16xf32> to vector<16xf32>
    tpu.vector_store %arg11[%swap3A_281], %swap3A_284 {strides = array<i32>} : memref<640xf32, #tpu.memory_space<vmem>>, vector<16xf32>,
    %swap3A_285 = arith.constant 256 : index
    %swap3A_286 = tpu.vector_load %arg11[%swap3A_285] {strides = array<i32>} : memref<640xf32, #tpu.memory_space<vmem>>, vector<16xf32>,
    %swap3A_287 = vector.shape_cast %swap3A_286 : vector<16xf32> to vector<16xf32>
    %swap3A_288 = vector.shape_cast %broadcast_in_dim3A_3 : vector<16xf32> to vector<16xf32>
    tpu.vector_store %arg11[%swap3A_285], %swap3A_288 {strides = array<i32>} : memref<640xf32, #tpu.memory_space<vmem>>, vector<16xf32>,
    %swap3A_289 = arith.constant 272 : index
    %swap3A_290 = tpu.vector_load %arg11[%swap3A_289] {strides = array<i32>} : memref<640xf32, #tpu.memory_space<vmem>>, vector<16xf32>,
    %swap3A_291 = vector.shape_cast %swap3A_290 : vector<16xf32> to vector<16xf32>
    %swap3A_292 = vector.shape_cast %broadcast_in_dim3A_3 : vector<16xf32> to vector<16xf32>
    tpu.vector_store %arg11[%swap3A_289], %swap3A_292 {strides = array<i32>} : memref<640xf32, #tpu.memory_space<vmem>>, vector<16xf32>,
    %swap3A_293 = arith.constant 288 : index
    %swap3A_294 = tpu.vector_load %arg11[%swap3A_293] {strides = array<i32>} : memref<640xf32, #tpu.memory_space<vmem>>, vector<16xf32>,
    %swap3A_295 = vector.shape_cast %swap3A_294 : vector<16xf32> to vector<16xf32>
    %swap3A_296 = vector.shape_cast %broadcast_in_dim3A_3 : vector<16xf32> to vector<16xf32>
    tpu.vector_store %arg11[%swap3A_293], %swap3A_296 {strides = array<i32>} : memref<640xf32, #tpu.memory_space<vmem>>, vector<16xf32>,
    %swap3A_297 = arith.constant 304 : index
    %swap3A_298 = tpu.vector_load %arg11[%swap3A_297] {strides = array<i32>} : memref<640xf32, #tpu.memory_space<vmem>>, vector<16xf32>,
    %swap3A_299 = vector.shape_cast %swap3A_298 : vector<16xf32> to vector<16xf32>
    %swap3A_300 = vector.shape_cast %broadcast_in_dim3A_3 : vector<16xf32> to vector<16xf32>
    tpu.vector_store %arg11[%swap3A_297], %swap3A_300 {strides = array<i32>} : memref<640xf32, #tpu.memory_space<vmem>>, vector<16xf32>,
    %swap3A_301 = arith.constant 320 : index
    %swap3A_302 = tpu.vector_load %arg11[%swap3A_301] {strides = array<i32>} : memref<640xf32, #tpu.memory_space<vmem>>, vector<16xf32>,
    %swap3A_303 = vector.shape_cast %swap3A_302 : vector<16xf32> to vector<16xf32>
    %swap3A_304 = vector.shape_cast %broadcast_in_dim3A_3 : vector<16xf32> to vector<16xf32>
    tpu.vector_store %arg11[%swap3A_301], %swap3A_304 {strides = array<i32>} : memref<640xf32, #tpu.memory_space<vmem>>, vector<16xf32>,
    %swap3A_305 = arith.constant 336 : index
    %swap3A_306 = tpu.vector_load %arg11[%swap3A_305] {strides = array<i32>} : memref<640xf32, #tpu.memory_space<vmem>>, vector<16xf32>,
    %swap3A_307 = vector.shape_cast %swap3A_306 : vector<16xf32> to vector<16xf32>
    %swap3A_308 = vector.shape_cast %broadcast_in_dim3A_3 : vector<16xf32> to vector<16xf32>
    tpu.vector_store %arg11[%swap3A_305], %swap3A_308 {strides = array<i32>} : memref<640xf32, #tpu.memory_space<vmem>>, vector<16xf32>,
    %swap3A_309 = arith.constant 352 : index
    %swap3A_310 = tpu.vector_load %arg11[%swap3A_309] {strides = array<i32>} : memref<640xf32, #tpu.memory_space<vmem>>, vector<16xf32>,
    %swap3A_311 = vector.shape_cast %swap3A_310 : vector<16xf32> to vector<16xf32>
    %swap3A_312 = vector.shape_cast %broadcast_in_dim3A_3 : vector<16xf32> to vector<16xf32>
    tpu.vector_store %arg11[%swap3A_309], %swap3A_312 {strides = array<i32>} : memref<640xf32, #tpu.memory_space<vmem>>, vector<16xf32>,
    %swap3A_313 = arith.constant 368 : index
    %swap3A_314 = tpu.vector_load %arg11[%swap3A_313] {strides = array<i32>} : memref<640xf32, #tpu.memory_space<vmem>>, vector<16xf32>,
    %swap3A_315 = vector.shape_cast %swap3A_314 : vector<16xf32> to vector<16xf32>
    %swap3A_316 = vector.shape_cast %broadcast_in_dim3A_3 : vector<16xf32> to vector<16xf32>
    tpu.vector_store %arg11[%swap3A_313], %swap3A_316 {strides = array<i32>} : memref<640xf32, #tpu.memory_space<vmem>>, vector<16xf32>,
    %swap3A_317 = arith.constant 384 : index
    %swap3A_318 = tpu.vector_load %arg11[%swap3A_317] {strides = array<i32>} : memref<640xf32, #tpu.memory_space<vmem>>, vector<16xf32>,
    %swap3A_319 = vector.shape_cast %swap3A_318 : vector<16xf32> to vector<16xf32>
    %swap3A_320 = vector.shape_cast %broadcast_in_dim3A_3 : vector<16xf32> to vector<16xf32>
    tpu.vector_store %arg11[%swap3A_317], %swap3A_320 {strides = array<i32>} : memref<640xf32, #tpu.memory_space<vmem>>, vector<16xf32>,
    %swap3A_321 = arith.constant 400 : index
    %swap3A_322 = tpu.vector_load %arg11[%swap3A_321] {strides = array<i32>} : memref<640xf32, #tpu.memory_space<vmem>>, vector<16xf32>,
    %swap3A_323 = vector.shape_cast %swap3A_322 : vector<16xf32> to vector<16xf32>
    %swap3A_324 = vector.shape_cast %broadcast_in_dim3A_3 : vector<16xf32> to vector<16xf32>
    tpu.vector_store %arg11[%swap3A_321], %swap3A_324 {strides = array<i32>} : memref<640xf32, #tpu.memory_space<vmem>>, vector<16xf32>,
    %swap3A_325 = arith.constant 416 : index
    %swap3A_326 = tpu.vector_load %arg11[%swap3A_325] {strides = array<i32>} : memref<640xf32, #tpu.memory_space<vmem>>, vector<16xf32>,
    %swap3A_327 = vector.shape_cast %swap3A_326 : vector<16xf32> to vector<16xf32>
    %swap3A_328 = vector.shape_cast %broadcast_in_dim3A_3 : vector<16xf32> to vector<16xf32>
    tpu.vector_store %arg11[%swap3A_325], %swap3A_328 {strides = array<i32>} : memref<640xf32, #tpu.memory_space<vmem>>, vector<16xf32>,
    %swap3A_329 = arith.constant 432 : index
    %swap3A_330 = tpu.vector_load %arg11[%swap3A_329] {strides = array<i32>} : memref<640xf32, #tpu.memory_space<vmem>>, vector<16xf32>,
    %swap3A_331 = vector.shape_cast %swap3A_330 : vector<16xf32> to vector<16xf32>
    %swap3A_332 = vector.shape_cast %broadcast_in_dim3A_3 : vector<16xf32> to vector<16xf32>
    tpu.vector_store %arg11[%swap3A_329], %swap3A_332 {strides = array<i32>} : memref<640xf32, #tpu.memory_space<vmem>>, vector<16xf32>,
    %swap3A_333 = arith.constant 448 : index
    %swap3A_334 = tpu.vector_load %arg11[%swap3A_333] {strides = array<i32>} : memref<640xf32, #tpu.memory_space<vmem>>, vector<16xf32>,
    %swap3A_335 = vector.shape_cast %swap3A_334 : vector<16xf32> to vector<16xf32>
    %swap3A_336 = vector.shape_cast %broadcast_in_dim3A_3 : vector<16xf32> to vector<16xf32>
    tpu.vector_store %arg11[%swap3A_333], %swap3A_336 {strides = array<i32>} : memref<640xf32, #tpu.memory_space<vmem>>, vector<16xf32>,
    %swap3A_337 = arith.constant 464 : index
    %swap3A_338 = tpu.vector_load %arg11[%swap3A_337] {strides = array<i32>} : memref<640xf32, #tpu.memory_space<vmem>>, vector<16xf32>,
    %swap3A_339 = vector.shape_cast %swap3A_338 : vector<16xf32> to vector<16xf32>
    %swap3A_340 = vector.shape_cast %broadcast_in_dim3A_3 : vector<16xf32> to vector<16xf32>
    tpu.vector_store %arg11[%swap3A_337], %swap3A_340 {strides = array<i32>} : memref<640xf32, #tpu.memory_space<vmem>>, vector<16xf32>,
    %swap3A_341 = arith.constant 480 : index
    %swap3A_342 = tpu.vector_load %arg11[%swap3A_341] {strides = array<i32>} : memref<640xf32, #tpu.memory_space<vmem>>, vector<16xf32>,
    %swap3A_343 = vector.shape_cast %swap3A_342 : vector<16xf32> to vector<16xf32>
    %swap3A_344 = vector.shape_cast %broadcast_in_dim3A_3 : vector<16xf32> to vector<16xf32>
    tpu.vector_store %arg11[%swap3A_341], %swap3A_344 {strides = array<i32>} : memref<640xf32, #tpu.memory_space<vmem>>, vector<16xf32>,
    %swap3A_345 = arith.constant 496 : index
    %swap3A_346 = tpu.vector_load %arg11[%swap3A_345] {strides = array<i32>} : memref<640xf32, #tpu.memory_space<vmem>>, vector<16xf32>,
    %swap3A_347 = vector.shape_cast %swap3A_346 : vector<16xf32> to vector<16xf32>
    %swap3A_348 = vector.shape_cast %broadcast_in_dim3A_3 : vector<16xf32> to vector<16xf32>
    tpu.vector_store %arg11[%swap3A_345], %swap3A_348 {strides = array<i32>} : memref<640xf32, #tpu.memory_space<vmem>>, vector<16xf32>,
    %swap3A_349 = arith.constant 512 : index
    %swap3A_350 = tpu.vector_load %arg11[%swap3A_349] {strides = array<i32>} : memref<640xf32, #tpu.memory_space<vmem>>, vector<16xf32>,
    %swap3A_351 = vector.shape_cast %swap3A_350 : vector<16xf32> to vector<16xf32>
    %swap3A_352 = vector.shape_cast %broadcast_in_dim3A_3 : vector<16xf32> to vector<16xf32>
    tpu.vector_store %arg11[%swap3A_349], %swap3A_352 {strides = array<i32>} : memref<640xf32, #tpu.memory_space<vmem>>, vector<16xf32>,
    %swap3A_353 = arith.constant 528 : index
    %swap3A_354 = tpu.vector_load %arg11[%swap3A_353] {strides = array<i32>} : memref<640xf32, #tpu.memory_space<vmem>>, vector<16xf32>,
    %swap3A_355 = vector.shape_cast %swap3A_354 : vector<16xf32> to vector<16xf32>
    %swap3A_356 = vector.shape_cast %broadcast_in_dim3A_3 : vector<16xf32> to vector<16xf32>
    tpu.vector_store %arg11[%swap3A_353], %swap3A_356 {strides = array<i32>} : memref<640xf32, #tpu.memory_space<vmem>>, vector<16xf32>,
    %swap3A_357 = arith.constant 544 : index
    %swap3A_358 = tpu.vector_load %arg11[%swap3A_357] {strides = array<i32>} : memref<640xf32, #tpu.memory_space<vmem>>, vector<16xf32>,
    %swap3A_359 = vector.shape_cast %swap3A_358 : vector<16xf32> to vector<16xf32>
    %swap3A_360 = vector.shape_cast %broadcast_in_dim3A_3 : vector<16xf32> to vector<16xf32>
    tpu.vector_store %arg11[%swap3A_357], %swap3A_360 {strides = array<i32>} : memref<640xf32, #tpu.memory_space<vmem>>, vector<16xf32>,
    %swap3A_361 = arith.constant 560 : index
    %swap3A_362 = tpu.vector_load %arg11[%swap3A_361] {strides = array<i32>} : memref<640xf32, #tpu.memory_space<vmem>>, vector<16xf32>,
    %swap3A_363 = vector.shape_cast %swap3A_362 : vector<16xf32> to vector<16xf32>
    %swap3A_364 = vector.shape_cast %broadcast_in_dim3A_3 : vector<16xf32> to vector<16xf32>
    tpu.vector_store %arg11[%swap3A_361], %swap3A_364 {strides = array<i32>} : memref<640xf32, #tpu.memory_space<vmem>>, vector<16xf32>,
    %swap3A_365 = arith.constant 576 : index
    %swap3A_366 = tpu.vector_load %arg11[%swap3A_365] {strides = array<i32>} : memref<640xf32, #tpu.memory_space<vmem>>, vector<16xf32>,
    %swap3A_367 = vector.shape_cast %swap3A_366 : vector<16xf32> to vector<16xf32>
    %swap3A_368 = vector.shape_cast %broadcast_in_dim3A_3 : vector<16xf32> to vector<16xf32>
    tpu.vector_store %arg11[%swap3A_365], %swap3A_368 {strides = array<i32>} : memref<640xf32, #tpu.memory_space<vmem>>, vector<16xf32>,
    %swap3A_369 = arith.constant 592 : index
    %swap3A_370 = tpu.vector_load %arg11[%swap3A_369] {strides = array<i32>} : memref<640xf32, #tpu.memory_space<vmem>>, vector<16xf32>,
    %swap3A_371 = vector.shape_cast %swap3A_370 : vector<16xf32> to vector<16xf32>
    %swap3A_372 = vector.shape_cast %broadcast_in_dim3A_3 : vector<16xf32> to vector<16xf32>
    tpu.vector_store %arg11[%swap3A_369], %swap3A_372 {strides = array<i32>} : memref<640xf32, #tpu.memory_space<vmem>>, vector<16xf32>,
    %swap3A_373 = arith.constant 608 : index
    %swap3A_374 = tpu.vector_load %arg11[%swap3A_373] {strides = array<i32>} : memref<640xf32, #tpu.memory_space<vmem>>, vector<16xf32>,
    %swap3A_375 = vector.shape_cast %swap3A_374 : vector<16xf32> to vector<16xf32>
    %swap3A_376 = vector.shape_cast %broadcast_in_dim3A_3 : vector<16xf32> to vector<16xf32>
    tpu.vector_store %arg11[%swap3A_373], %swap3A_376 {strides = array<i32>} : memref<640xf32, #tpu.memory_space<vmem>>, vector<16xf32>,
    %swap3A_377 = arith.constant 624 : index
    %swap3A_378 = tpu.vector_load %arg11[%swap3A_377] {strides = array<i32>} : memref<640xf32, #tpu.memory_space<vmem>>, vector<16xf32>,
    %swap3A_379 = vector.shape_cast %swap3A_378 : vector<16xf32> to vector<16xf32>
    %swap3A_380 = vector.shape_cast %broadcast_in_dim3A_3 : vector<16xf32> to vector<16xf32>
    tpu.vector_store %arg11[%swap3A_377], %swap3A_380 {strides = array<i32>} : memref<640xf32, #tpu.memory_space<vmem>>, vector<16xf32>,
    %mul3A_381 = arith.constant 640 : i32
    %mul3A_382 = arith.muli %arg1, %mul3A_381 : i32
    "tpu.region"() ({
      %run_scoped3A_415 = tpu.sem_alloc : memref<!tpu.dma_semaphore, #tpu.memory_space<semaphore_mem>>
      %dma_start3A_416 = tpu.memref_slice %arg12[%mul3A_382] : memref<10240xf32, #tpu.memory_space<vmem_shared>> -> memref<640xf32, #tpu.memory_space<vmem_shared>>
      %dma_start3A_417 = tpu.memref_slice %arg12[%mul3A_382] : memref<10240xf32, #tpu.memory_space<vmem_shared>> -> memref<640xf32, #tpu.memory_space<vmem_shared>>
      tpu.enqueue_dma source(%arg11 : memref<640xf32, #tpu.memory_space<vmem>>) target(%dma_start3A_417 : memref<640xf32, #tpu.memory_space<vmem_shared>>) target_semaphore(%run_scoped3A_415 : memref<!tpu.dma_semaphore, #tpu.memory_space<semaphore_mem>>)
      %dma_wait3A_418 = tpu.memref_slice %arg12[%mul3A_382] : memref<10240xf32, #tpu.memory_space<vmem_shared>> -> memref<640xf32, #tpu.memory_space<vmem_shared>>
      %dma_wait3A_419 = tpu.memref_slice %arg12[%mul3A_382] : memref<10240xf32, #tpu.memory_space<vmem_shared>> -> memref<640xf32, #tpu.memory_space<vmem_shared>>
      tpu.wait_dma2 semaphore(%run_scoped3A_415 : memref<!tpu.dma_semaphore, #tpu.memory_space<semaphore_mem>>) src(%arg11 : memref<640xf32, #tpu.memory_space<vmem>>) dst(%dma_wait3A_419 : memref<640xf32, #tpu.memory_space<vmem_shared>>)
      tpu.yield
    }) : () -> ()
    %mul3A_383 = arith.constant 640 : i32
    %mul3A_384 = arith.muli %arg1, %mul3A_383 : i32
    "tpu.region"() ({
      %run_scoped3A_415 = tpu.sem_alloc : memref<!tpu.dma_semaphore, #tpu.memory_space<semaphore_mem>>
      %dma_start3A_416 = tpu.memref_slice %arg13[%mul3A_384] : memref<10240xf32, #tpu.memory_space<vmem_shared>> -> memref<640xf32, #tpu.memory_space<vmem_shared>>
      %dma_start3A_417 = tpu.memref_slice %arg13[%mul3A_384] : memref<10240xf32, #tpu.memory_space<vmem_shared>> -> memref<640xf32, #tpu.memory_space<vmem_shared>>
      tpu.enqueue_dma source(%arg11 : memref<640xf32, #tpu.memory_space<vmem>>) target(%dma_start3A_417 : memref<640xf32, #tpu.memory_space<vmem_shared>>) target_semaphore(%run_scoped3A_415 : memref<!tpu.dma_semaphore, #tpu.memory_space<semaphore_mem>>)
      %dma_wait3A_418 = tpu.memref_slice %arg13[%mul3A_384] : memref<10240xf32, #tpu.memory_space<vmem_shared>> -> memref<640xf32, #tpu.memory_space<vmem_shared>>
      %dma_wait3A_419 = tpu.memref_slice %arg13[%mul3A_384] : memref<10240xf32, #tpu.memory_space<vmem_shared>> -> memref<640xf32, #tpu.memory_space<vmem_shared>>
      tpu.wait_dma2 semaphore(%run_scoped3A_415 : memref<!tpu.dma_semaphore, #tpu.memory_space<semaphore_mem>>) src(%arg11 : memref<640xf32, #tpu.memory_space<vmem>>) dst(%dma_wait3A_419 : memref<640xf32, #tpu.memory_space<vmem_shared>>)
      tpu.yield
    }) : () -> ()
    %barrier3A = arith.constant 0 : index
    tpu.barrier barrier_id(%barrier3A)
    %dma_start3A = arith.constant 0 : i32
    %dma_start3A_385 = tpu.memref_slice %arg12[%dma_start3A] : memref<10240xf32, #tpu.memory_space<vmem_shared>> -> memref<10240xf32, #tpu.memory_space<vmem_shared>>
    tpu.enqueue_indirect_dma source(%arg10 : memref<128xf32, #tpu.memory_space<vmem>>) target(%dma_start3A_385 : memref<10240xf32, #tpu.memory_space<vmem_shared>>) offsets(%arg5 : memref<128xi32, #tpu.memory_space<vmem>>) semaphore(%arg18 : memref<!tpu.dma_semaphore, #tpu.memory_space<semaphore_mem>>) {add = true}
    %dma_start3A_386 = arith.constant 0 : i32
    %dma_start3A_387 = tpu.memref_slice %arg12[%dma_start3A_386] : memref<10240xf32, #tpu.memory_space<vmem_shared>> -> memref<10240xf32, #tpu.memory_space<vmem_shared>>
    tpu.enqueue_indirect_dma source(%arg10 : memref<128xf32, #tpu.memory_space<vmem>>) target(%dma_start3A_387 : memref<10240xf32, #tpu.memory_space<vmem_shared>>) offsets(%arg6 : memref<128xi32, #tpu.memory_space<vmem>>) semaphore(%arg19 : memref<!tpu.dma_semaphore, #tpu.memory_space<semaphore_mem>>) {add = true}
    %dma_start3A_388 = arith.constant 0 : i32
    %dma_start3A_389 = tpu.memref_slice %arg13[%dma_start3A_388] : memref<10240xf32, #tpu.memory_space<vmem_shared>> -> memref<10240xf32, #tpu.memory_space<vmem_shared>>
    tpu.enqueue_indirect_dma source(%arg10 : memref<128xf32, #tpu.memory_space<vmem>>) target(%dma_start3A_389 : memref<10240xf32, #tpu.memory_space<vmem_shared>>) offsets(%arg7 : memref<128xi32, #tpu.memory_space<vmem>>) semaphore(%arg20 : memref<!tpu.dma_semaphore, #tpu.memory_space<semaphore_mem>>) {add = true}
    %dma_start3A_390 = arith.constant 0 : i32
    %dma_start3A_391 = tpu.memref_slice %arg13[%dma_start3A_390] : memref<10240xf32, #tpu.memory_space<vmem_shared>> -> memref<10240xf32, #tpu.memory_space<vmem_shared>>
    tpu.enqueue_indirect_dma source(%arg10 : memref<128xf32, #tpu.memory_space<vmem>>) target(%dma_start3A_391 : memref<10240xf32, #tpu.memory_space<vmem_shared>>) offsets(%arg8 : memref<128xi32, #tpu.memory_space<vmem>>) semaphore(%arg21 : memref<!tpu.dma_semaphore, #tpu.memory_space<semaphore_mem>>) {add = true}
    %scan3A = arith.constant 0 : i32
    %scan3A_392 = arith.constant 0 : i32
    %scan3A_393 = arith.constant 40 : i32
    %scan3A_394 = arith.addi %scan3A_392, %scan3A_393 : i32
    %scan3A_395 = arith.constant 1 : i32
    %scan3A_396 = scf.for %scan3A_415 = %scan3A_392 to %scan3A_394 step %scan3A_395 iter_args(%scan3A_416 = %scan3A) -> (i32)  : i32 {
      %mul3A_417 = arith.constant 2 : i32
      %mul3A_418 = arith.muli %mul3A_417, %scan3A_415 : i32
      %dma_wait3A_419 = arith.constant 0 : i32
      %dma_wait3A_420 = tpu.memref_slice %arg12[%dma_wait3A_419] : memref<10240xf32, #tpu.memory_space<vmem_shared>> -> memref<10240xf32, #tpu.memory_space<vmem_shared>>
      tpu.wait_indirect_dma semaphore(%arg18 : memref<!tpu.dma_semaphore, #tpu.memory_space<semaphore_mem>>) src(%arg9 : memref<128xf32, #tpu.memory_space<vmem>>) dst(%dma_wait3A_420 : memref<10240xf32, #tpu.memory_space<vmem_shared>>)
      %mul3A_421 = arith.constant 128 : i32
      %mul3A_422 = arith.muli %mul3A_418, %mul3A_421 : i32
      %add3A_423 = arith.addi %mul3A_2, %mul3A_422 : i32
      %dma_start3A_424 = tpu.memref_slice %arg2[%add3A_423] : memref<327680xi32, #tpu.memory_space<hbm>> -> memref<128xi32, #tpu.memory_space<hbm>>
      %dma_start3A_425 = tpu.memref_slice %arg2[%add3A_423] : memref<327680xi32, #tpu.memory_space<hbm>> -> memref<128xi32, #tpu.memory_space<hbm>>
      tpu.enqueue_dma source(%dma_start3A_425 : memref<128xi32, #tpu.memory_space<hbm>>) target(%arg5 : memref<128xi32, #tpu.memory_space<vmem>>) target_semaphore(%arg14 : memref<!tpu.dma_semaphore, #tpu.memory_space<semaphore_mem>>)
      %dma_wait3A_426 = arith.constant 0 : i32
      %dma_wait3A_427 = tpu.memref_slice %arg13[%dma_wait3A_426] : memref<10240xf32, #tpu.memory_space<vmem_shared>> -> memref<10240xf32, #tpu.memory_space<vmem_shared>>
      tpu.wait_indirect_dma semaphore(%arg20 : memref<!tpu.dma_semaphore, #tpu.memory_space<semaphore_mem>>) src(%arg9 : memref<128xf32, #tpu.memory_space<vmem>>) dst(%dma_wait3A_427 : memref<10240xf32, #tpu.memory_space<vmem_shared>>)
      %mul3A_428 = arith.constant 128 : i32
      %mul3A_429 = arith.muli %mul3A_418, %mul3A_428 : i32
      %add3A_430 = arith.addi %mul3A_2, %mul3A_429 : i32
      %dma_start3A_431 = tpu.memref_slice %arg3[%add3A_430] : memref<327680xi32, #tpu.memory_space<hbm>> -> memref<128xi32, #tpu.memory_space<hbm>>
      %dma_start3A_432 = tpu.memref_slice %arg3[%add3A_430] : memref<327680xi32, #tpu.memory_space<hbm>> -> memref<128xi32, #tpu.memory_space<hbm>>
      tpu.enqueue_dma source(%dma_start3A_432 : memref<128xi32, #tpu.memory_space<hbm>>) target(%arg7 : memref<128xi32, #tpu.memory_space<vmem>>) target_semaphore(%arg16 : memref<!tpu.dma_semaphore, #tpu.memory_space<semaphore_mem>>)
      %mul3A_433 = arith.constant 128 : i32
      %mul3A_434 = arith.muli %mul3A_418, %mul3A_433 : i32
      %add3A_435 = arith.addi %mul3A_2, %mul3A_434 : i32
      %dma_wait3A_436 = tpu.memref_slice %arg2[%add3A_435] : memref<327680xi32, #tpu.memory_space<hbm>> -> memref<128xi32, #tpu.memory_space<hbm>>
      %dma_wait3A_437 = tpu.memref_slice %arg2[%add3A_435] : memref<327680xi32, #tpu.memory_space<hbm>> -> memref<128xi32, #tpu.memory_space<hbm>>
      tpu.wait_dma2 semaphore(%arg14 : memref<!tpu.dma_semaphore, #tpu.memory_space<semaphore_mem>>) src(%dma_wait3A_437 : memref<128xi32, #tpu.memory_space<hbm>>) dst(%arg5 : memref<128xi32, #tpu.memory_space<vmem>>)
      %dma_start3A_438 = arith.constant 0 : i32
      %dma_start3A_439 = tpu.memref_slice %arg12[%dma_start3A_438] : memref<10240xf32, #tpu.memory_space<vmem_shared>> -> memref<10240xf32, #tpu.memory_space<vmem_shared>>
      tpu.enqueue_indirect_dma source(%arg9 : memref<128xf32, #tpu.memory_space<vmem>>) target(%dma_start3A_439 : memref<10240xf32, #tpu.memory_space<vmem_shared>>) offsets(%arg5 : memref<128xi32, #tpu.memory_space<vmem>>) semaphore(%arg18 : memref<!tpu.dma_semaphore, #tpu.memory_space<semaphore_mem>>) {add = true}
      %mul3A_440 = arith.constant 128 : i32
      %mul3A_441 = arith.muli %mul3A_418, %mul3A_440 : i32
      %add3A_442 = arith.addi %mul3A_2, %mul3A_441 : i32
      %dma_wait3A_443 = tpu.memref_slice %arg3[%add3A_442] : memref<327680xi32, #tpu.memory_space<hbm>> -> memref<128xi32, #tpu.memory_space<hbm>>
      %dma_wait3A_444 = tpu.memref_slice %arg3[%add3A_442] : memref<327680xi32, #tpu.memory_space<hbm>> -> memref<128xi32, #tpu.memory_space<hbm>>
      tpu.wait_dma2 semaphore(%arg16 : memref<!tpu.dma_semaphore, #tpu.memory_space<semaphore_mem>>) src(%dma_wait3A_444 : memref<128xi32, #tpu.memory_space<hbm>>) dst(%arg7 : memref<128xi32, #tpu.memory_space<vmem>>)
      %dma_start3A_445 = arith.constant 0 : i32
      %dma_start3A_446 = tpu.memref_slice %arg13[%dma_start3A_445] : memref<10240xf32, #tpu.memory_space<vmem_shared>> -> memref<10240xf32, #tpu.memory_space<vmem_shared>>
      tpu.enqueue_indirect_dma source(%arg9 : memref<128xf32, #tpu.memory_space<vmem>>) target(%dma_start3A_446 : memref<10240xf32, #tpu.memory_space<vmem_shared>>) offsets(%arg7 : memref<128xi32, #tpu.memory_space<vmem>>) semaphore(%arg20 : memref<!tpu.dma_semaphore, #tpu.memory_space<semaphore_mem>>) {add = true}
      %mul3A_447 = arith.constant 2 : i32
      %mul3A_448 = arith.muli %mul3A_447, %scan3A_415 : i32
      %add3A_449 = arith.constant 1 : i32
      %add3A_450 = arith.addi %mul3A_448, %add3A_449 : i32
      %dma_wait3A_451 = arith.constant 0 : i32
      %dma_wait3A_452 = tpu.memref_slice %arg12[%dma_wait3A_451] : memref<10240xf32, #tpu.memory_space<vmem_shared>> -> memref<10240xf32, #tpu.memory_space<vmem_shared>>
      tpu.wait_indirect_dma semaphore(%arg19 : memref<!tpu.dma_semaphore, #tpu.memory_space<semaphore_mem>>) src(%arg9 : memref<128xf32, #tpu.memory_space<vmem>>) dst(%dma_wait3A_452 : memref<10240xf32, #tpu.memory_space<vmem_shared>>)
      %mul3A_453 = arith.constant 128 : i32
      %mul3A_454 = arith.muli %add3A_450, %mul3A_453 : i32
      %add3A_455 = arith.addi %mul3A_2, %mul3A_454 : i32
      %dma_start3A_456 = tpu.memref_slice %arg2[%add3A_455] : memref<327680xi32, #tpu.memory_space<hbm>> -> memref<128xi32, #tpu.memory_space<hbm>>
      %dma_start3A_457 = tpu.memref_slice %arg2[%add3A_455] : memref<327680xi32, #tpu.memory_space<hbm>> -> memref<128xi32, #tpu.memory_space<hbm>>
      tpu.enqueue_dma source(%dma_start3A_457 : memref<128xi32, #tpu.memory_space<hbm>>) target(%arg6 : memref<128xi32, #tpu.memory_space<vmem>>) target_semaphore(%arg15 : memref<!tpu.dma_semaphore, #tpu.memory_space<semaphore_mem>>)
      %dma_wait3A_458 = arith.constant 0 : i32
      %dma_wait3A_459 = tpu.memref_slice %arg13[%dma_wait3A_458] : memref<10240xf32, #tpu.memory_space<vmem_shared>> -> memref<10240xf32, #tpu.memory_space<vmem_shared>>
      tpu.wait_indirect_dma semaphore(%arg21 : memref<!tpu.dma_semaphore, #tpu.memory_space<semaphore_mem>>) src(%arg9 : memref<128xf32, #tpu.memory_space<vmem>>) dst(%dma_wait3A_459 : memref<10240xf32, #tpu.memory_space<vmem_shared>>)
      %mul3A_460 = arith.constant 128 : i32
      %mul3A_461 = arith.muli %add3A_450, %mul3A_460 : i32
      %add3A_462 = arith.addi %mul3A_2, %mul3A_461 : i32
      %dma_start3A_463 = tpu.memref_slice %arg3[%add3A_462] : memref<327680xi32, #tpu.memory_space<hbm>> -> memref<128xi32, #tpu.memory_space<hbm>>
      %dma_start3A_464 = tpu.memref_slice %arg3[%add3A_462] : memref<327680xi32, #tpu.memory_space<hbm>> -> memref<128xi32, #tpu.memory_space<hbm>>
      tpu.enqueue_dma source(%dma_start3A_464 : memref<128xi32, #tpu.memory_space<hbm>>) target(%arg8 : memref<128xi32, #tpu.memory_space<vmem>>) target_semaphore(%arg17 : memref<!tpu.dma_semaphore, #tpu.memory_space<semaphore_mem>>)
      %mul3A_465 = arith.constant 128 : i32
      %mul3A_466 = arith.muli %add3A_450, %mul3A_465 : i32
      %add3A_467 = arith.addi %mul3A_2, %mul3A_466 : i32
      %dma_wait3A_468 = tpu.memref_slice %arg2[%add3A_467] : memref<327680xi32, #tpu.memory_space<hbm>> -> memref<128xi32, #tpu.memory_space<hbm>>
      %dma_wait3A_469 = tpu.memref_slice %arg2[%add3A_467] : memref<327680xi32, #tpu.memory_space<hbm>> -> memref<128xi32, #tpu.memory_space<hbm>>
      tpu.wait_dma2 semaphore(%arg15 : memref<!tpu.dma_semaphore, #tpu.memory_space<semaphore_mem>>) src(%dma_wait3A_469 : memref<128xi32, #tpu.memory_space<hbm>>) dst(%arg6 : memref<128xi32, #tpu.memory_space<vmem>>)
      %dma_start3A_470 = arith.constant 0 : i32
      %dma_start3A_471 = tpu.memref_slice %arg12[%dma_start3A_470] : memref<10240xf32, #tpu.memory_space<vmem_shared>> -> memref<10240xf32, #tpu.memory_space<vmem_shared>>
      tpu.enqueue_indirect_dma source(%arg9 : memref<128xf32, #tpu.memory_space<vmem>>) target(%dma_start3A_471 : memref<10240xf32, #tpu.memory_space<vmem_shared>>) offsets(%arg6 : memref<128xi32, #tpu.memory_space<vmem>>) semaphore(%arg19 : memref<!tpu.dma_semaphore, #tpu.memory_space<semaphore_mem>>) {add = true}
      %mul3A_472 = arith.constant 128 : i32
      %mul3A_473 = arith.muli %add3A_450, %mul3A_472 : i32
      %add3A_474 = arith.addi %mul3A_2, %mul3A_473 : i32
      %dma_wait3A_475 = tpu.memref_slice %arg3[%add3A_474] : memref<327680xi32, #tpu.memory_space<hbm>> -> memref<128xi32, #tpu.memory_space<hbm>>
      %dma_wait3A_476 = tpu.memref_slice %arg3[%add3A_474] : memref<327680xi32, #tpu.memory_space<hbm>> -> memref<128xi32, #tpu.memory_space<hbm>>
      tpu.wait_dma2 semaphore(%arg17 : memref<!tpu.dma_semaphore, #tpu.memory_space<semaphore_mem>>) src(%dma_wait3A_476 : memref<128xi32, #tpu.memory_space<hbm>>) dst(%arg8 : memref<128xi32, #tpu.memory_space<vmem>>)
      %dma_start3A_477 = arith.constant 0 : i32
      %dma_start3A_478 = tpu.memref_slice %arg13[%dma_start3A_477] : memref<10240xf32, #tpu.memory_space<vmem_shared>> -> memref<10240xf32, #tpu.memory_space<vmem_shared>>
      tpu.enqueue_indirect_dma source(%arg9 : memref<128xf32, #tpu.memory_space<vmem>>) target(%dma_start3A_478 : memref<10240xf32, #tpu.memory_space<vmem_shared>>) offsets(%arg8 : memref<128xi32, #tpu.memory_space<vmem>>) semaphore(%arg21 : memref<!tpu.dma_semaphore, #tpu.memory_space<semaphore_mem>>) {add = true}
      %scan3A_479 = arith.constant 0 : i32
      scf.yield %scan3A_479 : i32
    }
    %scan3A_397 = arith.constant 40 : i32
    %dma_wait3A = arith.constant 0 : i32
    %dma_wait3A_398 = tpu.memref_slice %arg12[%dma_wait3A] : memref<10240xf32, #tpu.memory_space<vmem_shared>> -> memref<10240xf32, #tpu.memory_space<vmem_shared>>
    tpu.wait_indirect_dma semaphore(%arg18 : memref<!tpu.dma_semaphore, #tpu.memory_space<semaphore_mem>>) src(%arg9 : memref<128xf32, #tpu.memory_space<vmem>>) dst(%dma_wait3A_398 : memref<10240xf32, #tpu.memory_space<vmem_shared>>)
    %dma_wait3A_399 = arith.constant 0 : i32
    %dma_wait3A_400 = tpu.memref_slice %arg12[%dma_wait3A_399] : memref<10240xf32, #tpu.memory_space<vmem_shared>> -> memref<10240xf32, #tpu.memory_space<vmem_shared>>
    tpu.wait_indirect_dma semaphore(%arg19 : memref<!tpu.dma_semaphore, #tpu.memory_space<semaphore_mem>>) src(%arg9 : memref<128xf32, #tpu.memory_space<vmem>>) dst(%dma_wait3A_400 : memref<10240xf32, #tpu.memory_space<vmem_shared>>)
    %dma_wait3A_401 = arith.constant 0 : i32
    %dma_wait3A_402 = tpu.memref_slice %arg13[%dma_wait3A_401] : memref<10240xf32, #tpu.memory_space<vmem_shared>> -> memref<10240xf32, #tpu.memory_space<vmem_shared>>
    tpu.wait_indirect_dma semaphore(%arg20 : memref<!tpu.dma_semaphore, #tpu.memory_space<semaphore_mem>>) src(%arg9 : memref<128xf32, #tpu.memory_space<vmem>>) dst(%dma_wait3A_402 : memref<10240xf32, #tpu.memory_space<vmem_shared>>)
    %dma_wait3A_403 = arith.constant 0 : i32
    %dma_wait3A_404 = tpu.memref_slice %arg13[%dma_wait3A_403] : memref<10240xf32, #tpu.memory_space<vmem_shared>> -> memref<10240xf32, #tpu.memory_space<vmem_shared>>
    tpu.wait_indirect_dma semaphore(%arg21 : memref<!tpu.dma_semaphore, #tpu.memory_space<semaphore_mem>>) src(%arg9 : memref<128xf32, #tpu.memory_space<vmem>>) dst(%dma_wait3A_404 : memref<10240xf32, #tpu.memory_space<vmem_shared>>)
    %barrier3A_405 = arith.constant 0 : index
    tpu.barrier barrier_id(%barrier3A_405)
    %mul3A_406 = arith.constant 640 : i32
    %mul3A_407 = arith.muli %arg1, %mul3A_406 : i32
    %mul3A_408 = arith.constant 640 : i32
    %mul3A_409 = arith.muli %arg1, %mul3A_408 : i32
    %run_scoped3A = arith.constant 0 : i32
    "tpu.region"() ({
      %run_scoped3A_415 = tpu.sem_alloc : memref<!tpu.dma_semaphore, #tpu.memory_space<semaphore_mem>>
      %dma_start3A_416 = tpu.memref_slice %arg4[%arg0, %run_scoped3A, %mul3A_409] : memref<2x2x10240xf32, #tpu.memory_space<hbm>> -> memref<1x1x640xf32, #tpu.memory_space<hbm>>
      %dma_start3A_417 = tpu.memref_squeeze %dma_start3A_416 : memref<1x1x640xf32, #tpu.memory_space<hbm>> -> memref<640xf32, #tpu.memory_space<hbm>>
      %dma_start3A_418 = tpu.memref_slice %arg12[%mul3A_407] : memref<10240xf32, #tpu.memory_space<vmem_shared>> -> memref<640xf32, #tpu.memory_space<vmem_shared>>
      tpu.enqueue_dma source(%dma_start3A_418 : memref<640xf32, #tpu.memory_space<vmem_shared>>) target(%dma_start3A_417 : memref<640xf32, #tpu.memory_space<hbm>>) target_semaphore(%run_scoped3A_415 : memref<!tpu.dma_semaphore, #tpu.memory_space<semaphore_mem>>)
      %dma_wait3A_419 = tpu.memref_slice %arg4[%arg0, %run_scoped3A, %mul3A_409] : memref<2x2x10240xf32, #tpu.memory_space<hbm>> -> memref<1x1x640xf32, #tpu.memory_space<hbm>>
      %dma_wait3A_420 = tpu.memref_squeeze %dma_wait3A_419 : memref<1x1x640xf32, #tpu.memory_space<hbm>> -> memref<640xf32, #tpu.memory_space<hbm>>
      %dma_wait3A_421 = tpu.memref_slice %arg12[%mul3A_407] : memref<10240xf32, #tpu.memory_space<vmem_shared>> -> memref<640xf32, #tpu.memory_space<vmem_shared>>
      tpu.wait_dma2 semaphore(%run_scoped3A_415 : memref<!tpu.dma_semaphore, #tpu.memory_space<semaphore_mem>>) src(%dma_wait3A_421 : memref<640xf32, #tpu.memory_space<vmem_shared>>) dst(%dma_wait3A_420 : memref<640xf32, #tpu.memory_space<hbm>>)
      tpu.yield
    }) : () -> ()
    %mul3A_410 = arith.constant 640 : i32
    %mul3A_411 = arith.muli %arg1, %mul3A_410 : i32
    %mul3A_412 = arith.constant 640 : i32
    %mul3A_413 = arith.muli %arg1, %mul3A_412 : i32
    %run_scoped3A_414 = arith.constant 1 : i32
    "tpu.region"() ({
      %run_scoped3A_415 = tpu.sem_alloc : memref<!tpu.dma_semaphore, #tpu.memory_space<semaphore_mem>>
      %dma_start3A_416 = tpu.memref_slice %arg4[%arg0, %run_scoped3A_414, %mul3A_413] : memref<2x2x10240xf32, #tpu.memory_space<hbm>> -> memref<1x1x640xf32, #tpu.memory_space<hbm>>
      %dma_start3A_417 = tpu.memref_squeeze %dma_start3A_416 : memref<1x1x640xf32, #tpu.memory_space<hbm>> -> memref<640xf32, #tpu.memory_space<hbm>>
      %dma_start3A_418 = tpu.memref_slice %arg13[%mul3A_411] : memref<10240xf32, #tpu.memory_space<vmem_shared>> -> memref<640xf32, #tpu.memory_space<vmem_shared>>
      tpu.enqueue_dma source(%dma_start3A_418 : memref<640xf32, #tpu.memory_space<vmem_shared>>) target(%dma_start3A_417 : memref<640xf32, #tpu.memory_space<hbm>>) target_semaphore(%run_scoped3A_415 : memref<!tpu.dma_semaphore, #tpu.memory_space<semaphore_mem>>)
      %dma_wait3A_419 = tpu.memref_slice %arg4[%arg0, %run_scoped3A_414, %mul3A_413] : memref<2x2x10240xf32, #tpu.memory_space<hbm>> -> memref<1x1x640xf32, #tpu.memory_space<hbm>>
      %dma_wait3A_420 = tpu.memref_squeeze %dma_wait3A_419 : memref<1x1x640xf32, #tpu.memory_space<hbm>> -> memref<640xf32, #tpu.memory_space<hbm>>
      %dma_wait3A_421 = tpu.memref_slice %arg13[%mul3A_411] : memref<10240xf32, #tpu.memory_space<vmem_shared>> -> memref<640xf32, #tpu.memory_space<vmem_shared>>
      tpu.wait_dma2 semaphore(%run_scoped3A_415 : memref<!tpu.dma_semaphore, #tpu.memory_space<semaphore_mem>>) src(%dma_wait3A_421 : memref<640xf32, #tpu.memory_space<vmem_shared>>) dst(%dma_wait3A_420 : memref<640xf32, #tpu.memory_space<hbm>>)
      tpu.yield
    }) : () -> ()
    return
  }
}

module attributes {stable_mosaic.version = 14 : i64} {
  func.func @_norm_body(%arg0: i32, %arg1: memref<2x2x1024xf32, #tpu.memory_space<vmem>>, %arg2: memref<1024x128xf32, #tpu.memory_space<vmem>>, %arg3: memref<1024x128xf32, #tpu.memory_space<vmem>>, %arg4: memref<1024xf32, #tpu.memory_space<vmem>>, %arg5: memref<1024xf32, #tpu.memory_space<vmem>>) attributes {dimension_semantics = [#tpu.dimension_semantics<arbitrary>], iteration_bounds = array<i64: 10>, scalar_prefetch = 0 : i64, scratch_operands = 0 : i64, tpu.core_type = #tpu.core_type<tc>, window_params = [{transform_indices = @transform_0, window_bounds = array<i64: 2, 2, 1024>}, {transform_indices = @transform_1, window_bounds = array<i64: 1024, 128>}, {transform_indices = @transform_2, window_bounds = array<i64: 1024, 128>}, {transform_indices = @transform_3, window_bounds = array<i64: 1024>}, {transform_indices = @transform_4, window_bounds = array<i64: 1024>}]} {
    %get3A = arith.constant 0 : index
    %get3A_0 = arith.constant 0 : index
    %get3A_1 = arith.constant 0 : index
    %get3A_2 = vector.load %arg1[%get3A, %get3A_0, %get3A_1] : memref<2x2x1024xf32, #tpu.memory_space<vmem>>, vector<2x2x1024xf32>
    %slice3A = vector.extract_strided_slice %get3A_2 {offsets = [0, 0, 0], sizes = [1, 1, 1024], strides = [1, 1, 1]} : vector<2x2x1024xf32> to vector<1x1x1024xf32>
    %squeeze3A = vector.shape_cast %slice3A : vector<1x1x1024xf32> to vector<1024xf32>
    %slice3A_3 = vector.extract_strided_slice %get3A_2 {offsets = [1, 0, 0], sizes = [1, 1, 1024], strides = [1, 1, 1]} : vector<2x2x1024xf32> to vector<1x1x1024xf32>
    %squeeze3A_4 = vector.shape_cast %slice3A_3 : vector<1x1x1024xf32> to vector<1024xf32>
    %add3A = arith.addf %squeeze3A, %squeeze3A_4 : vector<1024xf32>
    %slice3A_5 = vector.extract_strided_slice %get3A_2 {offsets = [0, 1, 0], sizes = [1, 1, 1024], strides = [1, 1, 1]} : vector<2x2x1024xf32> to vector<1x1x1024xf32>
    %squeeze3A_6 = vector.shape_cast %slice3A_5 : vector<1x1x1024xf32> to vector<1024xf32>
    %slice3A_7 = vector.extract_strided_slice %get3A_2 {offsets = [1, 1, 0], sizes = [1, 1, 1024], strides = [1, 1, 1]} : vector<2x2x1024xf32> to vector<1x1x1024xf32>
    %squeeze3A_8 = vector.shape_cast %slice3A_7 : vector<1x1x1024xf32> to vector<1024xf32>
    %add3A_9 = arith.addf %squeeze3A_6, %squeeze3A_8 : vector<1024xf32>
    %gt3A = arith.constant 0.000000e+00 : f32
    %gt3A_10 = vector.broadcast %gt3A : f32 to vector<1024xf32>
    %gt3A_11 = arith.cmpf ogt, %add3A, %gt3A_10 : vector<1024xf32>
    %max3A = arith.constant 1.000000e+00 : f32
    %max3A_12 = vector.broadcast %max3A : f32 to vector<1024xf32>
    %max3A_13 = arith.maximumf %add3A, %max3A_12 : vector<1024xf32>
    %rsqrt3A = math.rsqrt %max3A_13 : vector<1024xf32>
    %jit3A = arith.constant 0.000000e+00 : f32
    %broadcast_in_dim3A = vector.broadcast %jit3A : f32 to vector<1024xf32>
    %select_n3A = arith.select %gt3A_11, %rsqrt3A, %broadcast_in_dim3A : vector<1024xi1>, vector<1024xf32>
    %gt3A_14 = arith.constant 0.000000e+00 : f32
    %gt3A_15 = vector.broadcast %gt3A_14 : f32 to vector<1024xf32>
    %gt3A_16 = arith.cmpf ogt, %add3A_9, %gt3A_15 : vector<1024xf32>
    %max3A_17 = arith.constant 1.000000e+00 : f32
    %max3A_18 = vector.broadcast %max3A_17 : f32 to vector<1024xf32>
    %max3A_19 = arith.maximumf %add3A_9, %max3A_18 : vector<1024xf32>
    %rsqrt3A_20 = math.rsqrt %max3A_19 : vector<1024xf32>
    %jit3A_21 = arith.constant 0.000000e+00 : f32
    %broadcast_in_dim3A_22 = vector.broadcast %jit3A_21 : f32 to vector<1024xf32>
    %select_n3A_23 = arith.select %gt3A_16, %rsqrt3A_20, %broadcast_in_dim3A_22 : vector<1024xi1>, vector<1024xf32>
    %swap3A = arith.constant 0 : index
    %swap3A_24 = vector.load %arg4[%swap3A] : memref<1024xf32, #tpu.memory_space<vmem>>, vector<1024xf32>
    tpu.vector_store %arg4[%swap3A], %select_n3A {strides = array<i32>} : memref<1024xf32, #tpu.memory_space<vmem>>, vector<1024xf32>,
    %swap3A_25 = arith.constant 0 : index
    %swap3A_26 = vector.load %arg5[%swap3A_25] : memref<1024xf32, #tpu.memory_space<vmem>>, vector<1024xf32>
    tpu.vector_store %arg5[%swap3A_25], %select_n3A_23 {strides = array<i32>} : memref<1024xf32, #tpu.memory_space<vmem>>, vector<1024xf32>,
    %get3A_27 = arith.constant 0 : index
    %get3A_28 = arith.constant 0 : index
    %get3A_29 = vector.load %arg2[%get3A_27, %get3A_28] : memref<1024x128xf32, #tpu.memory_space<vmem>>, vector<1024x128xf32>
    %reshape3A = vector.shape_cast %select_n3A : vector<1024xf32> to vector<1024x1xf32>
    %mul3A = vector.broadcast %reshape3A : vector<1024x1xf32> to vector<1024x128xf32>
    %mul3A_30 = arith.mulf %get3A_29, %mul3A : vector<1024x128xf32>
    %swap3A_31 = arith.constant 0 : index
    %swap3A_32 = arith.constant 0 : index
    %swap3A_33 = vector.load %arg3[%swap3A_31, %swap3A_32] : memref<1024x128xf32, #tpu.memory_space<vmem>>, vector<1024x128xf32>
    tpu.vector_store %arg3[%swap3A_31, %swap3A_32], %mul3A_30 {strides = array<i32>} : memref<1024x128xf32, #tpu.memory_space<vmem>>, vector<1024x128xf32>,
    return
  }
  func.func @transform_0(%arg0: i32) -> (i32, i32, i32) {
    %c0_i32 = arith.constant 0 : i32
    %c0_i32_0 = arith.constant 0 : i32
    %c0_i32_1 = arith.constant 0 : i32
    return %c0_i32, %c0_i32_0, %arg0 : i32, i32, i32
  }
  func.func @transform_1(%arg0: i32) -> (i32, i32) {
    %c0_i32 = arith.constant 0 : i32
    %c0_i32_0 = arith.constant 0 : i32
    return %arg0, %c0_i32 : i32, i32
  }
  func.func @transform_2(%arg0: i32) -> (i32, i32) {
    %c0_i32 = arith.constant 0 : i32
    %c0_i32_0 = arith.constant 0 : i32
    return %arg0, %c0_i32 : i32, i32
  }
  func.func @transform_3(%arg0: i32) -> i32 {
    %c0_i32 = arith.constant 0 : i32
    return %arg0 : i32
  }
  func.func @transform_4(%arg0: i32) -> i32 {
    %c0_i32 = arith.constant 0 : i32
    return %arg0 : i32
  }
}

module attributes {stable_mosaic.version = 14 : i64} {
  func.func @_layer1_body(%arg0: i32, %arg1: memref<2x1024x128xf32, #tpu.memory_space<vmem>>, %arg2: memref<1024xf32, #tpu.memory_space<vmem>>, %arg3: memref<1024xf32, #tpu.memory_space<vmem>>, %arg4: memref<128x128xf32, #tpu.memory_space<vmem>>, %arg5: memref<128xf32, #tpu.memory_space<vmem>>, %arg6: memref<1024x128xf32, #tpu.memory_space<vmem>>) attributes {dimension_semantics = [#tpu.dimension_semantics<arbitrary>], iteration_bounds = array<i64: 10>, scalar_prefetch = 0 : i64, scratch_operands = 0 : i64, tpu.core_type = #tpu.core_type<tc>, window_params = [{transform_indices = @transform_0, window_bounds = array<i64: 2, 1024, 128>}, {transform_indices = @transform_1, window_bounds = array<i64: 1024>}, {transform_indices = @transform_2, window_bounds = array<i64: 1024>}, {pipeline_mode = #tpu.pipeline_mode<synchronous>, transform_indices = @transform_3, window_bounds = array<i64: 128, 128>}, {pipeline_mode = #tpu.pipeline_mode<synchronous>, transform_indices = @transform_4, window_bounds = array<i64: 128>}, {transform_indices = @transform_5, window_bounds = array<i64: 1024, 128>}]} {
    %get3A = arith.constant 0 : index
    %get3A_0 = arith.constant 0 : index
    %get3A_1 = arith.constant 0 : index
    %get3A_2 = vector.load %arg1[%get3A, %get3A_0, %get3A_1] : memref<2x1024x128xf32, #tpu.memory_space<vmem>>, vector<1x1024x128xf32>
    %get3A_3 = vector.shape_cast %get3A_2 : vector<1x1024x128xf32> to vector<1024x128xf32>
    %get3A_4 = arith.constant 1 : index
    %get3A_5 = arith.constant 0 : index
    %get3A_6 = arith.constant 0 : index
    %get3A_7 = vector.load %arg1[%get3A_4, %get3A_5, %get3A_6] : memref<2x1024x128xf32, #tpu.memory_space<vmem>>, vector<1x1024x128xf32>
    %get3A_8 = vector.shape_cast %get3A_7 : vector<1x1024x128xf32> to vector<1024x128xf32>
    %add3A = arith.addf %get3A_3, %get3A_8 : vector<1024x128xf32>
    %get3A_9 = arith.constant 0 : index
    %get3A_10 = vector.load %arg2[%get3A_9] : memref<1024xf32, #tpu.memory_space<vmem>>, vector<1024xf32>
    %reshape3A = vector.shape_cast %get3A_10 : vector<1024xf32> to vector<1024x1xf32>
    %mul3A = vector.broadcast %reshape3A : vector<1024x1xf32> to vector<1024x128xf32>
    %mul3A_11 = arith.mulf %add3A, %mul3A : vector<1024x128xf32>
    %get3A_12 = arith.constant 0 : index
    %get3A_13 = arith.constant 0 : index
    %get3A_14 = vector.load %arg4[%get3A_12, %get3A_13] : memref<128x128xf32, #tpu.memory_space<vmem>>, vector<128x128xf32>
    %dot_general3A = arith.constant dense<0.000000e+00> : vector<1024x128xf32>
    %dot_general3A_15 = tpu.matmul %mul3A_11, %get3A_14, %dot_general3A {dimension_numbers = #tpu.dot_dimension_numbers<[1], [0], [0], [1], [0, 0, 1, 1], [], []>, precision = #tpu.contract_precision<fp32>, transpose_lhs_hint = false} : vector<1024x128xf32>, vector<128x128xf32>, vector<1024x128xf32> -> vector<1024x128xf32>
    %get3A_16 = arith.constant 0 : index
    %get3A_17 = vector.load %arg5[%get3A_16] : memref<128xf32, #tpu.memory_space<vmem>>, vector<128xf32>
    %broadcast_in_dim3A = vector.shape_cast %get3A_17 : vector<128xf32> to vector<1x128xf32>
    %add3A_18 = vector.broadcast %broadcast_in_dim3A : vector<1x128xf32> to vector<1024x128xf32>
    %add3A_19 = arith.addf %dot_general3A_15, %add3A_18 : vector<1024x128xf32>
    %get3A_20 = arith.constant 0 : index
    %get3A_21 = vector.load %arg3[%get3A_20] : memref<1024xf32, #tpu.memory_space<vmem>>, vector<1024xf32>
    %reshape3A_22 = vector.shape_cast %get3A_21 : vector<1024xf32> to vector<1024x1xf32>
    %mul3A_23 = vector.broadcast %reshape3A_22 : vector<1024x1xf32> to vector<1024x128xf32>
    %mul3A_24 = arith.mulf %add3A_19, %mul3A_23 : vector<1024x128xf32>
    %swap3A = arith.constant 0 : index
    %swap3A_25 = arith.constant 0 : index
    %swap3A_26 = vector.load %arg6[%swap3A, %swap3A_25] : memref<1024x128xf32, #tpu.memory_space<vmem>>, vector<1024x128xf32>
    tpu.vector_store %arg6[%swap3A, %swap3A_25], %mul3A_24 {strides = array<i32>} : memref<1024x128xf32, #tpu.memory_space<vmem>>, vector<1024x128xf32>,
    return
  }
  func.func @transform_0(%arg0: i32) -> (i32, i32, i32) {
    %c0_i32 = arith.constant 0 : i32
    %c0_i32_0 = arith.constant 0 : i32
    %c0_i32_1 = arith.constant 0 : i32
    return %c0_i32, %arg0, %c0_i32_0 : i32, i32, i32
  }
  func.func @transform_1(%arg0: i32) -> i32 {
    %c0_i32 = arith.constant 0 : i32
    return %arg0 : i32
  }
  func.func @transform_2(%arg0: i32) -> i32 {
    %c0_i32 = arith.constant 0 : i32
    return %arg0 : i32
  }
  func.func @transform_3(%arg0: i32) -> (i32, i32) {
    %c0_i32 = arith.constant 0 : i32
    %c0_i32_0 = arith.constant 0 : i32
    %c0_i32_1 = arith.constant 0 : i32
    return %c0_i32, %c0_i32_0 : i32, i32
  }
  func.func @transform_4(%arg0: i32) -> i32 {
    %c0_i32 = arith.constant 0 : i32
    %c0_i32_0 = arith.constant 0 : i32
    return %c0_i32 : i32
  }
  func.func @transform_5(%arg0: i32) -> (i32, i32) {
    %c0_i32 = arith.constant 0 : i32
    %c0_i32_0 = arith.constant 0 : i32
    return %arg0, %c0_i32 : i32, i32
  }
}

module attributes {stable_mosaic.version = 14 : i64} {
  func.func @_final_body(%arg0: i32, %arg1: memref<2x1024x128xf32, #tpu.memory_space<vmem>>, %arg2: memref<1024xf32, #tpu.memory_space<vmem>>, %arg3: memref<128x128xf32, #tpu.memory_space<vmem>>, %arg4: memref<128xf32, #tpu.memory_space<vmem>>, %arg5: memref<128x128xf32, #tpu.memory_space<vmem>>, %arg6: memref<128xf32, #tpu.memory_space<vmem>>, %arg7: memref<1024x128xf32, #tpu.memory_space<vmem>>, %arg8: memref<1024x128xf32, #tpu.memory_space<vmem>>) attributes {dimension_semantics = [#tpu.dimension_semantics<arbitrary>], iteration_bounds = array<i64: 10>, scalar_prefetch = 0 : i64, scratch_operands = 0 : i64, tpu.core_type = #tpu.core_type<tc>, window_params = [{transform_indices = @transform_0, window_bounds = array<i64: 2, 1024, 128>}, {transform_indices = @transform_1, window_bounds = array<i64: 1024>}, {pipeline_mode = #tpu.pipeline_mode<synchronous>, transform_indices = @transform_2, window_bounds = array<i64: 128, 128>}, {pipeline_mode = #tpu.pipeline_mode<synchronous>, transform_indices = @transform_3, window_bounds = array<i64: 128>}, {pipeline_mode = #tpu.pipeline_mode<synchronous>, transform_indices = @transform_4, window_bounds = array<i64: 128, 128>}, {pipeline_mode = #tpu.pipeline_mode<synchronous>, transform_indices = @transform_5, window_bounds = array<i64: 128>}, {transform_indices = @transform_6, window_bounds = array<i64: 1024, 128>}, {transform_indices = @transform_7, window_bounds = array<i64: 1024, 128>}]} {
    %get3A = arith.constant 0 : index
    %get3A_0 = arith.constant 0 : index
    %get3A_1 = arith.constant 0 : index
    %get3A_2 = vector.load %arg1[%get3A, %get3A_0, %get3A_1] : memref<2x1024x128xf32, #tpu.memory_space<vmem>>, vector<1x1024x128xf32>
    %get3A_3 = vector.shape_cast %get3A_2 : vector<1x1024x128xf32> to vector<1024x128xf32>
    %get3A_4 = arith.constant 1 : index
    %get3A_5 = arith.constant 0 : index
    %get3A_6 = arith.constant 0 : index
    %get3A_7 = vector.load %arg1[%get3A_4, %get3A_5, %get3A_6] : memref<2x1024x128xf32, #tpu.memory_space<vmem>>, vector<1x1024x128xf32>
    %get3A_8 = vector.shape_cast %get3A_7 : vector<1x1024x128xf32> to vector<1024x128xf32>
    %add3A = arith.addf %get3A_3, %get3A_8 : vector<1024x128xf32>
    %get3A_9 = arith.constant 0 : index
    %get3A_10 = vector.load %arg2[%get3A_9] : memref<1024xf32, #tpu.memory_space<vmem>>, vector<1024xf32>
    %reshape3A = vector.shape_cast %get3A_10 : vector<1024xf32> to vector<1024x1xf32>
    %mul3A = vector.broadcast %reshape3A : vector<1024x1xf32> to vector<1024x128xf32>
    %mul3A_11 = arith.mulf %add3A, %mul3A : vector<1024x128xf32>
    %get3A_12 = arith.constant 0 : index
    %get3A_13 = arith.constant 0 : index
    %get3A_14 = vector.load %arg3[%get3A_12, %get3A_13] : memref<128x128xf32, #tpu.memory_space<vmem>>, vector<128x128xf32>
    %dot_general3A = arith.constant dense<0.000000e+00> : vector<1024x128xf32>
    %dot_general3A_15 = tpu.matmul %mul3A_11, %get3A_14, %dot_general3A {dimension_numbers = #tpu.dot_dimension_numbers<[1], [0], [0], [1], [0, 0, 1, 1], [], []>, precision = #tpu.contract_precision<fp32>, transpose_lhs_hint = false} : vector<1024x128xf32>, vector<128x128xf32>, vector<1024x128xf32> -> vector<1024x128xf32>
    %get3A_16 = arith.constant 0 : index
    %get3A_17 = vector.load %arg4[%get3A_16] : memref<128xf32, #tpu.memory_space<vmem>>, vector<128xf32>
    %broadcast_in_dim3A = vector.shape_cast %get3A_17 : vector<128xf32> to vector<1x128xf32>
    %add3A_18 = vector.broadcast %broadcast_in_dim3A : vector<1x128xf32> to vector<1024x128xf32>
    %add3A_19 = arith.addf %dot_general3A_15, %add3A_18 : vector<1024x128xf32>
    %get3A_20 = arith.constant 0 : index
    %get3A_21 = arith.constant 0 : index
    %get3A_22 = vector.load %arg5[%get3A_20, %get3A_21] : memref<128x128xf32, #tpu.memory_space<vmem>>, vector<128x128xf32>
    %dot_general3A_23 = arith.constant dense<0.000000e+00> : vector<1024x128xf32>
    %dot_general3A_24 = tpu.matmul %mul3A_11, %get3A_22, %dot_general3A_23 {dimension_numbers = #tpu.dot_dimension_numbers<[1], [0], [0], [1], [0, 0, 1, 1], [], []>, precision = #tpu.contract_precision<fp32>, transpose_lhs_hint = false} : vector<1024x128xf32>, vector<128x128xf32>, vector<1024x128xf32> -> vector<1024x128xf32>
    %get3A_25 = arith.constant 0 : index
    %get3A_26 = vector.load %arg6[%get3A_25] : memref<128xf32, #tpu.memory_space<vmem>>, vector<128xf32>
    %broadcast_in_dim3A_27 = vector.shape_cast %get3A_26 : vector<128xf32> to vector<1x128xf32>
    %add3A_28 = vector.broadcast %broadcast_in_dim3A_27 : vector<1x128xf32> to vector<1024x128xf32>
    %add3A_29 = arith.addf %dot_general3A_24, %add3A_28 : vector<1024x128xf32>
    %get3A_30 = arith.constant 0 : index
    %get3A_31 = arith.constant 0 : index
    %get3A_32 = vector.load %arg7[%get3A_30, %get3A_31] : memref<1024x128xf32, #tpu.memory_space<vmem>>, vector<1024x128xf32>
    %exp3A = math.exp %add3A_29 : vector<1024x128xf32>
    %mul3A_33 = arith.mulf %get3A_32, %exp3A : vector<1024x128xf32>
    %add3A_34 = arith.addf %mul3A_33, %add3A_19 : vector<1024x128xf32>
    %swap3A = arith.constant 0 : index
    %swap3A_35 = arith.constant 0 : index
    %swap3A_36 = vector.load %arg8[%swap3A, %swap3A_35] : memref<1024x128xf32, #tpu.memory_space<vmem>>, vector<1024x128xf32>
    tpu.vector_store %arg8[%swap3A, %swap3A_35], %add3A_34 {strides = array<i32>} : memref<1024x128xf32, #tpu.memory_space<vmem>>, vector<1024x128xf32>,
    return
  }
  func.func @transform_0(%arg0: i32) -> (i32, i32, i32) {
    %c0_i32 = arith.constant 0 : i32
    %c0_i32_0 = arith.constant 0 : i32
    %c0_i32_1 = arith.constant 0 : i32
    return %c0_i32, %arg0, %c0_i32_0 : i32, i32, i32
  }
  func.func @transform_1(%arg0: i32) -> i32 {
    %c0_i32 = arith.constant 0 : i32
    return %arg0 : i32
  }
  func.func @transform_2(%arg0: i32) -> (i32, i32) {
    %c0_i32 = arith.constant 0 : i32
    %c0_i32_0 = arith.constant 0 : i32
    %c0_i32_1 = arith.constant 0 : i32
    return %c0_i32, %c0_i32_0 : i32, i32
  }
  func.func @transform_3(%arg0: i32) -> i32 {
    %c0_i32 = arith.constant 0 : i32
    %c0_i32_0 = arith.constant 0 : i32
    return %c0_i32 : i32
  }
  func.func @transform_4(%arg0: i32) -> (i32, i32) {
    %c0_i32 = arith.constant 0 : i32
    %c0_i32_0 = arith.constant 0 : i32
    %c0_i32_1 = arith.constant 0 : i32
    return %c0_i32, %c0_i32_0 : i32, i32
  }
  func.func @transform_5(%arg0: i32) -> i32 {
    %c0_i32 = arith.constant 0 : i32
    %c0_i32_0 = arith.constant 0 : i32
    return %c0_i32 : i32
  }
  func.func @transform_6(%arg0: i32) -> (i32, i32) {
    %c0_i32 = arith.constant 0 : i32
    %c0_i32_0 = arith.constant 0 : i32
    return %arg0, %c0_i32 : i32, i32
  }
  func.func @transform_7(%arg0: i32) -> (i32, i32) {
    %c0_i32 = arith.constant 0 : i32
    %c0_i32_0 = arith.constant 0 : i32
    return %arg0, %c0_i32 : i32, i32
  }
}

</mosaic_0001>

<sc_bundles>
// kernel: kernel.11.cloned.1.call-start
scs
__scs_entry_jumppad:
0x0: {  	(pc) =	sbr.rel $0x88, $3  }
0x1: {  	(tag) =	ssettag $0x0;
	lr =	simm.s32 $0x1  }
0x2: {  	[smem:$0x3F99] =	sst lr;
	_ =	strace $0xD0000000  }
0x3: {  	_ = 	snop  }
0x4: {  	_ = 	snop  }
0x5: {  	_ = 	snop  }
0x6: {  	_ = 	snop  }
0x7: {  	_ = 	snop  }
__scs_overlays_trampoline_lowered:
0x8: {  	[smem:$0x3FA8] =	sst s0  }
0x9: {  	[smem:$0x3FA9] =	sst s1  }
0xa: {  	[smem:$0x3FAA] =	sst s2  }
0xb: {  	[smem:$0x3FAB] =	sst s3  }
0xc: {  	[smem:$0x3FAC] =	sst s4  }
0xd: {  	[smem:$0x3FAD] =	sst s5  }
0xe: {  	[smem:$0x3FAE] =	sst s6  }
0xf: {  	[smem:$0x3FAF] =	sst s7  }
0x10: {  	[smem:$0x3FB0] =	sst s8  }
0x11: {  	[smem:$0x3FB1] =	sst s9;
	s0 =	simm.s32 @!p0 $0x0  }
0x12: {  	s1 =	sld [smem:$0x3F97];
	s0 =	simm.s32 @p0 $0x1  }
0x13: {  	[smem:$0x3FB2] =	sst s0;
	s0 =	simm.s32 @!p1 $0x0  }
0x14: {  	s2 =	sld [smem:$0x3F96];
	s0 =	simm.s32 @p1 $0x1  }
0x15: {  	[smem:$0x3FB3] =	sst s0;
	s0 =	simm.s32 @!p2 $0x0  }
0x16: {  	s3 =	sld [smem:$0x3FDB];
	s0 =	simm.s32 @p2 $0x1  }
0x17: {  	s4 =	simm.s32 $0x1BF5;
	[smem:$0x3FB5] =	sst s0  }
0x18: {  	s0 =	sld [smem:$0x3F98];
	_ =	swait.ge [sflag:s4], $0x0  }
0x19: {  	s7 =	sld [smem:$0x3F99]  }
0x1a: {  	s8 =	sadd.s32 $0xFFFFE003, lr  }
0x1b: {  	s9 =	sadd.s32 $0xFFFFFEF7, lr;
	s5 =	simm.s32 $0xFFFFFFFF;
	p2 =	slt.u32 s8, $0xFFFFF086  }
0x1c: {  	p1 =	slt.u32 s9, $0xF7A;
	s5 =	simm.s32 @!p2 $0x0  }
0x1d: {  	s5 =	simm.s32 @p1 $0x1;
	p0 =	seq.s32 s7, s2  }
0x1e: {  	s7 =	smul.u32 @!p0 $0xF7A, s2;
	p2 =	seq.s32 @!p0 s5, $0x0  }
0x1f: {  	s9 =	smul.u32 $0xF7A, s1;
	s8 =	simm.s32 @!p0 $0x1BF5;
	p2 =	por !p2, p0  }
0x20: {  	[sflag:s8] =	ssyncset.s32 @!p0 $0xFFFFF086;
	s6 =	sadd.s32 @!p0 s3, s7;
	s7 =	simm.s32 @!p0 $0x108  }
0x21: {  	s3 =	sadd.s32 s3, s9;
	s6 =	sadd.s32 @!p0 $0x88, s6;
	s7 =	simm.s32 @p2 $0x1082  }
0x22: {  	[simem:s7], [sflag:s8] =	dma.local @!p0 [hbm:s6], $0xF7A  }
0x23: {  	s9 =	sor.u32 $0xD0000000, s2;
	s6 =	simm.s32 $0x108;
	_ =	swait.ge @!p0 [sflag:s8], $0x0  }
0x24: {  	s3 =	sadd.s32 $0x88, s3;
	s6 =	simm.s32 @!p1 $0x1082;
	[sflag:s4] =	ssyncset.s32 $0xFFFFF086  }
0x25: {  	[simem:s6], [sflag:s4] =	dma.local [hbm:s3], $0xF7A  }
0x26: {  	[smem:$0x3F99] =	sst s1;
	(tag) =	ssettag s2;
	_ =	strace s9  }
0x27: {  	s1 =	sld [smem:$0x3FA9]  }
0x28: {  	s2 =	sld [smem:$0x3FAA]  }
0x29: {  	s4 =	sld [smem:$0x3FAC]  }
0x2a: {  	p0 =	seq.s32 s5, $0x0;
	s5 =	sld [smem:$0x3FAD]  }
0x2b: {  	s6 =	sld [smem:$0x3FAE]  }
0x2c: {  	s7 =	sld [smem:$0x3FAF]  }
0x2d: {  	s3 =	simm.s32 $0x108;
	s8 =	sld [smem:$0x3FB0]  }
0x2e: {  	s3 =	simm.s32 @!p0 $0x1082;
	s9 =	sld [smem:$0x3FB1]  }
0x2f: {  	lr =	sadd.s32 s0, s3;
	s0 =	sld [smem:$0x3FA8]  }
0x30: {  	s3 =	sld [smem:$0x3FAB]  }
0x31: {  	[smem:$0x3FB4] =	sst s10  }
0x32: {  	s10 =	sld [smem:$0x3FB2];
	_ =	sdelay $0x3  }
0x33: {  	p0 =	seq.s32 s10, $0x1;
	s10 =	sld [smem:$0x3FB4];
	_ =	sdelay $0x3  }
0x34: {  	[smem:$0x3FB4] =	sst s10  }
0x35: {  	s10 =	sld [smem:$0x3FB3];
	_ =	sdelay $0x3  }
0x36: {  	p1 =	seq.s32 s10, $0x1;
	s10 =	sld [smem:$0x3FB4];
	_ =	sdelay $0x3  }
0x37: {  	[smem:$0x3FB4] =	sst s10  }
0x38: {  	s10 =	sld [smem:$0x3FB5]  }
0x39: {  	_ = 	snop;
	(pc) =	sbr.ind lr, $3  }
0x3a: {  	_ = 	snop  }
0x3b: {  	_ = 	snop  }
0x3c: {  	p2 =	seq.s32 s10, $0x1;
	s10 =	sld [smem:$0x3FB4]  }
0x3d: {  	_ =	shalt  }
0x3e: {  	_ =	shalt  }
0x3f: {  	_ =	shalt  }
0x40: {  	_ =	shalt  }
0x41: {  	_ =	shalt  }
0x42: {  	_ =	shalt  }
0x43: {  	_ =	shalt  }
0x44: {  	_ =	shalt  }
0x45: {  	_ =	shalt  }
0x46: {  	_ =	shalt  }
0x47: {  	_ =	shalt  }
0x48: {  	_ =	shalt  }
0x49: {  	_ =	shalt  }
0x4a: {  	_ =	shalt  }
0x4b: {  	_ =	shalt  }
0x4c: {  	_ =	shalt  }
0x4d: {  	_ =	shalt  }
0x4e: {  	_ =	shalt  }
0x4f: {  	_ =	shalt  }
0x50: {  	_ =	shalt  }
0x51: {  	_ =	shalt  }
0x52: {  	_ =	shalt  }
0x53: {  	_ =	shalt  }
0x54: {  	_ =	shalt  }
0x55: {  	_ =	shalt  }
0x56: {  	_ =	shalt  }
0x57: {  	_ =	shalt  }
0x58: {  	_ =	shalt  }
0x59: {  	_ =	shalt  }
0x5a: {  	_ =	shalt  }
0x5b: {  	_ =	shalt  }
0x5c: {  	_ =	shalt  }
0x5d: {  	_ =	shalt  }
0x5e: {  	_ =	shalt  }
0x5f: {  	_ =	shalt  }
0x60: {  	_ =	shalt  }
0x61: {  	_ =	shalt  }
0x62: {  	_ =	shalt  }
0x63: {  	_ =	shalt  }
0x64: {  	_ =	shalt  }
0x65: {  	_ =	shalt  }
0x66: {  	_ =	shalt  }
0x67: {  	_ =	shalt  }
0x68: {  	_ =	shalt  }
0x69: {  	_ =	shalt  }
0x6a: {  	_ =	shalt  }
0x6b: {  	_ =	shalt  }
0x6c: {  	_ =	shalt  }
0x6d: {  	_ =	shalt  }
0x6e: {  	_ =	shalt  }
0x6f: {  	_ =	shalt  }
0x70: {  	_ =	shalt  }
0x71: {  	_ =	shalt  }
0x72: {  	_ =	shalt  }
0x73: {  	_ =	shalt  }
0x74: {  	_ =	shalt  }
0x75: {  	_ =	shalt  }
0x76: {  	_ =	shalt  }
0x77: {  	_ =	shalt  }
0x78: {  	_ =	shalt  }
0x79: {  	_ =	shalt  }
0x7a: {  	_ =	shalt  }
0x7b: {  	_ =	shalt  }
0x7c: {  	_ =	shalt  }
0x7d: {  	_ =	shalt  }
0x7e: {  	_ =	shalt  }
0x7f: {  	_ =	shalt  }
0x80: {  	_ =	shalt  }
0x81: {  	_ =	shalt  }
0x82: {  	_ =	shalt  }
0x83: {  	_ =	shalt  }
0x84: {  	_ =	shalt  }
0x85: {  	_ =	shalt  }
0x86: {  	_ =	shalt  }
0x87: {  	_ =	shalt  }
.Lfunc_end0:
.L_simem_size_0:
called_computation.1_lowered:
.L_overlay_start_0:
0x88: {  	s2 =	sld [smem:$0x3FD9]  }
0x89: {  	s3 =	sld [smem:$0x3FFE];
	_ =	sdelay $0x1  }
0x8a: {  	s1 =	srdreg.scid  }
0x8b: {  	s0 =	sand.u32 $0x1, s1  }
0x8c: {  	s17 =	sshll.u32 s0, $0xA;
	s2 =	sadd.s32 s3, s2  }
0x8d: {  	s2 =	sadd.s32 s2, s17  }
0x8e: {  	[smem:$0x3FC0] =	sst s2  }
0x8f: {  	_ = 	snop  }
0x90: {  	s2 =	sld [smem:$0x3FD0];
	(tm) =	ssettm $0x1  }
0x91: {  	s18 =	sld [smem:$0x3FFB];
	_ =	sdelay $0x3  }
0x92: {  	_ =	strace s18  }
0x93: {  	s3 =	sld [smem:$0x3FFC];
	_ =	sdelay $0x3  }
0x94: {  	_ =	strace s3  }
0x95: {  	s3 =	sld [smem:$0x3FFD];
	_ =	sdelay $0x3  }
0x96: {  	_ =	strace s3  }
0x97: {  	_ =	strace $0x8FFFFFFF  }
0x98: {  	s19 =	sld [smem:$0x3FDB];
	_ =	sdelay $0x1  }
0x99: {  	s4 =	simm.s32 $_scs_section_size  }
0x9a: {  	s5 =	simm.s32 $_size__tile_overlayer_lowered;
	s6 =	simm.s32 $_tile_overlayer_lowered  }
0x9b: {  	s22 =	simm.s32 $0x1BFF;
	s21 =	sshll.u32 s6, $0x1;
	s3 =	sadd.s32 s4, s19  }
0x9c: {  	s7 =	simm.s32 $0x0;
	s20 =	sshll.u32 s5, $0x1;
	s5 =	sadd.s32 s21, s3  }
0x9d: {  	[timem:s7], [sflag:s22] =	dma.local [hbm:s5], s20  }
0x9e: {  	_ =	swait.ge [sflag:s22], s20  }
0x9f: {  	s4 =	ssub.s32 $0x0, s20;
	[sflag:s22] =	ssyncset.done $0x0  }
0xa0: {  	[sflag:s22] =	ssyncadd.s32 s4;
	_ =	sdelay $0x1  }
0xa1: {  	s23 =	simm.s32 $0x1B8B  }
0xa2: {  	_ =	swait.ge [sflag:s23], $0x1  }
0xa3: {  	[sflag:s23] =	ssyncset.done $0x0  }
0xa4: {  	s25 =	simm.s32 $0x1B8E;
	s24 =	sld [smem:$0x3FFE];
	[sflag:s23] =	ssyncadd.s32 $0xFFFFFFFF  }
0xa5: {  	s26 =	simm.s32 $execute0_lowered;
	[smem:$0x3FD2] =	sst s25  }
0xa6: {  	s5 =	sshll.u32 s26, $0x1;
	_ =	strace $0x80000049;
	[dreg:$0x1] =	wrdreg $0xFFFFFFFF  }
0xa7: {  	s28 =	simm.s32 $_size_execute0_lowered;
	s3 =	sadd.s32 s3, s5;
	[dreg:$0x0] =	wrdreg $0x0  }
0xa8: {  	s5 =	sshll.u32 s28, $0x1;
	[dreg:$0x2] =	wrdreg s3  }
0xa9: {  	[dreg:$0x3] =	wrdreg s5  }
0xaa: {  	[dreg:$0x4] =	wrdreg $0xC0  }
0xab: {  	_ =	task [dreg:s7], $0x5FFFF  }
0xac: {  	[dreg:$0x1] =	wrdreg $0xFFFFFFFF  }
0xad: {  	[dreg:$0x0] =	wrdreg $0x60  }
0xae: {  	[dreg:$0x2] =	wrdreg s24  }
0xaf: {  	[dreg:$0x3] =	wrdreg s2  }
0xb0: {  	[dreg:$0x4] =	wrdreg $0xA9000  }
0xb1: {  	[dreg:$0x5] =	wrdreg $0x9  }
0xb2: {  	_ =	task.clear_ibuf [dreg:s7], $0x6FFFF;
	_ =	strace $0x90000049  }
0xb3: {  	s29 =	simm.s32 $0x9;
	_ =	strace $0x8000004B  }
0xb4: {  	_ =	swait.ge [sflag:s29], $0x1  }
0xb5: {  	[sflag:s29] =	ssyncadd.s32 $0xFFFFFFFF  }
0xb6: {  	_ =	strace $0x9000004B  }
0xb7: {  	_ =	sfence  }
0xb8: {  	s30 =	sld [smem:$0x0];
	_ =	sdelay $0x2  }
0xb9: {  	s31 =	sshll.u32 s1, $0xD;
	s1 =	sshrl.u32 s1, $0x2  }
0xba: {  	s3 =	sand.u32 $0x4000, s31;
	s1 =	sadd.s32 s1, s30  }
0xbb: {  	s0 =	sor.u32 s3, s0;
	s1 =	sshll.u32 s1, $0x11  }
0xbc: {  	s0 =	sor.u32 s1, s0  }
0xbd: {  	s0 =	sadd.s32 $0x8F2B, s0  }
0xbe: {  	[sflag:s0] =	ssyncadd.remote.s32 $0x1  }
0xbf: {  	_ =	sfence.sel $0xFFFF  }
0xc0: {  	[dreg:$0x0] =	wrdreg $0xFFFFFFFF;
	(pc) =	sbr.abs _section_cstart, $3  }
0xc1: {  	[dreg:$0x1] =	wrdreg $0xFFFFFFFF  }
0xc2: {  	_ =	task.clear_ibuf [dreg:s7], $0x2FFFF;
	_ =	strace $0x9FFFFFFF  }
0xc3: {  	(tm) =	ssettm $0x7FFFFFFF  }
tec
execute0_lowered:
.L_overlay_start_1:
0x0: {  	(tag) =	ssettag $0x1  }
0x1: {  	s5 =	rddreg [dreg:$0x0]  }
0x2: {  	s6 =	rddreg [dreg:$0x1]  }
0x3: {  	s1 =	rddreg [dreg:$0x2];
	s2 =	srdreg.scid  }
0x4: {  	s3 =	simm.s32 $0x0;
	s0 =	stileid.u32;
	s16 =	simm.s32 $0x8  }
0x5: {  	s17 =	simm.s32 $0x1;
	s18 =	simm.s32 $0x2800;
	s19 =	simm.s32 $0x2880  }
0x6: {  	s20 =	simm.s32 $0x6900;
	s21 =	simm.s32 $0x4;
	s22 =	simm.s32 $0x80  }
0x7: {  	s23 =	simm.s32 $0x5;
	s28 =	simm.s32 $0x7;
	s9 =	smul.u32 $0x14000, s0  }
0x8: {  	s29 =	simm.s32 $0x0;
	s7 =	sand.u32 $0x1, s2;
	s25 =	smul.u32 $0x50000, s0  }
0x9: {  	[smem:$0x7FF] =	sst s3;
	s4 =	sshll.u32 s0, $0x1;
	s30 =	smul.u32 $0x5000, s0  }
0xa: {  	s14 =	sadd.s32 $0x2800, s5;
	s8 =	smul.u32 $0x140000, s7;
	_ =	strace $0x8000004A  }
0xb: {  	s10 =	sor.u32 s7, s4;
	s26 =	ssub.s32 $0x2, s7;
	s13 =	smul.u32 $0x2800, s7  }
0xc: {  	s4 =	sadd.s32 $0xC800, s5;
	s24 =	smul.u32 $0x2800, s10;
	s12 =	sshrl.u32 s26, $0x1  }
0xd: {  	s10 =	sshrl.u32 s25, $0x2;
	s25 =	simm.s32 $0x6;
	s8 =	sadd.s32 s9, s8  }
0xe: {  	s12 =	ssub.s32 s26, s12;
	s15 =	sadd.s32 s13, s30;
	s26 =	simm.s32 $0x3  }
0xf: {  	s8 =	sshrl.u32 s8, $0x3;
	s31 =	sshrl.u32 s24, $0x3;
	s13 =	sor.u32 $0x80, s15  }
0x10: {  	s12 =	smax.u32 s12, $0x1;
	s15 =	sshrl.u32 s15, $0x3;
	s24 =	simm.s32 $0x2  }
0x11: {  	s11 =	sadd.s32 s8, s5;
	s5 =	sadd.s32 s10, s1;
	s6 =	sadd.s32 s6, s31  }
0x12: {  	s13 =	sshrl.u32 s13, $0x3;
	s7 =	sadd.s32 $0x4000, s5;
	s8 =	sadd.s32 $0x8000, s5  }
0x13: {  	s9 =	sadd.s32 $0xC000, s5;
	s10 =	sadd.s32 $0x10000, s5;
	s11 =	sadd.s32 $0x34800, s11  }
0x14: {  	v0 =	vimm.s32 $0x0;
	v1 =	vimm.f32 $0.0e+00;
	s13 =	sadd.s32 s13, s14;
	s14 =	sadd.s32 s15, s14;
	s15 =	simm.s32 $0x2900  }
.LBB2_1:
0x15: {  	[tilespmem:s3], [sflag:$0x1] =	stream.linear.gather [hbm4b:s6+s3], $0x2800, $0x38;
	[tilespmem:$0x1E900] =	vst v63  }
0x16: {  	[tilespmem:$0x2800] =	vst v0  }
0x17: {  	[tilespmem:$0x2880] =	vst v0  }
0x18: {  	[tilespmem:$0x2810] =	vst v0  }
0x19: {  	[tilespmem:$0x2890] =	vst v0  }
0x1a: {  	[tilespmem:$0x2820] =	vst v0  }
0x1b: {  	[tilespmem:$0x28A0] =	vst v0  }
0x1c: {  	[tilespmem:$0x2830] =	vst v0  }
0x1d: {  	[tilespmem:$0x28B0] =	vst v0  }
0x1e: {  	[tilespmem:$0x2840] =	vst v0  }
0x1f: {  	[tilespmem:$0x28C0] =	vst v0  }
0x20: {  	[tilespmem:$0x2850] =	vst v0  }
0x21: {  	[tilespmem:$0x28D0] =	vst v0  }
0x22: {  	[tilespmem:$0x2860] =	vst v0  }
0x23: {  	[tilespmem:$0x28E0] =	vst v0  }
0x24: {  	[tilespmem:$0x2870] =	vst v0  }
0x25: {  	s30 =	simm.s32 $0x0;
	s31 =	simm.s32 $0x200;
	[tilespmem:$0x28F0] =	vst v0  }
.LBB2_2:
0x26: {  	p0 =	sne.s32 s31, $0xFE00;
	[tilespmem:s30+$0x6970] =	vst v1  }
0x27: {  	[tilespmem:s30+$0x2900] =	vst v1  }
0x28: {  	[tilespmem:s30+$0x6900] =	vst v1  }
0x29: {  	[tilespmem:s30+$0x2910] =	vst v1  }
0x2a: {  	[tilespmem:s30+$0x6910] =	vst v1  }
0x2b: {  	[tilespmem:s30+$0x2920] =	vst v1  }
0x2c: {  	[tilespmem:s30+$0x6920] =	vst v1  }
0x2d: {  	[tilespmem:s30+$0x2930] =	vst v1  }
0x2e: {  	[tilespmem:s30+$0x6930] =	vst v1  }
0x2f: {  	[tilespmem:s30+$0x2940] =	vst v1  }
0x30: {  	[tilespmem:s30+$0x6940] =	vst v1  }
.Ltmp0:
0x31: {  	[tilespmem:s30+$0x2950] =	vst v1;
	(pc) =	sbr.rel @p0 .LBB2_2-.Ltmp0, $4  }
0x32: {  	[tilespmem:s30+$0x6950] =	vst v1  }
0x33: {  	[tilespmem:s30+$0x2960] =	vst v1  }
0x34: {  	[tilespmem:s30+$0x6960] =	vst v1  }
0x35: {  	[tilespmem:s30+$0x2970] =	vst v1;
	s30 =	sshra.s32 s31, $0x2;
	s31 =	sadd.s32 $0x200, s31  }
0x36: {  	[tilespmem:s30+$0x6970] =	vst v1  }
0x37: {  	[tilespmem:s30+$0x2900] =	vst v1  }
0x38: {  	[tilespmem:s30+$0x6900] =	vst v1  }
0x39: {  	[tilespmem:s30+$0x2910] =	vst v1  }
0x3a: {  	[tilespmem:s30+$0x6910] =	vst v1  }
0x3b: {  	[tilespmem:s30+$0x2920] =	vst v1  }
0x3c: {  	[tilespmem:s30+$0x6920] =	vst v1  }
0x3d: {  	[tilespmem:s30+$0x2930] =	vst v1  }
0x3e: {  	[tilespmem:s30+$0x6930] =	vst v1  }
0x3f: {  	[tilespmem:s30+$0x2940] =	vst v1  }
0x40: {  	[tilespmem:s30+$0x6940] =	vst v1  }
0x41: {  	[tilespmem:s30+$0x2950] =	vst v1  }
0x42: {  	[tilespmem:s30+$0x6950] =	vst v1  }
0x43: {  	[tilespmem:s30+$0x2960] =	vst v1  }
0x44: {  	[tilespmem:s30+$0x6960] =	vst v1  }
0x45: {  	[tilespmem:s30+$0x2970] =	vst v1  }
0x46: {  	[spmem:s5] =	stream.linear.scatter [tilespmem:s15], [sflag:$0x8], $0x4000, $0x38;
	[tilespmem:$0x1E900] =	vst v63  }
0x47: {  	_ =	swait.ge [sflag:s16], $0x4000  }
0x48: {  	[sflag:s16] =	ssyncset.done $0x0  }
0x49: {  	[sflag:s16] =	ssyncadd.s32 $0xFFFFC000  }
0x4a: {  	[spmem:s7] =	stream.linear.scatter [tilespmem:s15], [sflag:$0x8], $0x4000, $0x38;
	[tilespmem:$0x1E900] =	vst v63  }
0x4b: {  	_ =	swait.ge [sflag:s16], $0x4000  }
0x4c: {  	[sflag:s16] =	ssyncset.done $0x0  }
0x4d: {  	[sflag:s16] =	ssyncadd.s32 $0xFFFFC000  }
0x4e: {  	[spmem:s8] =	stream.linear.scatter [tilespmem:s15], [sflag:$0x8], $0x4000, $0x38;
	[tilespmem:$0x1E900] =	vst v63  }
0x4f: {  	_ =	swait.ge [sflag:s16], $0x4000  }
0x50: {  	[sflag:s16] =	ssyncset.done $0x0  }
0x51: {  	[sflag:s16] =	ssyncadd.s32 $0xFFFFC000  }
0x52: {  	[spmem:s9] =	stream.linear.scatter [tilespmem:s15], [sflag:$0x8], $0x4000, $0x38;
	[tilespmem:$0x1E900] =	vst v63  }
0x53: {  	_ =	swait.ge [sflag:s16], $0x4000  }
0x54: {  	[sflag:s16] =	ssyncset.done $0x0  }
0x55: {  	[sflag:s16] =	ssyncadd.s32 $0xFFFFC000  }
0x56: {  	[spmem:s10] =	stream.linear.scatter [tilespmem:s15], [sflag:$0x8], $0x4000, $0x38;
	[tilespmem:$0x1E900] =	vst v63  }
0x57: {  	_ =	swait.ge [sflag:s16], $0x4000  }
0x58: {  	[sflag:s16] =	ssyncset.done $0x0  }
0x59: {  	[sflag:s16] =	ssyncadd.s32 $0xFFFFC000  }
0x5a: {  	_ =	swait.ge [sflag:s17], $0x2800  }
0x5b: {  	[sflag:s17] =	ssyncset.done $0x0  }
0x5c: {  	[sflag:s17] =	ssyncadd.s32 $0xFFFFD800  }
0x5d: {  	s30 =	simm.s32 $0x80;
	[bflag:$0x0] =	sbarrier.arrive $0xFFFF  }
0x5e: {  	[spmem:s1] =	stream.indirect.scatter.add.f32 [tilespmem:s15], [sflag:$0x4], $0x80, s18, s30, $0xb8;
	[tilespmem:$0x1E900] =	vst v63  }
0x5f: {  	_ = 	snop  }
0x60: {  	[spmem:s1] =	stream.indirect.scatter.add.f32 [tilespmem:s20], [sflag:$0x5], $0x80, s19, s30, $0xb8;
	[tilespmem:$0x1E900] =	vst v63  }
0x61: {  	_ =	swait.ge [sflag:s21], $0x4000  }
0x62: {  	[sflag:s21] =	ssyncset.done $0x0  }
0x63: {  	s31 =	simm.s32 $0x0;
	[sflag:s21] =	ssyncadd.s32 $0xFFFFC000  }
0x64: {  	[tilespmem:s15], [sflag:$0x2] =	stream.indirect.gather [hbm4b:s4+s22], $0x80, s31, s22, $0xb8;
	[tilespmem:$0x1E900] =	vst v63  }
0x65: {  	s31 =	sadd.s32 $0x0, s14  }
0x66: {  	[tilespmem:s18], [sflag:$0x6] =	stream.linear.gather [hbm4b:s31+s3], $0x80, $0x38;
	[tilespmem:$0x1E900] =	vst v63  }
0x67: {  	_ =	swait.ge [sflag:s23], $0x4000  }
0x68: {  	[sflag:s23] =	ssyncset.done $0x0  }
0x69: {  	[sflag:s23] =	ssyncadd.s32 $0xFFFFC000  }
0x6a: {  	[tilespmem:s20], [sflag:$0x3] =	stream.indirect.gather [hbm4b:s4+s22], $0x80, s30, s22, $0xb8;
	[tilespmem:$0x1E900] =	vst v63  }
0x6b: {  	s30 =	sadd.s32 $0x0, s13  }
0x6c: {  	[tilespmem:s19], [sflag:$0x7] =	stream.linear.gather [hbm4b:s30+s3], $0x80, $0x38;
	[tilespmem:$0x1E900] =	vst v63  }
0x6d: {  	_ =	swait.ge [sflag:s24], $0x4000  }
0x6e: {  	[sflag:s24] =	ssyncset.done $0x0  }
0x6f: {  	[sflag:s24] =	ssyncadd.s32 $0xFFFFC000  }
0x70: {  	_ =	swait.ge [sflag:s25], $0x80  }
0x71: {  	[sflag:s25] =	ssyncset.done $0x0  }
0x72: {  	[sflag:s25] =	ssyncadd.s32 $0xFFFFFF80  }
0x73: {  	[spmem:s1] =	stream.indirect.scatter.add.f32 [tilespmem:s15], [sflag:$0x4], $0x80, s18, s22, $0xb8;
	[tilespmem:$0x1E900] =	vst v63  }
0x74: {  	_ =	swait.ge [sflag:s26], $0x4000  }
0x75: {  	[sflag:s26] =	ssyncset.done $0x0  }
0x76: {  	[sflag:s26] =	ssyncadd.s32 $0xFFFFC000  }
0x77: {  	_ =	swait.ge [sflag:s28], $0x80  }
0x78: {  	[sflag:s28] =	ssyncset.done $0x0  }
0x79: {  	s31 =	simm.s32 $0x180;
	s30 =	simm.s32 $0x20;
	[sflag:s28] =	ssyncadd.s32 $0xFFFFFF80  }
.LBB2_4:
0x7a: {  	[spmem:s1] =	stream.indirect.scatter.add.f32 [tilespmem:s20], [sflag:$0x5], $0x80, s19, s22, $0xb8;
	[tilespmem:$0x1E900] =	vst v63  }
0x7b: {  	s0 =	smov.u32 s30  }
0x7c: {  	p0 =	sne.s32 s30, $0x4E0;
	s30 =	sadd.s32 $0x20, s30;
	_ =	swait.ge [sflag:s21], $0x4000  }
0x7d: {  	[sflag:s21] =	ssyncset.done $0x0  }
0x7e: {  	s2 =	sadd.s32 $0xFFFFFF80, s31;
	[sflag:s21] =	ssyncadd.s32 $0xFFFFC000  }
0x7f: {  	[tilespmem:s15], [sflag:$0x2] =	stream.indirect.gather [hbm4b:s4+s22], $0x80, s2, s22, $0xb8;
	[tilespmem:$0x1E900] =	vst v63  }
0x80: {  	s2 =	sadd.s32 s0, s14  }
0x81: {  	[tilespmem:s18], [sflag:$0x6] =	stream.linear.gather [hbm4b:s2+s3], $0x80, $0x38;
	[tilespmem:$0x1E900] =	vst v63  }
0x82: {  	_ =	swait.ge [sflag:s23], $0x4000  }
0x83: {  	[sflag:s23] =	ssyncset.done $0x0  }
0x84: {  	[sflag:s23] =	ssyncadd.s32 $0xFFFFC000  }
0x85: {  	[tilespmem:s20], [sflag:$0x3] =	stream.indirect.gather [hbm4b:s4+s22], $0x80, s31, s22, $0xb8;
	[tilespmem:$0x1E900] =	vst v63  }
0x86: {  	s0 =	sadd.s32 s0, s13  }
0x87: {  	[tilespmem:s19], [sflag:$0x7] =	stream.linear.gather [hbm4b:s0+s3], $0x80, $0x38;
	[tilespmem:$0x1E900] =	vst v63  }
0x88: {  	_ =	swait.ge [sflag:s24], $0x4000  }
0x89: {  	[sflag:s24] =	ssyncset.done $0x0  }
0x8a: {  	[sflag:s24] =	ssyncadd.s32 $0xFFFFC000  }
0x8b: {  	_ =	swait.ge [sflag:s25], $0x80  }
0x8c: {  	[sflag:s25] =	ssyncset.done $0x0  }
0x8d: {  	[sflag:s25] =	ssyncadd.s32 $0xFFFFFF80  }
0x8e: {  	[spmem:s1] =	stream.indirect.scatter.add.f32 [tilespmem:s15], [sflag:$0x4], $0x80, s18, s22, $0xb8;
	[tilespmem:$0x1E900] =	vst v63  }
0x8f: {  	_ =	swait.ge [sflag:s26], $0x4000  }
.Ltmp1:
0x90: {  	[sflag:s26] =	ssyncset.done $0x0;
	(pc) =	sbr.rel @p0 .LBB2_4-.Ltmp1, $4  }
0x91: {  	[sflag:s26] =	ssyncadd.s32 $0xFFFFC000  }
0x92: {  	_ =	swait.ge [sflag:s28], $0x80  }
0x93: {  	[sflag:s28] =	ssyncset.done $0x0  }
0x94: {  	s31 =	sadd.s32 $0x100, s31;
	[sflag:s28] =	ssyncadd.s32 $0xFFFFFF80  }
0x95: {  	[spmem:s1] =	stream.indirect.scatter.add.f32 [tilespmem:s20], [sflag:$0x5], $0x80, s19, s22, $0xb8;
	[tilespmem:$0x1E900] =	vst v63  }
0x96: {  	_ =	swait.ge [sflag:s21], $0x4000  }
0x97: {  	[sflag:s21] =	ssyncset.done $0x0  }
0x98: {  	[sflag:s21] =	ssyncadd.s32 $0xFFFFC000  }
0x99: {  	s0 =	stileid.u32;
	_ =	swait.ge [sflag:s23], $0x4000  }
0x9a: {  	s2 =	sshrl.u32 s5, $0x3;
	s29 =	sadd.s32 $0x1, s29;
	[sflag:s23] =	ssyncset.done $0x0  }
0x9b: {  	s0 =	sshll.u32 s0, $0x6;
	p0 =	sne.s32 s29, s12;
	[sflag:s23] =	ssyncadd.s32 $0xFFFFC000  }
.Ltmp2:
0x9c: {  	s0 =	sor.u32 $0x1C08, s0;
	[bflag:$0x0] =	sbarrier.arrive $0xFFFF;
	(pc) =	sbr.rel @p0 .LBB2_1-.Ltmp2, $4  }
0x9d: {  	[hbm:s11], [sflag:s0] =	dma.local [spmem:s2], $0x2800  }
0x9e: {  	_ =	swait.ge [sflag:s16], $0x2800  }
0x9f: {  	[sflag:s16] =	ssyncset.done $0x0  }
0xa0: {  	[sflag:s16] =	ssyncadd.s32 $0xFFFFD800  }
0xa1: {  	_ =	sfence.sel $0x180000  }
0xa2: {  	[bflag:$0x0] =	sbarrier.arrive $0xFFFF  }
0xa3: {  	_ =	strace $0x9000004A  }
0xa4: {  	s0 =	stileid.u32;
	[bflag:$0x2] =	sbarrier.arrive $0xFFFF  }
0xa5: {  	p0 =	sne.s32 s0, $0x0;
	s0 =	rddreg [dreg:$0x3]  }
0xa6: {  	s0 =	sadd.s32 @!p0 $0x100000, s0  }
0xa7: {  	[sflag:s0] =	ssyncadd.tile.s32 @!p0 $0x1;
	_ =	shalt  }
.Lfunc_end2:
_tile_overlayer_lowered:
.L_overlay_start_2:
0xa8: {  	(tag) =	ssettag $0x2  }
0xa9: {  	s0 =	rddreg [dreg:$0x0];
	s2 =	stileid.u32  }
0xaa: {  	s1 =	rddreg [dreg:$0x1];
	p0 =	sne.s32 s2, $0x0  }
0xab: {  	s3 =	rddreg [dreg:$0x2];
	[bflag:$0x3] =	sbarrier.arrive $0xFFFF;
	s2 =	simm.s32 @!p0 $0x1C08  }
0xac: {  	[timem:s3], [sflag:s2] =	dma.local @!p0 [hbm:s0], s1  }
0xad: {  	s0 =	simm.s32 @!p0 $0x8  }
0xae: {  	_ =	swait.ge @!p0 [sflag:s0], s1  }
0xaf: {  	s1 =	ssub.s32 @!p0 $0x0, s1;
	[sflag:s0] =	ssyncset.done @!p0 $0x0  }
0xb0: {  	[sflag:s0] =	ssyncadd.s32 @!p0 s1  }
0xb1: {  	[bflag:$0x3] =	sbarrier.arrive $0xFFFF  }
0xb2: {  	_ =	shalt  }

// kernel: kernel.14.cloned.1.call-start
scs
__scs_entry_jumppad:
0x0: {  	(pc) =	sbr.rel $0x88, $3  }
0x1: {  	(tag) =	ssettag $0x0;
	lr =	simm.s32 $0x1  }
0x2: {  	[smem:$0x3F99] =	sst lr;
	_ =	strace $0xD0000000  }
0x3: {  	_ = 	snop  }
0x4: {  	_ = 	snop  }
0x5: {  	_ = 	snop  }
0x6: {  	_ = 	snop  }
0x7: {  	_ = 	snop  }
__scs_overlays_trampoline_lowered:
0x8: {  	[smem:$0x3FA8] =	sst s0  }
0x9: {  	[smem:$0x3FA9] =	sst s1  }
0xa: {  	[smem:$0x3FAA] =	sst s2  }
0xb: {  	[smem:$0x3FAB] =	sst s3  }
0xc: {  	[smem:$0x3FAC] =	sst s4  }
0xd: {  	[smem:$0x3FAD] =	sst s5  }
0xe: {  	[smem:$0x3FAE] =	sst s6  }
0xf: {  	[smem:$0x3FAF] =	sst s7  }
0x10: {  	[smem:$0x3FB0] =	sst s8  }
0x11: {  	[smem:$0x3FB1] =	sst s9;
	s0 =	simm.s32 @!p0 $0x0  }
0x12: {  	s1 =	sld [smem:$0x3F97];
	s0 =	simm.s32 @p0 $0x1  }
0x13: {  	[smem:$0x3FB2] =	sst s0;
	s0 =	simm.s32 @!p1 $0x0  }
0x14: {  	s2 =	sld [smem:$0x3F96];
	s0 =	simm.s32 @p1 $0x1  }
0x15: {  	[smem:$0x3FB3] =	sst s0;
	s0 =	simm.s32 @!p2 $0x0  }
0x16: {  	s3 =	sld [smem:$0x3FDB];
	s0 =	simm.s32 @p2 $0x1  }
0x17: {  	s4 =	simm.s32 $0x1BF5;
	[smem:$0x3FB5] =	sst s0  }
0x18: {  	s0 =	sld [smem:$0x3F98];
	_ =	swait.ge [sflag:s4], $0x0  }
0x19: {  	s7 =	sld [smem:$0x3F99]  }
0x1a: {  	s8 =	sadd.s32 $0xFFFFE003, lr  }
0x1b: {  	s9 =	sadd.s32 $0xFFFFFEF7, lr;
	s5 =	simm.s32 $0xFFFFFFFF;
	p2 =	slt.u32 s8, $0xFFFFF086  }
0x1c: {  	p1 =	slt.u32 s9, $0xF7A;
	s5 =	simm.s32 @!p2 $0x0  }
0x1d: {  	s5 =	simm.s32 @p1 $0x1;
	p0 =	seq.s32 s7, s2  }
0x1e: {  	s7 =	smul.u32 @!p0 $0xF7A, s2;
	p2 =	seq.s32 @!p0 s5, $0x0  }
0x1f: {  	s9 =	smul.u32 $0xF7A, s1;
	s8 =	simm.s32 @!p0 $0x1BF5;
	p2 =	por !p2, p0  }
0x20: {  	[sflag:s8] =	ssyncset.s32 @!p0 $0xFFFFF086;
	s6 =	sadd.s32 @!p0 s3, s7;
	s7 =	simm.s32 @!p0 $0x108  }
0x21: {  	s3 =	sadd.s32 s3, s9;
	s6 =	sadd.s32 @!p0 $0x88, s6;
	s7 =	simm.s32 @p2 $0x1082  }
0x22: {  	[simem:s7], [sflag:s8] =	dma.local @!p0 [hbm:s6], $0xF7A  }
0x23: {  	s9 =	sor.u32 $0xD0000000, s2;
	s6 =	simm.s32 $0x108;
	_ =	swait.ge @!p0 [sflag:s8], $0x0  }
0x24: {  	s3 =	sadd.s32 $0x88, s3;
	s6 =	simm.s32 @!p1 $0x1082;
	[sflag:s4] =	ssyncset.s32 $0xFFFFF086  }
0x25: {  	[simem:s6], [sflag:s4] =	dma.local [hbm:s3], $0xF7A  }
0x26: {  	[smem:$0x3F99] =	sst s1;
	(tag) =	ssettag s2;
	_ =	strace s9  }
0x27: {  	s1 =	sld [smem:$0x3FA9]  }
0x28: {  	s2 =	sld [smem:$0x3FAA]  }
0x29: {  	s4 =	sld [smem:$0x3FAC]  }
0x2a: {  	p0 =	seq.s32 s5, $0x0;
	s5 =	sld [smem:$0x3FAD]  }
0x2b: {  	s6 =	sld [smem:$0x3FAE]  }
0x2c: {  	s7 =	sld [smem:$0x3FAF]  }
0x2d: {  	s3 =	simm.s32 $0x108;
	s8 =	sld [smem:$0x3FB0]  }
0x2e: {  	s3 =	simm.s32 @!p0 $0x1082;
	s9 =	sld [smem:$0x3FB1]  }
0x2f: {  	lr =	sadd.s32 s0, s3;
	s0 =	sld [smem:$0x3FA8]  }
0x30: {  	s3 =	sld [smem:$0x3FAB]  }
0x31: {  	[smem:$0x3FB4] =	sst s10  }
0x32: {  	s10 =	sld [smem:$0x3FB2];
	_ =	sdelay $0x3  }
0x33: {  	p0 =	seq.s32 s10, $0x1;
	s10 =	sld [smem:$0x3FB4];
	_ =	sdelay $0x3  }
0x34: {  	[smem:$0x3FB4] =	sst s10  }
0x35: {  	s10 =	sld [smem:$0x3FB3];
	_ =	sdelay $0x3  }
0x36: {  	p1 =	seq.s32 s10, $0x1;
	s10 =	sld [smem:$0x3FB4];
	_ =	sdelay $0x3  }
0x37: {  	[smem:$0x3FB4] =	sst s10  }
0x38: {  	s10 =	sld [smem:$0x3FB5]  }
0x39: {  	_ = 	snop;
	(pc) =	sbr.ind lr, $3  }
0x3a: {  	_ = 	snop  }
0x3b: {  	_ = 	snop  }
0x3c: {  	p2 =	seq.s32 s10, $0x1;
	s10 =	sld [smem:$0x3FB4]  }
0x3d: {  	_ =	shalt  }
0x3e: {  	_ =	shalt  }
0x3f: {  	_ =	shalt  }
0x40: {  	_ =	shalt  }
0x41: {  	_ =	shalt  }
0x42: {  	_ =	shalt  }
0x43: {  	_ =	shalt  }
0x44: {  	_ =	shalt  }
0x45: {  	_ =	shalt  }
0x46: {  	_ =	shalt  }
0x47: {  	_ =	shalt  }
0x48: {  	_ =	shalt  }
0x49: {  	_ =	shalt  }
0x4a: {  	_ =	shalt  }
0x4b: {  	_ =	shalt  }
0x4c: {  	_ =	shalt  }
0x4d: {  	_ =	shalt  }
0x4e: {  	_ =	shalt  }
0x4f: {  	_ =	shalt  }
0x50: {  	_ =	shalt  }
0x51: {  	_ =	shalt  }
0x52: {  	_ =	shalt  }
0x53: {  	_ =	shalt  }
0x54: {  	_ =	shalt  }
0x55: {  	_ =	shalt  }
0x56: {  	_ =	shalt  }
0x57: {  	_ =	shalt  }
0x58: {  	_ =	shalt  }
0x59: {  	_ =	shalt  }
0x5a: {  	_ =	shalt  }
0x5b: {  	_ =	shalt  }
0x5c: {  	_ =	shalt  }
0x5d: {  	_ =	shalt  }
0x5e: {  	_ =	shalt  }
0x5f: {  	_ =	shalt  }
0x60: {  	_ =	shalt  }
0x61: {  	_ =	shalt  }
0x62: {  	_ =	shalt  }
0x63: {  	_ =	shalt  }
0x64: {  	_ =	shalt  }
0x65: {  	_ =	shalt  }
0x66: {  	_ =	shalt  }
0x67: {  	_ =	shalt  }
0x68: {  	_ =	shalt  }
0x69: {  	_ =	shalt  }
0x6a: {  	_ =	shalt  }
0x6b: {  	_ =	shalt  }
0x6c: {  	_ =	shalt  }
0x6d: {  	_ =	shalt  }
0x6e: {  	_ =	shalt  }
0x6f: {  	_ =	shalt  }
0x70: {  	_ =	shalt  }
0x71: {  	_ =	shalt  }
0x72: {  	_ =	shalt  }
0x73: {  	_ =	shalt  }
0x74: {  	_ =	shalt  }
0x75: {  	_ =	shalt  }
0x76: {  	_ =	shalt  }
0x77: {  	_ =	shalt  }
0x78: {  	_ =	shalt  }
0x79: {  	_ =	shalt  }
0x7a: {  	_ =	shalt  }
0x7b: {  	_ =	shalt  }
0x7c: {  	_ =	shalt  }
0x7d: {  	_ =	shalt  }
0x7e: {  	_ =	shalt  }
0x7f: {  	_ =	shalt  }
0x80: {  	_ =	shalt  }
0x81: {  	_ =	shalt  }
0x82: {  	_ =	shalt  }
0x83: {  	_ =	shalt  }
0x84: {  	_ =	shalt  }
0x85: {  	_ =	shalt  }
0x86: {  	_ =	shalt  }
0x87: {  	_ =	shalt  }
.Lfunc_end0:
.L_simem_size_0:
called_computation.2_lowered:
.L_overlay_start_0:
0x88: {  	s2 =	sld [smem:$0x3FD9]  }
0x89: {  	s3 =	sld [smem:$0x3FFE];
	_ =	sdelay $0x1  }
0x8a: {  	s1 =	srdreg.scid  }
0x8b: {  	s0 =	sand.u32 $0x1, s1  }
0x8c: {  	s17 =	sshll.u32 s0, $0xA;
	s2 =	sadd.s32 s3, s2  }
0x8d: {  	s2 =	sadd.s32 s2, s17  }
0x8e: {  	[smem:$0x3FC0] =	sst s2  }
0x8f: {  	_ = 	snop  }
0x90: {  	s2 =	sld [smem:$0x3FD0];
	(tm) =	ssettm $0x1  }
0x91: {  	s18 =	sld [smem:$0x3FFB];
	_ =	sdelay $0x3  }
0x92: {  	_ =	strace s18  }
0x93: {  	s3 =	sld [smem:$0x3FFC];
	_ =	sdelay $0x3  }
0x94: {  	_ =	strace s3  }
0x95: {  	s3 =	sld [smem:$0x3FFD];
	_ =	sdelay $0x3  }
0x96: {  	_ =	strace s3  }
0x97: {  	_ =	strace $0x8FFFFFFF  }
0x98: {  	s19 =	sld [smem:$0x3FDB];
	_ =	sdelay $0x1  }
0x99: {  	s4 =	simm.s32 $_scs_section_size  }
0x9a: {  	s5 =	simm.s32 $_size__tile_overlayer_lowered;
	s6 =	simm.s32 $_tile_overlayer_lowered  }
0x9b: {  	s22 =	simm.s32 $0x1BFF;
	s21 =	sshll.u32 s6, $0x1;
	s3 =	sadd.s32 s4, s19  }
0x9c: {  	s7 =	simm.s32 $0x0;
	s20 =	sshll.u32 s5, $0x1;
	s5 =	sadd.s32 s21, s3  }
0x9d: {  	[timem:s7], [sflag:s22] =	dma.local [hbm:s5], s20  }
0x9e: {  	_ =	swait.ge [sflag:s22], s20  }
0x9f: {  	s4 =	ssub.s32 $0x0, s20;
	[sflag:s22] =	ssyncset.done $0x0  }
0xa0: {  	[sflag:s22] =	ssyncadd.s32 s4;
	_ =	sdelay $0x1  }
0xa1: {  	s23 =	simm.s32 $0x1B8B  }
0xa2: {  	_ =	swait.ge [sflag:s23], $0x1  }
0xa3: {  	[sflag:s23] =	ssyncset.done $0x0  }
0xa4: {  	s25 =	simm.s32 $0x1B8E;
	s24 =	sld [smem:$0x3FFE];
	[sflag:s23] =	ssyncadd.s32 $0xFFFFFFFF  }
0xa5: {  	s26 =	simm.s32 $execute0_lowered;
	[smem:$0x3FD2] =	sst s25  }
0xa6: {  	s5 =	sshll.u32 s26, $0x1;
	_ =	strace $0x8000004C;
	[dreg:$0x1] =	wrdreg $0xFFFFFFFF  }
0xa7: {  	s28 =	simm.s32 $_size_execute0_lowered;
	s3 =	sadd.s32 s3, s5;
	[dreg:$0x0] =	wrdreg $0x0  }
0xa8: {  	s5 =	sshll.u32 s28, $0x1;
	[dreg:$0x2] =	wrdreg s3  }
0xa9: {  	[dreg:$0x3] =	wrdreg s5  }
0xaa: {  	[dreg:$0x4] =	wrdreg $0xC0  }
0xab: {  	_ =	task [dreg:s7], $0x5FFFF  }
0xac: {  	[dreg:$0x1] =	wrdreg $0xFFFFFFFF  }
0xad: {  	[dreg:$0x0] =	wrdreg $0x60  }
0xae: {  	[dreg:$0x2] =	wrdreg s24  }
0xaf: {  	[dreg:$0x3] =	wrdreg s2  }
0xb0: {  	[dreg:$0x4] =	wrdreg $0xA9000  }
0xb1: {  	[dreg:$0x5] =	wrdreg $0x9  }
0xb2: {  	_ =	task.clear_ibuf [dreg:s7], $0x6FFFF;
	_ =	strace $0x9000004C  }
0xb3: {  	s29 =	simm.s32 $0x9;
	_ =	strace $0x8000004E  }
0xb4: {  	_ =	swait.ge [sflag:s29], $0x1  }
0xb5: {  	[sflag:s29] =	ssyncadd.s32 $0xFFFFFFFF  }
0xb6: {  	_ =	strace $0x9000004E  }
0xb7: {  	_ =	sfence  }
0xb8: {  	s30 =	sld [smem:$0x0];
	_ =	sdelay $0x2  }
0xb9: {  	s31 =	sshll.u32 s1, $0xD;
	s1 =	sshrl.u32 s1, $0x2  }
0xba: {  	s3 =	sand.u32 $0x4000, s31;
	s1 =	sadd.s32 s1, s30  }
0xbb: {  	s0 =	sor.u32 s3, s0;
	s1 =	sshll.u32 s1, $0x11  }
0xbc: {  	s0 =	sor.u32 s1, s0  }
0xbd: {  	s0 =	sadd.s32 $0x8F2B, s0  }
0xbe: {  	[sflag:s0] =	ssyncadd.remote.s32 $0x1  }
0xbf: {  	_ =	sfence.sel $0xFFFF  }
0xc0: {  	[dreg:$0x0] =	wrdreg $0xFFFFFFFF;
	(pc) =	sbr.abs _section_cstart, $3  }
0xc1: {  	[dreg:$0x1] =	wrdreg $0xFFFFFFFF  }
0xc2: {  	_ =	task.clear_ibuf [dreg:s7], $0x2FFFF;
	_ =	strace $0x9FFFFFFF  }
0xc3: {  	(tm) =	ssettm $0x7FFFFFFF  }
tec
execute0_lowered:
.L_overlay_start_1:
0x0: {  	(tag) =	ssettag $0x1  }
0x1: {  	s5 =	rddreg [dreg:$0x0]  }
0x2: {  	s6 =	rddreg [dreg:$0x1]  }
0x3: {  	s1 =	rddreg [dreg:$0x2];
	s2 =	srdreg.scid  }
0x4: {  	s3 =	simm.s32 $0x0;
	s0 =	stileid.u32;
	s16 =	simm.s32 $0x8  }
0x5: {  	s17 =	simm.s32 $0x1;
	s18 =	simm.s32 $0x2800;
	s19 =	simm.s32 $0x2880  }
0x6: {  	s20 =	simm.s32 $0x6900;
	s21 =	simm.s32 $0x4;
	s22 =	simm.s32 $0x80  }
0x7: {  	s23 =	simm.s32 $0x5;
	s28 =	simm.s32 $0x7;
	s9 =	smul.u32 $0x14000, s0  }
0x8: {  	s29 =	simm.s32 $0x0;
	s7 =	sand.u32 $0x1, s2;
	s25 =	smul.u32 $0x50000, s0  }
0x9: {  	[smem:$0x7FF] =	sst s3;
	s4 =	sshll.u32 s0, $0x1;
	s30 =	smul.u32 $0x5000, s0  }
0xa: {  	s14 =	sadd.s32 $0x2800, s5;
	s8 =	smul.u32 $0x140000, s7;
	_ =	strace $0x8000004D  }
0xb: {  	s10 =	sor.u32 s7, s4;
	s26 =	ssub.s32 $0x2, s7;
	s13 =	smul.u32 $0x2800, s7  }
0xc: {  	s4 =	sadd.s32 $0xC800, s5;
	s24 =	smul.u32 $0x2800, s10;
	s12 =	sshrl.u32 s26, $0x1  }
0xd: {  	s10 =	sshrl.u32 s25, $0x2;
	s25 =	simm.s32 $0x6;
	s8 =	sadd.s32 s9, s8  }
0xe: {  	s12 =	ssub.s32 s26, s12;
	s15 =	sadd.s32 s13, s30;
	s26 =	simm.s32 $0x3  }
0xf: {  	s8 =	sshrl.u32 s8, $0x3;
	s31 =	sshrl.u32 s24, $0x3;
	s13 =	sor.u32 $0x80, s15  }
0x10: {  	s12 =	smax.u32 s12, $0x1;
	s15 =	sshrl.u32 s15, $0x3;
	s24 =	simm.s32 $0x2  }
0x11: {  	s11 =	sadd.s32 s8, s5;
	s5 =	sadd.s32 s10, s1;
	s6 =	sadd.s32 s6, s31  }
0x12: {  	s13 =	sshrl.u32 s13, $0x3;
	s7 =	sadd.s32 $0x4000, s5;
	s8 =	sadd.s32 $0x8000, s5  }
0x13: {  	s9 =	sadd.s32 $0xC000, s5;
	s10 =	sadd.s32 $0x10000, s5;
	s11 =	sadd.s32 $0x34800, s11  }
0x14: {  	v0 =	vimm.s32 $0x0;
	v1 =	vimm.f32 $0.0e+00;
	s13 =	sadd.s32 s13, s14;
	s14 =	sadd.s32 s15, s14;
	s15 =	simm.s32 $0x2900  }
.LBB2_1:
0x15: {  	[tilespmem:s3], [sflag:$0x1] =	stream.linear.gather [hbm4b:s6+s3], $0x2800, $0x38;
	[tilespmem:$0x1E900] =	vst v63  }
0x16: {  	[tilespmem:$0x2800] =	vst v0  }
0x17: {  	[tilespmem:$0x2880] =	vst v0  }
0x18: {  	[tilespmem:$0x2810] =	vst v0  }
0x19: {  	[tilespmem:$0x2890] =	vst v0  }
0x1a: {  	[tilespmem:$0x2820] =	vst v0  }
0x1b: {  	[tilespmem:$0x28A0] =	vst v0  }
0x1c: {  	[tilespmem:$0x2830] =	vst v0  }
0x1d: {  	[tilespmem:$0x28B0] =	vst v0  }
0x1e: {  	[tilespmem:$0x2840] =	vst v0  }
0x1f: {  	[tilespmem:$0x28C0] =	vst v0  }
0x20: {  	[tilespmem:$0x2850] =	vst v0  }
0x21: {  	[tilespmem:$0x28D0] =	vst v0  }
0x22: {  	[tilespmem:$0x2860] =	vst v0  }
0x23: {  	[tilespmem:$0x28E0] =	vst v0  }
0x24: {  	[tilespmem:$0x2870] =	vst v0  }
0x25: {  	s30 =	simm.s32 $0x0;
	s31 =	simm.s32 $0x200;
	[tilespmem:$0x28F0] =	vst v0  }
.LBB2_2:
0x26: {  	p0 =	sne.s32 s31, $0xFE00;
	[tilespmem:s30+$0x6970] =	vst v1  }
0x27: {  	[tilespmem:s30+$0x2900] =	vst v1  }
0x28: {  	[tilespmem:s30+$0x6900] =	vst v1  }
0x29: {  	[tilespmem:s30+$0x2910] =	vst v1  }
0x2a: {  	[tilespmem:s30+$0x6910] =	vst v1  }
0x2b: {  	[tilespmem:s30+$0x2920] =	vst v1  }
0x2c: {  	[tilespmem:s30+$0x6920] =	vst v1  }
0x2d: {  	[tilespmem:s30+$0x2930] =	vst v1  }
0x2e: {  	[tilespmem:s30+$0x6930] =	vst v1  }
0x2f: {  	[tilespmem:s30+$0x2940] =	vst v1  }
0x30: {  	[tilespmem:s30+$0x6940] =	vst v1  }
.Ltmp0:
0x31: {  	[tilespmem:s30+$0x2950] =	vst v1;
	(pc) =	sbr.rel @p0 .LBB2_2-.Ltmp0, $4  }
0x32: {  	[tilespmem:s30+$0x6950] =	vst v1  }
0x33: {  	[tilespmem:s30+$0x2960] =	vst v1  }
0x34: {  	[tilespmem:s30+$0x6960] =	vst v1  }
0x35: {  	[tilespmem:s30+$0x2970] =	vst v1;
	s30 =	sshra.s32 s31, $0x2;
	s31 =	sadd.s32 $0x200, s31  }
0x36: {  	[tilespmem:s30+$0x6970] =	vst v1  }
0x37: {  	[tilespmem:s30+$0x2900] =	vst v1  }
0x38: {  	[tilespmem:s30+$0x6900] =	vst v1  }
0x39: {  	[tilespmem:s30+$0x2910] =	vst v1  }
0x3a: {  	[tilespmem:s30+$0x6910] =	vst v1  }
0x3b: {  	[tilespmem:s30+$0x2920] =	vst v1  }
0x3c: {  	[tilespmem:s30+$0x6920] =	vst v1  }
0x3d: {  	[tilespmem:s30+$0x2930] =	vst v1  }
0x3e: {  	[tilespmem:s30+$0x6930] =	vst v1  }
0x3f: {  	[tilespmem:s30+$0x2940] =	vst v1  }
0x40: {  	[tilespmem:s30+$0x6940] =	vst v1  }
0x41: {  	[tilespmem:s30+$0x2950] =	vst v1  }
0x42: {  	[tilespmem:s30+$0x6950] =	vst v1  }
0x43: {  	[tilespmem:s30+$0x2960] =	vst v1  }
0x44: {  	[tilespmem:s30+$0x6960] =	vst v1  }
0x45: {  	[tilespmem:s30+$0x2970] =	vst v1  }
0x46: {  	[spmem:s5] =	stream.linear.scatter [tilespmem:s15], [sflag:$0x8], $0x4000, $0x38;
	[tilespmem:$0x1E900] =	vst v63  }
0x47: {  	_ =	swait.ge [sflag:s16], $0x4000  }
0x48: {  	[sflag:s16] =	ssyncset.done $0x0  }
0x49: {  	[sflag:s16] =	ssyncadd.s32 $0xFFFFC000  }
0x4a: {  	[spmem:s7] =	stream.linear.scatter [tilespmem:s15], [sflag:$0x8], $0x4000, $0x38;
	[tilespmem:$0x1E900] =	vst v63  }
0x4b: {  	_ =	swait.ge [sflag:s16], $0x4000  }
0x4c: {  	[sflag:s16] =	ssyncset.done $0x0  }
0x4d: {  	[sflag:s16] =	ssyncadd.s32 $0xFFFFC000  }
0x4e: {  	[spmem:s8] =	stream.linear.scatter [tilespmem:s15], [sflag:$0x8], $0x4000, $0x38;
	[tilespmem:$0x1E900] =	vst v63  }
0x4f: {  	_ =	swait.ge [sflag:s16], $0x4000  }
0x50: {  	[sflag:s16] =	ssyncset.done $0x0  }
0x51: {  	[sflag:s16] =	ssyncadd.s32 $0xFFFFC000  }
0x52: {  	[spmem:s9] =	stream.linear.scatter [tilespmem:s15], [sflag:$0x8], $0x4000, $0x38;
	[tilespmem:$0x1E900] =	vst v63  }
0x53: {  	_ =	swait.ge [sflag:s16], $0x4000  }
0x54: {  	[sflag:s16] =	ssyncset.done $0x0  }
0x55: {  	[sflag:s16] =	ssyncadd.s32 $0xFFFFC000  }
0x56: {  	[spmem:s10] =	stream.linear.scatter [tilespmem:s15], [sflag:$0x8], $0x4000, $0x38;
	[tilespmem:$0x1E900] =	vst v63  }
0x57: {  	_ =	swait.ge [sflag:s16], $0x4000  }
0x58: {  	[sflag:s16] =	ssyncset.done $0x0  }
0x59: {  	[sflag:s16] =	ssyncadd.s32 $0xFFFFC000  }
0x5a: {  	_ =	swait.ge [sflag:s17], $0x2800  }
0x5b: {  	[sflag:s17] =	ssyncset.done $0x0  }
0x5c: {  	[sflag:s17] =	ssyncadd.s32 $0xFFFFD800  }
0x5d: {  	s30 =	simm.s32 $0x80;
	[bflag:$0x0] =	sbarrier.arrive $0xFFFF  }
0x5e: {  	[spmem:s1] =	stream.indirect.scatter.add.f32 [tilespmem:s15], [sflag:$0x4], $0x80, s18, s30, $0xb8;
	[tilespmem:$0x1E900] =	vst v63  }
0x5f: {  	_ = 	snop  }
0x60: {  	[spmem:s1] =	stream.indirect.scatter.add.f32 [tilespmem:s20], [sflag:$0x5], $0x80, s19, s30, $0xb8;
	[tilespmem:$0x1E900] =	vst v63  }
0x61: {  	_ =	swait.ge [sflag:s21], $0x4000  }
0x62: {  	[sflag:s21] =	ssyncset.done $0x0  }
0x63: {  	s31 =	simm.s32 $0x0;
	[sflag:s21] =	ssyncadd.s32 $0xFFFFC000  }
0x64: {  	[tilespmem:s15], [sflag:$0x2] =	stream.indirect.gather [hbm4b:s4+s22], $0x80, s31, s22, $0xb8;
	[tilespmem:$0x1E900] =	vst v63  }
0x65: {  	s31 =	sadd.s32 $0x0, s14  }
0x66: {  	[tilespmem:s18], [sflag:$0x6] =	stream.linear.gather [hbm4b:s31+s3], $0x80, $0x38;
	[tilespmem:$0x1E900] =	vst v63  }
0x67: {  	_ =	swait.ge [sflag:s23], $0x4000  }
0x68: {  	[sflag:s23] =	ssyncset.done $0x0  }
0x69: {  	[sflag:s23] =	ssyncadd.s32 $0xFFFFC000  }
0x6a: {  	[tilespmem:s20], [sflag:$0x3] =	stream.indirect.gather [hbm4b:s4+s22], $0x80, s30, s22, $0xb8;
	[tilespmem:$0x1E900] =	vst v63  }
0x6b: {  	s30 =	sadd.s32 $0x0, s13  }
0x6c: {  	[tilespmem:s19], [sflag:$0x7] =	stream.linear.gather [hbm4b:s30+s3], $0x80, $0x38;
	[tilespmem:$0x1E900] =	vst v63  }
0x6d: {  	_ =	swait.ge [sflag:s24], $0x4000  }
0x6e: {  	[sflag:s24] =	ssyncset.done $0x0  }
0x6f: {  	[sflag:s24] =	ssyncadd.s32 $0xFFFFC000  }
0x70: {  	_ =	swait.ge [sflag:s25], $0x80  }
0x71: {  	[sflag:s25] =	ssyncset.done $0x0  }
0x72: {  	[sflag:s25] =	ssyncadd.s32 $0xFFFFFF80  }
0x73: {  	[spmem:s1] =	stream.indirect.scatter.add.f32 [tilespmem:s15], [sflag:$0x4], $0x80, s18, s22, $0xb8;
	[tilespmem:$0x1E900] =	vst v63  }
0x74: {  	_ =	swait.ge [sflag:s26], $0x4000  }
0x75: {  	[sflag:s26] =	ssyncset.done $0x0  }
0x76: {  	[sflag:s26] =	ssyncadd.s32 $0xFFFFC000  }
0x77: {  	_ =	swait.ge [sflag:s28], $0x80  }
0x78: {  	[sflag:s28] =	ssyncset.done $0x0  }
0x79: {  	s31 =	simm.s32 $0x180;
	s30 =	simm.s32 $0x20;
	[sflag:s28] =	ssyncadd.s32 $0xFFFFFF80  }
.LBB2_4:
0x7a: {  	[spmem:s1] =	stream.indirect.scatter.add.f32 [tilespmem:s20], [sflag:$0x5], $0x80, s19, s22, $0xb8;
	[tilespmem:$0x1E900] =	vst v63  }
0x7b: {  	s0 =	smov.u32 s30  }
0x7c: {  	p0 =	sne.s32 s30, $0x4E0;
	s30 =	sadd.s32 $0x20, s30;
	_ =	swait.ge [sflag:s21], $0x4000  }
0x7d: {  	[sflag:s21] =	ssyncset.done $0x0  }
0x7e: {  	s2 =	sadd.s32 $0xFFFFFF80, s31;
	[sflag:s21] =	ssyncadd.s32 $0xFFFFC000  }
0x7f: {  	[tilespmem:s15], [sflag:$0x2] =	stream.indirect.gather [hbm4b:s4+s22], $0x80, s2, s22, $0xb8;
	[tilespmem:$0x1E900] =	vst v63  }
0x80: {  	s2 =	sadd.s32 s0, s14  }
0x81: {  	[tilespmem:s18], [sflag:$0x6] =	stream.linear.gather [hbm4b:s2+s3], $0x80, $0x38;
	[tilespmem:$0x1E900] =	vst v63  }
0x82: {  	_ =	swait.ge [sflag:s23], $0x4000  }
0x83: {  	[sflag:s23] =	ssyncset.done $0x0  }
0x84: {  	[sflag:s23] =	ssyncadd.s32 $0xFFFFC000  }
0x85: {  	[tilespmem:s20], [sflag:$0x3] =	stream.indirect.gather [hbm4b:s4+s22], $0x80, s31, s22, $0xb8;
	[tilespmem:$0x1E900] =	vst v63  }
0x86: {  	s0 =	sadd.s32 s0, s13  }
0x87: {  	[tilespmem:s19], [sflag:$0x7] =	stream.linear.gather [hbm4b:s0+s3], $0x80, $0x38;
	[tilespmem:$0x1E900] =	vst v63  }
0x88: {  	_ =	swait.ge [sflag:s24], $0x4000  }
0x89: {  	[sflag:s24] =	ssyncset.done $0x0  }
0x8a: {  	[sflag:s24] =	ssyncadd.s32 $0xFFFFC000  }
0x8b: {  	_ =	swait.ge [sflag:s25], $0x80  }
0x8c: {  	[sflag:s25] =	ssyncset.done $0x0  }
0x8d: {  	[sflag:s25] =	ssyncadd.s32 $0xFFFFFF80  }
0x8e: {  	[spmem:s1] =	stream.indirect.scatter.add.f32 [tilespmem:s15], [sflag:$0x4], $0x80, s18, s22, $0xb8;
	[tilespmem:$0x1E900] =	vst v63  }
0x8f: {  	_ =	swait.ge [sflag:s26], $0x4000  }
.Ltmp1:
0x90: {  	[sflag:s26] =	ssyncset.done $0x0;
	(pc) =	sbr.rel @p0 .LBB2_4-.Ltmp1, $4  }
0x91: {  	[sflag:s26] =	ssyncadd.s32 $0xFFFFC000  }
0x92: {  	_ =	swait.ge [sflag:s28], $0x80  }
0x93: {  	[sflag:s28] =	ssyncset.done $0x0  }
0x94: {  	s31 =	sadd.s32 $0x100, s31;
	[sflag:s28] =	ssyncadd.s32 $0xFFFFFF80  }
0x95: {  	[spmem:s1] =	stream.indirect.scatter.add.f32 [tilespmem:s20], [sflag:$0x5], $0x80, s19, s22, $0xb8;
	[tilespmem:$0x1E900] =	vst v63  }
0x96: {  	_ =	swait.ge [sflag:s21], $0x4000  }
0x97: {  	[sflag:s21] =	ssyncset.done $0x0  }
0x98: {  	[sflag:s21] =	ssyncadd.s32 $0xFFFFC000  }
0x99: {  	s0 =	stileid.u32;
	_ =	swait.ge [sflag:s23], $0x4000  }
0x9a: {  	s2 =	sshrl.u32 s5, $0x3;
	s29 =	sadd.s32 $0x1, s29;
	[sflag:s23] =	ssyncset.done $0x0  }
0x9b: {  	s0 =	sshll.u32 s0, $0x6;
	p0 =	sne.s32 s29, s12;
	[sflag:s23] =	ssyncadd.s32 $0xFFFFC000  }
.Ltmp2:
0x9c: {  	s0 =	sor.u32 $0x1C08, s0;
	[bflag:$0x0] =	sbarrier.arrive $0xFFFF;
	(pc) =	sbr.rel @p0 .LBB2_1-.Ltmp2, $4  }
0x9d: {  	[hbm:s11], [sflag:s0] =	dma.local [spmem:s2], $0x2800  }
0x9e: {  	_ =	swait.ge [sflag:s16], $0x2800  }
0x9f: {  	[sflag:s16] =	ssyncset.done $0x0  }
0xa0: {  	[sflag:s16] =	ssyncadd.s32 $0xFFFFD800  }
0xa1: {  	_ =	sfence.sel $0x180000  }
0xa2: {  	[bflag:$0x0] =	sbarrier.arrive $0xFFFF  }
0xa3: {  	_ =	strace $0x9000004D  }
0xa4: {  	s0 =	stileid.u32;
	[bflag:$0x2] =	sbarrier.arrive $0xFFFF  }
0xa5: {  	p0 =	sne.s32 s0, $0x0;
	s0 =	rddreg [dreg:$0x3]  }
0xa6: {  	s0 =	sadd.s32 @!p0 $0x100000, s0  }
0xa7: {  	[sflag:s0] =	ssyncadd.tile.s32 @!p0 $0x1;
	_ =	shalt  }
.Lfunc_end2:
_tile_overlayer_lowered:
.L_overlay_start_2:
0xa8: {  	(tag) =	ssettag $0x2  }
0xa9: {  	s0 =	rddreg [dreg:$0x0];
	s2 =	stileid.u32  }
0xaa: {  	s1 =	rddreg [dreg:$0x1];
	p0 =	sne.s32 s2, $0x0  }
0xab: {  	s3 =	rddreg [dreg:$0x2];
	[bflag:$0x3] =	sbarrier.arrive $0xFFFF;
	s2 =	simm.s32 @!p0 $0x1C08  }
0xac: {  	[timem:s3], [sflag:s2] =	dma.local @!p0 [hbm:s0], s1  }
0xad: {  	s0 =	simm.s32 @!p0 $0x8  }
0xae: {  	_ =	swait.ge @!p0 [sflag:s0], s1  }
0xaf: {  	s1 =	ssub.s32 @!p0 $0x0, s1;
	[sflag:s0] =	ssyncset.done @!p0 $0x0  }
0xb0: {  	[sflag:s0] =	ssyncadd.s32 @!p0 s1  }
0xb1: {  	[bflag:$0x3] =	sbarrier.arrive $0xFFFF  }
0xb2: {  	_ =	shalt  }

// kernel: kernel.8.cloned.1.call-start
scs
__scs_entry_jumppad:
0x0: {  	(pc) =	sbr.rel $0x88, $3  }
0x1: {  	(tag) =	ssettag $0x0;
	lr =	simm.s32 $0x1  }
0x2: {  	[smem:$0x3F99] =	sst lr;
	_ =	strace $0xD0000000  }
0x3: {  	_ = 	snop  }
0x4: {  	_ = 	snop  }
0x5: {  	_ = 	snop  }
0x6: {  	_ = 	snop  }
0x7: {  	_ = 	snop  }
__scs_overlays_trampoline_lowered:
0x8: {  	[smem:$0x3FA8] =	sst s0  }
0x9: {  	[smem:$0x3FA9] =	sst s1  }
0xa: {  	[smem:$0x3FAA] =	sst s2  }
0xb: {  	[smem:$0x3FAB] =	sst s3  }
0xc: {  	[smem:$0x3FAC] =	sst s4  }
0xd: {  	[smem:$0x3FAD] =	sst s5  }
0xe: {  	[smem:$0x3FAE] =	sst s6  }
0xf: {  	[smem:$0x3FAF] =	sst s7  }
0x10: {  	[smem:$0x3FB0] =	sst s8  }
0x11: {  	[smem:$0x3FB1] =	sst s9;
	s0 =	simm.s32 @!p0 $0x0  }
0x12: {  	s1 =	sld [smem:$0x3F97];
	s0 =	simm.s32 @p0 $0x1  }
0x13: {  	[smem:$0x3FB2] =	sst s0;
	s0 =	simm.s32 @!p1 $0x0  }
0x14: {  	s2 =	sld [smem:$0x3F96];
	s0 =	simm.s32 @p1 $0x1  }
0x15: {  	[smem:$0x3FB3] =	sst s0;
	s0 =	simm.s32 @!p2 $0x0  }
0x16: {  	s3 =	sld [smem:$0x3FDB];
	s0 =	simm.s32 @p2 $0x1  }
0x17: {  	s4 =	simm.s32 $0x1BF5;
	[smem:$0x3FB5] =	sst s0  }
0x18: {  	s0 =	sld [smem:$0x3F98];
	_ =	swait.ge [sflag:s4], $0x0  }
0x19: {  	s7 =	sld [smem:$0x3F99]  }
0x1a: {  	s8 =	sadd.s32 $0xFFFFE003, lr  }
0x1b: {  	s9 =	sadd.s32 $0xFFFFFEF7, lr;
	s5 =	simm.s32 $0xFFFFFFFF;
	p2 =	slt.u32 s8, $0xFFFFF086  }
0x1c: {  	p1 =	slt.u32 s9, $0xF7A;
	s5 =	simm.s32 @!p2 $0x0  }
0x1d: {  	s5 =	simm.s32 @p1 $0x1;
	p0 =	seq.s32 s7, s2  }
0x1e: {  	s7 =	smul.u32 @!p0 $0xF7A, s2;
	p2 =	seq.s32 @!p0 s5, $0x0  }
0x1f: {  	s9 =	smul.u32 $0xF7A, s1;
	s8 =	simm.s32 @!p0 $0x1BF5;
	p2 =	por !p2, p0  }
0x20: {  	[sflag:s8] =	ssyncset.s32 @!p0 $0xFFFFF086;
	s6 =	sadd.s32 @!p0 s3, s7;
	s7 =	simm.s32 @!p0 $0x108  }
0x21: {  	s3 =	sadd.s32 s3, s9;
	s6 =	sadd.s32 @!p0 $0x88, s6;
	s7 =	simm.s32 @p2 $0x1082  }
0x22: {  	[simem:s7], [sflag:s8] =	dma.local @!p0 [hbm:s6], $0xF7A  }
0x23: {  	s9 =	sor.u32 $0xD0000000, s2;
	s6 =	simm.s32 $0x108;
	_ =	swait.ge @!p0 [sflag:s8], $0x0  }
0x24: {  	s3 =	sadd.s32 $0x88, s3;
	s6 =	simm.s32 @!p1 $0x1082;
	[sflag:s4] =	ssyncset.s32 $0xFFFFF086  }
0x25: {  	[simem:s6], [sflag:s4] =	dma.local [hbm:s3], $0xF7A  }
0x26: {  	[smem:$0x3F99] =	sst s1;
	(tag) =	ssettag s2;
	_ =	strace s9  }
0x27: {  	s1 =	sld [smem:$0x3FA9]  }
0x28: {  	s2 =	sld [smem:$0x3FAA]  }
0x29: {  	s4 =	sld [smem:$0x3FAC]  }
0x2a: {  	p0 =	seq.s32 s5, $0x0;
	s5 =	sld [smem:$0x3FAD]  }
0x2b: {  	s6 =	sld [smem:$0x3FAE]  }
0x2c: {  	s7 =	sld [smem:$0x3FAF]  }
0x2d: {  	s3 =	simm.s32 $0x108;
	s8 =	sld [smem:$0x3FB0]  }
0x2e: {  	s3 =	simm.s32 @!p0 $0x1082;
	s9 =	sld [smem:$0x3FB1]  }
0x2f: {  	lr =	sadd.s32 s0, s3;
	s0 =	sld [smem:$0x3FA8]  }
0x30: {  	s3 =	sld [smem:$0x3FAB]  }
0x31: {  	[smem:$0x3FB4] =	sst s10  }
0x32: {  	s10 =	sld [smem:$0x3FB2];
	_ =	sdelay $0x3  }
0x33: {  	p0 =	seq.s32 s10, $0x1;
	s10 =	sld [smem:$0x3FB4];
	_ =	sdelay $0x3  }
0x34: {  	[smem:$0x3FB4] =	sst s10  }
0x35: {  	s10 =	sld [smem:$0x3FB3];
	_ =	sdelay $0x3  }
0x36: {  	p1 =	seq.s32 s10, $0x1;
	s10 =	sld [smem:$0x3FB4];
	_ =	sdelay $0x3  }
0x37: {  	[smem:$0x3FB4] =	sst s10  }
0x38: {  	s10 =	sld [smem:$0x3FB5]  }
0x39: {  	_ = 	snop;
	(pc) =	sbr.ind lr, $3  }
0x3a: {  	_ = 	snop  }
0x3b: {  	_ = 	snop  }
0x3c: {  	p2 =	seq.s32 s10, $0x1;
	s10 =	sld [smem:$0x3FB4]  }
0x3d: {  	_ =	shalt  }
0x3e: {  	_ =	shalt  }
0x3f: {  	_ =	shalt  }
0x40: {  	_ =	shalt  }
0x41: {  	_ =	shalt  }
0x42: {  	_ =	shalt  }
0x43: {  	_ =	shalt  }
0x44: {  	_ =	shalt  }
0x45: {  	_ =	shalt  }
0x46: {  	_ =	shalt  }
0x47: {  	_ =	shalt  }
0x48: {  	_ =	shalt  }
0x49: {  	_ =	shalt  }
0x4a: {  	_ =	shalt  }
0x4b: {  	_ =	shalt  }
0x4c: {  	_ =	shalt  }
0x4d: {  	_ =	shalt  }
0x4e: {  	_ =	shalt  }
0x4f: {  	_ =	shalt  }
0x50: {  	_ =	shalt  }
0x51: {  	_ =	shalt  }
0x52: {  	_ =	shalt  }
0x53: {  	_ =	shalt  }
0x54: {  	_ =	shalt  }
0x55: {  	_ =	shalt  }
0x56: {  	_ =	shalt  }
0x57: {  	_ =	shalt  }
0x58: {  	_ =	shalt  }
0x59: {  	_ =	shalt  }
0x5a: {  	_ =	shalt  }
0x5b: {  	_ =	shalt  }
0x5c: {  	_ =	shalt  }
0x5d: {  	_ =	shalt  }
0x5e: {  	_ =	shalt  }
0x5f: {  	_ =	shalt  }
0x60: {  	_ =	shalt  }
0x61: {  	_ =	shalt  }
0x62: {  	_ =	shalt  }
0x63: {  	_ =	shalt  }
0x64: {  	_ =	shalt  }
0x65: {  	_ =	shalt  }
0x66: {  	_ =	shalt  }
0x67: {  	_ =	shalt  }
0x68: {  	_ =	shalt  }
0x69: {  	_ =	shalt  }
0x6a: {  	_ =	shalt  }
0x6b: {  	_ =	shalt  }
0x6c: {  	_ =	shalt  }
0x6d: {  	_ =	shalt  }
0x6e: {  	_ =	shalt  }
0x6f: {  	_ =	shalt  }
0x70: {  	_ =	shalt  }
0x71: {  	_ =	shalt  }
0x72: {  	_ =	shalt  }
0x73: {  	_ =	shalt  }
0x74: {  	_ =	shalt  }
0x75: {  	_ =	shalt  }
0x76: {  	_ =	shalt  }
0x77: {  	_ =	shalt  }
0x78: {  	_ =	shalt  }
0x79: {  	_ =	shalt  }
0x7a: {  	_ =	shalt  }
0x7b: {  	_ =	shalt  }
0x7c: {  	_ =	shalt  }
0x7d: {  	_ =	shalt  }
0x7e: {  	_ =	shalt  }
0x7f: {  	_ =	shalt  }
0x80: {  	_ =	shalt  }
0x81: {  	_ =	shalt  }
0x82: {  	_ =	shalt  }
0x83: {  	_ =	shalt  }
0x84: {  	_ =	shalt  }
0x85: {  	_ =	shalt  }
0x86: {  	_ =	shalt  }
0x87: {  	_ =	shalt  }
.Lfunc_end0:
.L_simem_size_0:
called_computation_lowered:
.L_overlay_start_0:
0x88: {  	s2 =	sld [smem:$0x3FD9]  }
0x89: {  	s3 =	sld [smem:$0x3FFE];
	_ =	sdelay $0x1  }
0x8a: {  	s1 =	srdreg.scid  }
0x8b: {  	s0 =	sand.u32 $0x1, s1  }
0x8c: {  	s17 =	sshll.u32 s0, $0xA;
	s2 =	sadd.s32 s3, s2  }
0x8d: {  	s2 =	sadd.s32 s2, s17  }
0x8e: {  	[smem:$0x3FC0] =	sst s2  }
0x8f: {  	_ = 	snop  }
0x90: {  	s2 =	sld [smem:$0x3FD0];
	(tm) =	ssettm $0x1  }
0x91: {  	s18 =	sld [smem:$0x3FFB];
	_ =	sdelay $0x3  }
0x92: {  	_ =	strace s18  }
0x93: {  	s3 =	sld [smem:$0x3FFC];
	_ =	sdelay $0x3  }
0x94: {  	_ =	strace s3  }
0x95: {  	s3 =	sld [smem:$0x3FFD];
	_ =	sdelay $0x3  }
0x96: {  	_ =	strace s3  }
0x97: {  	_ =	strace $0x8FFFFFFF  }
0x98: {  	s19 =	sld [smem:$0x3FDB];
	_ =	sdelay $0x1  }
0x99: {  	s4 =	simm.s32 $_scs_section_size  }
0x9a: {  	s5 =	simm.s32 $_size__tile_overlayer_lowered;
	s6 =	simm.s32 $_tile_overlayer_lowered  }
0x9b: {  	s22 =	simm.s32 $0x1BFF;
	s21 =	sshll.u32 s6, $0x1;
	s3 =	sadd.s32 s4, s19  }
0x9c: {  	s7 =	simm.s32 $0x0;
	s20 =	sshll.u32 s5, $0x1;
	s5 =	sadd.s32 s21, s3  }
0x9d: {  	[timem:s7], [sflag:s22] =	dma.local [hbm:s5], s20  }
0x9e: {  	_ =	swait.ge [sflag:s22], s20  }
0x9f: {  	s4 =	ssub.s32 $0x0, s20;
	[sflag:s22] =	ssyncset.done $0x0  }
0xa0: {  	[sflag:s22] =	ssyncadd.s32 s4;
	_ =	sdelay $0x1  }
0xa1: {  	s23 =	simm.s32 $0x1B8B  }
0xa2: {  	_ =	swait.ge [sflag:s23], $0x1  }
0xa3: {  	[sflag:s23] =	ssyncset.done $0x0  }
0xa4: {  	s25 =	simm.s32 $0x1B8E;
	s24 =	sld [smem:$0x3FFE];
	[sflag:s23] =	ssyncadd.s32 $0xFFFFFFFF  }
0xa5: {  	s26 =	simm.s32 $execute0_lowered;
	[smem:$0x3FD2] =	sst s25  }
0xa6: {  	s5 =	sshll.u32 s26, $0x1;
	_ =	strace $0x80000046;
	[dreg:$0x1] =	wrdreg $0xFFFFFFFF  }
0xa7: {  	s28 =	simm.s32 $_size_execute0_lowered;
	s3 =	sadd.s32 s3, s5;
	[dreg:$0x0] =	wrdreg $0x0  }
0xa8: {  	s5 =	sshll.u32 s28, $0x1;
	[dreg:$0x2] =	wrdreg s3  }
0xa9: {  	[dreg:$0x3] =	wrdreg s5  }
0xaa: {  	[dreg:$0x4] =	wrdreg $0xC0  }
0xab: {  	_ =	task [dreg:s7], $0x5FFFF  }
0xac: {  	[dreg:$0x1] =	wrdreg $0xFFFFFFFF  }
0xad: {  	[dreg:$0x0] =	wrdreg $0x60  }
0xae: {  	[dreg:$0x2] =	wrdreg s2  }
0xaf: {  	[dreg:$0x3] =	wrdreg s24  }
0xb0: {  	[dreg:$0x4] =	wrdreg $0x5800  }
0xb1: {  	[dreg:$0x5] =	wrdreg $0x8000  }
0xb2: {  	[dreg:$0x6] =	wrdreg $0x9  }
0xb3: {  	_ =	task.clear_ibuf [dreg:s7], $0x7FFFF;
	_ =	strace $0x90000046  }
0xb4: {  	s29 =	simm.s32 $0x9;
	_ =	strace $0x80000048  }
0xb5: {  	_ =	swait.ge [sflag:s29], $0x1  }
0xb6: {  	[sflag:s29] =	ssyncadd.s32 $0xFFFFFFFF  }
0xb7: {  	_ =	strace $0x90000048  }
0xb8: {  	_ =	sfence  }
0xb9: {  	s30 =	sld [smem:$0x0];
	_ =	sdelay $0x2  }
0xba: {  	s31 =	sshll.u32 s1, $0xD;
	s1 =	sshrl.u32 s1, $0x2  }
0xbb: {  	s3 =	sand.u32 $0x4000, s31;
	s1 =	sadd.s32 s1, s30  }
0xbc: {  	s0 =	sor.u32 s3, s0;
	s1 =	sshll.u32 s1, $0x11  }
0xbd: {  	s0 =	sor.u32 s1, s0  }
0xbe: {  	s0 =	sadd.s32 $0x8F2B, s0  }
0xbf: {  	[sflag:s0] =	ssyncadd.remote.s32 $0x1  }
0xc0: {  	_ =	sfence.sel $0xFFFF  }
0xc1: {  	[dreg:$0x0] =	wrdreg $0xFFFFFFFF;
	(pc) =	sbr.abs _section_cstart, $3  }
0xc2: {  	[dreg:$0x1] =	wrdreg $0xFFFFFFFF  }
0xc3: {  	_ =	task.clear_ibuf [dreg:s7], $0x2FFFF;
	_ =	strace $0x9FFFFFFF  }
0xc4: {  	(tm) =	ssettm $0x7FFFFFFF  }
0xc5: {  	_ =	shalt  }
tec
execute0_lowered:
.L_overlay_start_1:
0x0: {  	(tag) =	ssettag $0x1  }
0x1: {  	s0 =	rddreg [dreg:$0x0]  }
0x2: {  	s3 =	rddreg [dreg:$0x1]  }
0x3: {  	s1 =	rddreg [dreg:$0x2]  }
0x4: {  	s2 =	rddreg [dreg:$0x3]  }
0x5: {  	s4 =	srdreg.scid;
	s10 =	stileid.u32;
	s14 =	simm.s32 $0x300  }
0x6: {  	s15 =	simm.s32 $0x9;
	s16 =	simm.s32 $0x80;
	s17 =	simm.s32 $0x280  }
0x7: {  	s18 =	simm.s32 $0x100;
	s19 =	simm.s32 $0x180;
	s20 =	simm.s32 $0x5  }
0x8: {  	s21 =	simm.s32 $0x7;
	s22 =	simm.s32 $0x1;
	s28 =	simm.s32 $0x2  }
0x9: {  	s29 =	simm.s32 $0x4;
	s30 =	simm.s32 $0x20;
	s7 =	smul.u32 $0x500, s10  }
0xa: {  	s31 =	simm.s32 $0x10;
	s5 =	sand.u32 $0x1, s4;
	s8 =	smul.u32 $0x5000, s10  }
0xb: {  	s4 =	simm.s32 $0x0;
	s12 =	sadd.s32 $0x2800, s3;
	s6 =	smul.u32 $0x5000, s5  }
0xc: {  	[smem:$0x7FF] =	sst s4;
	s23 =	ssub.s32 $0x2, s5;
	s5 =	smul.u32 $0x2800, s5  }
0xd: {  	s10 =	smul.u32 $0x280, s10;
	_ =	strace $0x80000047;
	s9 =	sshrl.u32 s23, $0x1  }
0xe: {  	s6 =	sadd.s32 s7, s6;
	s9 =	ssub.s32 s23, s9;
	s11 =	sadd.s32 s5, s8  }
0xf: {  	s5 =	sadd.s32 s10, s1;
	s23 =	simm.s32 $0x200;
	s6 =	sshrl.u32 s6, $0x3  }
0x10: {  	s24 =	sor.u32 $0x80, s11;
	s9 =	smax.u32 s9, $0x1;
	s13 =	sshrl.u32 s11, $0x3  }
0x11: {  	s3 =	sadd.s32 s6, s3;
	s6 =	sadd.s32 s10, s2;
	s26 =	sshrl.u32 s24, $0x3  }
0x12: {  	s24 =	simm.s32 $0x3;
	s25 =	sadd.s32 $0xC800, s3;
	s3 =	sadd.s32 $0xC810, s3  }
0x13: {  	s10 =	sadd.s32 s26, s12;
	s11 =	sadd.s32 s26, s0;
	s12 =	sadd.s32 s13, s12  }
0x14: {  	s13 =	sadd.s32 s13, s0;
	s26 =	simm.s32 $0x8;
	[dreg:$0x5] =	wrdreg s25  }
0x15: {  	v0 =	vimm.f32 $1.000000000e+00;
	v1 =	vimm.f32 $0.0e+00;
	v2 =	vimm.s32 $0x0;
	s0 =	simm.s32 $0x0;
	[dreg:$0x6] =	wrdreg s3;
	s25 =	simm.s32 $0x6  }
.LBB2_1:
0x16: {  	[tilespmem:$0x200] =	vst v0  }
0x17: {  	[tilespmem:$0x280] =	vst v1  }
0x18: {  	[tilespmem:$0x0] =	vst v2  }
0x19: {  	[tilespmem:$0x80] =	vst v2  }
0x1a: {  	[tilespmem:$0x100] =	vst v2  }
0x1b: {  	[tilespmem:$0x180] =	vst v2  }
0x1c: {  	[tilespmem:$0x210] =	vst v0  }
0x1d: {  	[tilespmem:$0x290] =	vst v1  }
0x1e: {  	[tilespmem:$0x10] =	vst v2  }
0x1f: {  	[tilespmem:$0x90] =	vst v2  }
0x20: {  	[tilespmem:$0x110] =	vst v2  }
0x21: {  	[tilespmem:$0x190] =	vst v2  }
0x22: {  	[tilespmem:$0x220] =	vst v0  }
0x23: {  	[tilespmem:$0x2A0] =	vst v1  }
0x24: {  	[tilespmem:$0x20] =	vst v2  }
0x25: {  	[tilespmem:$0xA0] =	vst v2  }
0x26: {  	[tilespmem:$0x120] =	vst v2  }
0x27: {  	[tilespmem:$0x1A0] =	vst v2  }
0x28: {  	[tilespmem:$0x230] =	vst v0  }
0x29: {  	[tilespmem:$0x2B0] =	vst v1  }
0x2a: {  	[tilespmem:$0x30] =	vst v2  }
0x2b: {  	[tilespmem:$0xB0] =	vst v2  }
0x2c: {  	[tilespmem:$0x130] =	vst v2  }
0x2d: {  	[tilespmem:$0x1B0] =	vst v2  }
0x2e: {  	[tilespmem:$0x240] =	vst v0  }
0x2f: {  	[tilespmem:$0x2C0] =	vst v1  }
0x30: {  	[tilespmem:$0x40] =	vst v2  }
0x31: {  	[tilespmem:$0xC0] =	vst v2  }
0x32: {  	[tilespmem:$0x140] =	vst v2  }
0x33: {  	[tilespmem:$0x1C0] =	vst v2  }
0x34: {  	[tilespmem:$0x250] =	vst v0  }
0x35: {  	[tilespmem:$0x2D0] =	vst v1  }
0x36: {  	[tilespmem:$0x50] =	vst v2  }
0x37: {  	[tilespmem:$0xD0] =	vst v2  }
0x38: {  	[tilespmem:$0x150] =	vst v2  }
0x39: {  	[tilespmem:$0x1D0] =	vst v2  }
0x3a: {  	[tilespmem:$0x260] =	vst v0  }
0x3b: {  	[tilespmem:$0x2E0] =	vst v1  }
0x3c: {  	[tilespmem:$0x60] =	vst v2  }
0x3d: {  	[tilespmem:$0xE0] =	vst v2  }
0x3e: {  	[tilespmem:$0x160] =	vst v2  }
0x3f: {  	[tilespmem:$0x1E0] =	vst v2  }
0x40: {  	[tilespmem:$0x270] =	vst v0  }
0x41: {  	[tilespmem:$0x2F0] =	vst v1  }
0x42: {  	[tilespmem:$0x70] =	vst v2  }
0x43: {  	[tilespmem:$0xF0] =	vst v2  }
0x44: {  	[tilespmem:$0x170] =	vst v2  }
0x45: {  	[tilespmem:$0x1F0] =	vst v2  }
0x46: {  	[tilespmem:$0x300] =	vst v1  }
0x47: {  	[tilespmem:$0x310] =	vst v1  }
0x48: {  	[tilespmem:$0x320] =	vst v1  }
0x49: {  	[tilespmem:$0x330] =	vst v1  }
0x4a: {  	[tilespmem:$0x340] =	vst v1  }
0x4b: {  	[tilespmem:$0x350] =	vst v1  }
0x4c: {  	[tilespmem:$0x360] =	vst v1  }
0x4d: {  	[tilespmem:$0x370] =	vst v1  }
0x4e: {  	[tilespmem:$0x380] =	vst v1  }
0x4f: {  	[tilespmem:$0x390] =	vst v1  }
0x50: {  	[tilespmem:$0x3A0] =	vst v1  }
0x51: {  	[tilespmem:$0x3B0] =	vst v1  }
0x52: {  	[tilespmem:$0x3C0] =	vst v1  }
0x53: {  	[tilespmem:$0x3D0] =	vst v1  }
0x54: {  	[tilespmem:$0x3E0] =	vst v1  }
0x55: {  	[tilespmem:$0x3F0] =	vst v1  }
0x56: {  	[tilespmem:$0x400] =	vst v1  }
0x57: {  	[tilespmem:$0x410] =	vst v1  }
0x58: {  	[tilespmem:$0x420] =	vst v1  }
0x59: {  	[tilespmem:$0x430] =	vst v1  }
0x5a: {  	[tilespmem:$0x440] =	vst v1  }
0x5b: {  	[tilespmem:$0x450] =	vst v1  }
0x5c: {  	[tilespmem:$0x460] =	vst v1  }
0x5d: {  	[tilespmem:$0x470] =	vst v1  }
0x5e: {  	[tilespmem:$0x480] =	vst v1  }
0x5f: {  	[tilespmem:$0x490] =	vst v1  }
0x60: {  	[tilespmem:$0x4A0] =	vst v1  }
0x61: {  	[tilespmem:$0x4B0] =	vst v1  }
0x62: {  	[tilespmem:$0x4C0] =	vst v1  }
0x63: {  	[tilespmem:$0x4D0] =	vst v1  }
0x64: {  	[tilespmem:$0x4E0] =	vst v1  }
0x65: {  	[tilespmem:$0x4F0] =	vst v1  }
0x66: {  	[tilespmem:$0x500] =	vst v1  }
0x67: {  	[tilespmem:$0x510] =	vst v1  }
0x68: {  	[tilespmem:$0x520] =	vst v1  }
0x69: {  	[tilespmem:$0x530] =	vst v1  }
0x6a: {  	[tilespmem:$0x540] =	vst v1  }
0x6b: {  	[tilespmem:$0x550] =	vst v1  }
0x6c: {  	[tilespmem:$0x560] =	vst v1  }
0x6d: {  	[tilespmem:$0x570] =	vst v1  }
0x6e: {  	[spmem:s5] =	stream.linear.scatter [tilespmem:s14], [sflag:$0x9], $0x280, $0x38;
	[tilespmem:$0xA80] =	vst v63  }
0x6f: {  	_ =	swait.ge [sflag:s15], $0x280  }
0x70: {  	[sflag:s15] =	ssyncset.done $0x0  }
0x71: {  	[sflag:s15] =	ssyncadd.s32 $0xFFFFFD80  }
0x72: {  	[spmem:s6] =	stream.linear.scatter [tilespmem:s14], [sflag:$0x9], $0x280, $0x38;
	[tilespmem:$0xA80] =	vst v63  }
0x73: {  	_ =	swait.ge [sflag:s15], $0x280  }
0x74: {  	[sflag:s15] =	ssyncset.done $0x0  }
0x75: {  	[sflag:s15] =	ssyncadd.s32 $0xFFFFFD80  }
0x76: {  	[bflag:$0x0] =	sbarrier.arrive $0xFFFF  }
0x77: {  	[spmem:s1] =	stream.indirect.scatter.add.f32 [tilespmem:s17], [sflag:$0x5], $0x1, s4, s16, $0xb8;
	[tilespmem:$0xA80] =	vst v63  }
0x78: {  	_ = 	snop  }
0x79: {  	[spmem:s1] =	stream.indirect.scatter.add.f32 [tilespmem:s17], [sflag:$0x6], $0x1, s16, s16, $0xb8;
	[tilespmem:$0xA80] =	vst v63  }
0x7a: {  	_ = 	snop  }
0x7b: {  	[spmem:s2] =	stream.indirect.scatter.add.f32 [tilespmem:s17], [sflag:$0x7], $0x1, s18, s16, $0xb8;
	[tilespmem:$0xA80] =	vst v63  }
0x7c: {  	_ = 	snop  }
0x7d: {  	[spmem:s2] =	stream.indirect.scatter.add.f32 [tilespmem:s17], [sflag:$0x8], $0x1, s19, s16, $0xb8;
	[tilespmem:$0xA80] =	vst v63  }
0x7e: {  	_ =	swait.ge [sflag:s20], $0x80  }
0x7f: {  	[sflag:s20] =	ssyncset.done $0x0  }
0x80: {  	s3 =	sadd.s32 $0x0, s13;
	[sflag:s20] =	ssyncadd.s32 $0xFFFFFF80  }
0x81: {  	[tilespmem:s4], [sflag:$0x1] =	stream.linear.gather [hbm4b:s3+s4], $0x80, $0x38;
	[tilespmem:$0xA80] =	vst v63  }
0x82: {  	_ =	swait.ge [sflag:s21], $0x80  }
0x83: {  	[sflag:s21] =	ssyncset.done $0x0  }
0x84: {  	s8 =	sadd.s32 $0x0, s12;
	[sflag:s21] =	ssyncadd.s32 $0xFFFFFF80  }
0x85: {  	[tilespmem:s18], [sflag:$0x3] =	stream.linear.gather [hbm4b:s8+s4], $0x80, $0x38;
	[tilespmem:$0xA80] =	vst v63  }
0x86: {  	_ =	swait.ge [sflag:s22], $0x80  }
0x87: {  	[sflag:s22] =	ssyncset.done $0x0  }
0x88: {  	[sflag:s22] =	ssyncadd.s32 $0xFFFFFF80  }
0x89: {  	[spmem:s1] =	stream.indirect.scatter.add.f32 [tilespmem:s23], [sflag:$0x5], $0x1, s4, s16, $0xb8;
	[tilespmem:$0xA80] =	vst v63  }
0x8a: {  	_ =	swait.ge [sflag:s24], $0x80  }
0x8b: {  	[sflag:s24] =	ssyncset.done $0x0  }
0x8c: {  	[sflag:s24] =	ssyncadd.s32 $0xFFFFFF80  }
0x8d: {  	[spmem:s2] =	stream.indirect.scatter.add.f32 [tilespmem:s23], [sflag:$0x7], $0x1, s18, s16, $0xb8;
	[tilespmem:$0xA80] =	vst v63  }
0x8e: {  	_ =	swait.ge [sflag:s25], $0x80  }
0x8f: {  	[sflag:s25] =	ssyncset.done $0x0  }
0x90: {  	s7 =	sadd.s32 $0x0, s11;
	[sflag:s25] =	ssyncadd.s32 $0xFFFFFF80  }
0x91: {  	[tilespmem:s16], [sflag:$0x2] =	stream.linear.gather [hbm4b:s7+s4], $0x80, $0x38;
	[tilespmem:$0xA80] =	vst v63  }
0x92: {  	_ =	swait.ge [sflag:s26], $0x80  }
0x93: {  	[sflag:s26] =	ssyncset.done $0x0  }
0x94: {  	s8 =	sadd.s32 $0x0, s10;
	[sflag:s26] =	ssyncadd.s32 $0xFFFFFF80  }
0x95: {  	[tilespmem:s19], [sflag:$0x4] =	stream.linear.gather [hbm4b:s8+s4], $0x80, $0x38;
	[tilespmem:$0xA80] =	vst v63  }
0x96: {  	_ =	swait.ge [sflag:s28], $0x80  }
0x97: {  	[sflag:s28] =	ssyncset.done $0x0  }
0x98: {  	[sflag:s28] =	ssyncadd.s32 $0xFFFFFF80  }
0x99: {  	[spmem:s1] =	stream.indirect.scatter.add.f32 [tilespmem:s23], [sflag:$0x6], $0x1, s16, s16, $0xb8;
	[tilespmem:$0xA80] =	vst v63  }
0x9a: {  	_ =	swait.ge [sflag:s29], $0x80  }
0x9b: {  	[sflag:s29] =	ssyncset.done $0x0  }
0x9c: {  	s3 =	simm.s32 $0x20;
	[sflag:s29] =	ssyncadd.s32 $0xFFFFFF80  }
.LBB2_2:
0x9d: {  	[spmem:s2] =	stream.indirect.scatter.add.f32 [tilespmem:s23], [sflag:$0x8], $0x1, s19, s16, $0xb8;
	[tilespmem:$0xA80] =	vst v63  }
0x9e: {  	s7 =	smov.u32 s3  }
0x9f: {  	p0 =	sne.s32 s3, $0x4E0;
	s3 =	sadd.s32 $0x20, s3;
	_ =	swait.ge [sflag:s20], $0x80  }
0xa0: {  	[sflag:s20] =	ssyncset.done $0x0  }
0xa1: {  	s8 =	sadd.s32 s7, s13;
	[sflag:s20] =	ssyncadd.s32 $0xFFFFFF80  }
0xa2: {  	[tilespmem:s4], [sflag:$0x1] =	stream.linear.gather [hbm4b:s8+s4], $0x80, $0x38;
	[tilespmem:$0xA80] =	vst v63  }
0xa3: {  	_ =	swait.ge [sflag:s21], $0x80  }
0xa4: {  	[sflag:s21] =	ssyncset.done $0x0  }
0xa5: {  	s8 =	sadd.s32 s7, s12;
	[sflag:s21] =	ssyncadd.s32 $0xFFFFFF80  }
0xa6: {  	[tilespmem:s18], [sflag:$0x3] =	stream.linear.gather [hbm4b:s8+s4], $0x80, $0x38;
	[tilespmem:$0xA80] =	vst v63  }
0xa7: {  	_ =	swait.ge [sflag:s22], $0x80  }
0xa8: {  	[sflag:s22] =	ssyncset.done $0x0  }
0xa9: {  	[sflag:s22] =	ssyncadd.s32 $0xFFFFFF80  }
0xaa: {  	[spmem:s1] =	stream.indirect.scatter.add.f32 [tilespmem:s23], [sflag:$0x5], $0x1, s4, s16, $0xb8;
	[tilespmem:$0xA80] =	vst v63  }
0xab: {  	_ =	swait.ge [sflag:s24], $0x80  }
0xac: {  	[sflag:s24] =	ssyncset.done $0x0  }
0xad: {  	[sflag:s24] =	ssyncadd.s32 $0xFFFFFF80  }
0xae: {  	[spmem:s2] =	stream.indirect.scatter.add.f32 [tilespmem:s23], [sflag:$0x7], $0x1, s18, s16, $0xb8;
	[tilespmem:$0xA80] =	vst v63  }
0xaf: {  	_ =	swait.ge [sflag:s25], $0x80  }
0xb0: {  	[sflag:s25] =	ssyncset.done $0x0  }
0xb1: {  	s8 =	sadd.s32 s7, s11;
	[sflag:s25] =	ssyncadd.s32 $0xFFFFFF80  }
0xb2: {  	[tilespmem:s16], [sflag:$0x2] =	stream.linear.gather [hbm4b:s8+s4], $0x80, $0x38;
	[tilespmem:$0xA80] =	vst v63  }
0xb3: {  	_ =	swait.ge [sflag:s26], $0x80  }
0xb4: {  	[sflag:s26] =	ssyncset.done $0x0  }
0xb5: {  	s7 =	sadd.s32 s7, s10;
	[sflag:s26] =	ssyncadd.s32 $0xFFFFFF80  }
0xb6: {  	[tilespmem:s19], [sflag:$0x4] =	stream.linear.gather [hbm4b:s7+s4], $0x80, $0x38;
	[tilespmem:$0xA80] =	vst v63  }
0xb7: {  	_ =	swait.ge [sflag:s28], $0x80  }
0xb8: {  	[sflag:s28] =	ssyncset.done $0x0  }
.Ltmp0:
0xb9: {  	[sflag:s28] =	ssyncadd.s32 $0xFFFFFF80;
	(pc) =	sbr.rel @p0 .LBB2_2-.Ltmp0, $4  }
0xba: {  	[spmem:s1] =	stream.indirect.scatter.add.f32 [tilespmem:s23], [sflag:$0x6], $0x1, s16, s16, $0xb8;
	[tilespmem:$0xA80] =	vst v63  }
0xbb: {  	_ =	swait.ge [sflag:s29], $0x80  }
0xbc: {  	[sflag:s29] =	ssyncset.done $0x0  }
0xbd: {  	[sflag:s29] =	ssyncadd.s32 $0xFFFFFF80  }
0xbe: {  	[spmem:s2] =	stream.indirect.scatter.add.f32 [tilespmem:s23], [sflag:$0x8], $0x1, s19, s16, $0xb8;
	[tilespmem:$0xA80] =	vst v63  }
0xbf: {  	_ =	swait.ge [sflag:s20], $0x80  }
0xc0: {  	[sflag:s20] =	ssyncset.done $0x0  }
0xc1: {  	[sflag:s20] =	ssyncadd.s32 $0xFFFFFF80  }
0xc2: {  	_ =	swait.ge [sflag:s25], $0x80  }
0xc3: {  	[sflag:s25] =	ssyncset.done $0x0  }
0xc4: {  	[sflag:s25] =	ssyncadd.s32 $0xFFFFFF80  }
0xc5: {  	_ =	swait.ge [sflag:s21], $0x80  }
0xc6: {  	[sflag:s21] =	ssyncset.done $0x0  }
0xc7: {  	[sflag:s21] =	ssyncadd.s32 $0xFFFFFF80  }
0xc8: {  	_ =	swait.ge [sflag:s26], $0x80  }
0xc9: {  	[sflag:s26] =	ssyncset.done $0x0  }
0xca: {  	s3 =	stileid.u32;
	[sflag:s26] =	ssyncadd.s32 $0xFFFFFF80  }
0xcb: {  	s3 =	sshll.u32 s3, $0x6;
	[bflag:$0x0] =	sbarrier.arrive $0xFFFF  }
0xcc: {  	s7 =	sshrl.u32 s5, $0x3;
	s3 =	sor.u32 $0x1C09, s3;
	s8 =	rddreg [dreg:$0x5]  }
0xcd: {  	[hbm:s8@s30], [sflag:s3] =	dma.strided [spmem:s7@s31], $0x50, s22, $0x10   }
0xce: {  	s0 =	sadd.s32 $0x1, s0;
	_ =	swait.ge [sflag:s15], $0x50  }
0xcf: {  	p0 =	sne.s32 s0, s9;
	s7 =	sshrl.u32 s6, $0x3;
	[sflag:s15] =	ssyncset.done $0x0  }
.Ltmp1:
0xd0: {  	s8 =	rddreg [dreg:$0x6];
	[sflag:s15] =	ssyncadd.s32 $0xFFFFFFB0;
	(pc) =	sbr.rel @p0 .LBB2_1-.Ltmp1, $4  }
0xd1: {  	[hbm:s8@s30], [sflag:s3] =	dma.strided [spmem:s7@s31], $0x50, s22, $0x10   }
0xd2: {  	_ =	swait.ge [sflag:s15], $0x50  }
0xd3: {  	[sflag:s15] =	ssyncset.done $0x0  }
0xd4: {  	[sflag:s15] =	ssyncadd.s32 $0xFFFFFFB0  }
0xd5: {  	_ =	sfence.sel $0x180000  }
0xd6: {  	[bflag:$0x0] =	sbarrier.arrive $0xFFFF  }
0xd7: {  	_ =	strace $0x90000047  }
0xd8: {  	s0 =	stileid.u32;
	[bflag:$0x2] =	sbarrier.arrive $0xFFFF  }
0xd9: {  	p0 =	sne.s32 s0, $0x0;
	s0 =	rddreg [dreg:$0x4]  }
0xda: {  	s0 =	sadd.s32 @!p0 $0x100000, s0  }
0xdb: {  	[sflag:s0] =	ssyncadd.tile.s32 @!p0 $0x1;
	_ =	shalt  }
.Lfunc_end2:
_tile_overlayer_lowered:
.L_overlay_start_2:
0xdc: {  	(tag) =	ssettag $0x2  }
0xdd: {  	s0 =	rddreg [dreg:$0x0];
	s2 =	stileid.u32  }
0xde: {  	s1 =	rddreg [dreg:$0x1];
	p0 =	sne.s32 s2, $0x0  }
0xdf: {  	s3 =	rddreg [dreg:$0x2];
	[bflag:$0x3] =	sbarrier.arrive $0xFFFF;
	s2 =	simm.s32 @!p0 $0x1C09  }
0xe0: {  	[timem:s3], [sflag:s2] =	dma.local @!p0 [hbm:s0], s1  }
0xe1: {  	s0 =	simm.s32 @!p0 $0x9  }
0xe2: {  	_ =	swait.ge @!p0 [sflag:s0], s1  }
0xe3: {  	s1 =	ssub.s32 @!p0 $0x0, s1;
	[sflag:s0] =	ssyncset.done @!p0 $0x0  }
0xe4: {  	[sflag:s0] =	ssyncadd.s32 @!p0 s1  }
0xe5: {  	[bflag:$0x3] =	sbarrier.arrive $0xFFFF  }
0xe6: {  	_ =	shalt  }

</sc_bundles>
